<compile_context>
chip_gen: v7x
topology: tpu7x:2x2x1
jax: 0.10.2.dev20260603
libtpu: 0.0.44.dev20260713+nightly
codegen_flags: <defaults>
</compile_context>

<pallas_src>
import functools
import math

import jax
import jax.numpy as jnp
import numpy as np
from jax import lax
from jax.experimental import pallas as pl
from jax.experimental.pallas import tpu as pltpu
from jax.experimental.pallas import tpu_sc as plsc

EMB = 1024
HALF = EMB // 2
NC = 2
NS = 16
NW = NC * NS
CHUNK = 64


@functools.lru_cache(maxsize=None)
def _angle_factors(seq_len):
    scale = math.log(10000) / (HALF - 1)
    freqs = np.exp(np.arange(HALF, dtype=np.float64) * -scale)
    a = np.arange(0, seq_len, 64, dtype=np.float64)
    b = np.arange(1, 65, dtype=np.float64)
    sa = np.sin(a[:, None] * freqs[None, :])
    ca = np.cos(a[:, None] * freqs[None, :])
    sb = np.sin(b[:, None] * freqs[None, :])
    cb = np.cos(b[:, None] * freqs[None, :])
    f32 = lambda m: m.astype(np.float32)
    sa2 = f32(np.concatenate([sa, sa], axis=1))
    ca2 = f32(np.concatenate([ca, ca], axis=1))
    xx = f32(np.concatenate([cb, -sb], axis=1))
    yy = f32(np.concatenate([sb, cb], axis=1))
    return sa2, ca2, xx, yy


def _pos_table(seq_len):
    sa2, ca2, xx, yy = (jnp.asarray(m) for m in _angle_factors(seq_len))
    tab = (sa2[:, None, :] * xx[None, :, :]
           + ca2[:, None, :] * yy[None, :, :])
    return tab.reshape(seq_len, EMB)


@functools.lru_cache(maxsize=None)
def _row0_rep():
    row0 = np.concatenate(
        [np.zeros((HALF,), np.float32), np.ones((HALF,), np.float32)])
    return np.tile(row0[None, :], (16, 1))


def _make_sc_kernel(batch, seq_len):
    rows_per_w = seq_len // NW
    n_chunks = rows_per_w // CHUNK
    mesh = plsc.VectorSubcoreMesh(core_axis_name="c", subcore_axis_name="s")

    def body(x_hbm, table_hbm, row0_hbm, out_hbm, x_v, row0_v, buf0,
             sg0, ss0, sem_aux):
        cid = lax.axis_index("c")
        sid = lax.axis_index("s")
        w = sid * NC + cid
        base = w * rows_per_w

        def g_desc(ci, buf, sem):
            return pltpu.make_async_copy(
                table_hbm.at[pl.ds(base + ci * CHUNK, CHUNK)], buf, sem)

        def s_desc(ci, b, buf, sem):
            return pltpu.make_async_copy(
                buf, out_hbm.at[b, pl.ds(base + ci * CHUNK, CHUNK)], sem)

        def aux_descs():
            descs = [pltpu.make_async_copy(row0_hbm, row0_v, sem_aux)]
            for b in range(batch):
                descs.append(pltpu.make_async_copy(
                    x_hbm.at[b, pl.ds(base, rows_per_w)], x_v.at[b],
                    sem_aux))
            return descs

        def fixups(ci):
            s0 = base + ci * CHUNK
            for b in range(batch):
                for j in range(CHUNK // 16):
                    xvec = x_v[b, pl.ds(ci * CHUNK + j * 16, 16)]
                    m = xvec == 0
                    npad = plsc.all_reduce_population_count(m)[0]

                    @pl.when(npad > 0)
                    def _fix():
                        g0 = s0 + j * 16
                        p = g0 + lax.iota(jnp.int32, 16)
                        first = plsc.all_reduce_ffs(m)
                        idx = jnp.where(m, p, g0 + first)
                        pltpu.async_copy(row0_v, out_hbm.at[b].at[idx],
                                         sem_aux).wait()

        for d in aux_descs():
            d.start()
        g_desc(0, buf0, sg0).start()
        for d in aux_descs():
            d.wait()

        for ci in range(n_chunks):
            g_desc(ci, buf0, sg0).wait()
            for b in range(batch):
                s_desc(ci, b, buf0, ss0).start()
            for b in range(batch):
                s_desc(ci, b, buf0, ss0).wait()
            if ci + 1 < n_chunks:
                g_desc(ci + 1, buf0, sg0).start()

        def fix_step(ci, carry):
            fixups(ci)
            return carry

        lax.fori_loop(0, n_chunks, fix_step, 0)

    return pl.kernel(
        body,
        mesh=mesh,
        compiler_params=pltpu.CompilerParams(needs_layout_passes=False),
        out_type=jax.ShapeDtypeStruct((batch, seq_len, EMB), jnp.float32),
        scratch_types=[
            pltpu.VMEM((batch, rows_per_w), jnp.int32),
            pltpu.VMEM((16, EMB), jnp.float32),
            pltpu.VMEM((CHUNK, EMB), jnp.float32),
            pltpu.SemaphoreType.DMA,
            pltpu.SemaphoreType.DMA,
            pltpu.SemaphoreType.DMA,
        ],
    )


def kernel(x):
    batch, seq_len = x.shape
    table = _pos_table(seq_len)
    row0 = _row0_rep()
    return _make_sc_kernel(batch, seq_len)(x, table, row0)

# --- scband reference (transcript-rebuilt; emitter-appended) ---
"""Pipeline reference for scband-constant-positional-embedding-26568667693568 (READ-ONLY COPY).

The authoritative reference and input builder live on the scoring server;
editing this copy changes nothing except your own understanding.
"""

import jax, jax.numpy as jnp
import numpy as np
import math

EMBEDDING_DIM = 1024
PADDING_IDX = 0


def get_embedding(seq_len, embedding_dim):
    # faithful port of ConstantPositionalEmbedding.get_embedding
    seq_len = seq_len + 1
    half_dim = embedding_dim // 2
    scale = math.log(10000) / (half_dim - 1)
    freqs = jnp.exp(jnp.arange(half_dim, dtype=jnp.float32) * -scale)
    ang = jnp.arange(seq_len, dtype=jnp.float32)[:, None] * freqs[None, :]
    emb = jnp.concatenate([jnp.sin(ang), jnp.cos(ang)], axis=1).reshape(seq_len, -1)
    if embedding_dim % 2:
        emb = jnp.concatenate([emb, jnp.zeros((seq_len, 1), dtype=jnp.float32)], axis=1)
    return emb


def setup_inputs(seed: int = 0) -> dict:
    key = jax.random.key(seed)
    x = jax.random.randint(key, (4, 8192), 0, 32000, dtype=jnp.int32)
    return {"x": x}


def reference(x) -> jnp.ndarray:
    batch_size, seq_len = x.shape
    table = get_embedding(seq_len, EMBEDDING_DIM)  # [seq_len+1, d]
    content_mask = (x != PADDING_IDX).astype(jnp.int32)
    positions = content_mask * jnp.arange(1, seq_len + 1, dtype=jnp.int32)[None, :]
    # gather: positions==0 (padding) selects row 0 of the table
    out = jnp.take(table, positions.reshape(-1), axis=0)
    return out.reshape(batch_size, seq_len, -1)

if __name__ == "__main__":
    import jax
    _d = setup_inputs()
    print(jax.jit(kernel)(*tuple(_d.values())))

</pallas_src>

<mosaic_0001>
#map = affine_map<(d0, d1) -> (0, 0)>
#map1 = affine_map<(d0, d1) -> (0, 0, 0)>
module attributes {stable_mosaic.version = 14 : i64} {
  func.func @body(%arg0: i32, %arg1: i32, %arg2: memref<4x8192xi32, #tpu.memory_space<hbm>>, %arg3: memref<8192x1024xf32, #tpu.memory_space<hbm>>, %arg4: memref<16x1024xf32, #tpu.memory_space<hbm>>, %arg5: memref<4x8192x1024xf32, #tpu.memory_space<hbm>>, %arg6: memref<4x256xi32, #tpu.memory_space<vmem>>, %arg7: memref<16x1024xf32, #tpu.memory_space<vmem>>, %arg8: memref<64x1024xf32, #tpu.memory_space<vmem>>, %arg9: memref<!tpu.dma_semaphore, #tpu.memory_space<semaphore_mem>>, %arg10: memref<!tpu.dma_semaphore, #tpu.memory_space<semaphore_mem>>, %arg11: memref<!tpu.dma_semaphore, #tpu.memory_space<semaphore_mem>>) attributes {dimension_semantics = [#tpu.dimension_semantics<core_parallel>, #tpu.dimension_semantics<subcore_parallel>], iteration_bounds = array<i64: 2, 16>, scalar_prefetch = 0 : i64, scratch_operands = 6 : i64, tpu.core_type = #tpu.core_type<sc_vector_subcore>, window_params = [{transform_indices = #map}, {transform_indices = #map}, {transform_indices = #map}, {transform_indices = #map1}]} {
    %mul3A = arith.constant 2 : i32
    %mul3A_0 = arith.muli %arg1, %mul3A : i32
    %add3A = arith.addi %mul3A_0, %arg0 : i32
    %mul3A_1 = arith.constant 256 : i32
    %mul3A_2 = arith.muli %add3A, %mul3A_1 : i32
    tpu.enqueue_dma source(%arg4 : memref<16x1024xf32, #tpu.memory_space<hbm>>) target(%arg7 : memref<16x1024xf32, #tpu.memory_space<vmem>>) target_semaphore(%arg11 : memref<!tpu.dma_semaphore, #tpu.memory_space<semaphore_mem>>)
    %dma_start3A = arith.constant 0 : i32
    %dma_start3A_3 = arith.constant 0 : i32
    %dma_start3A_4 = arith.constant 0 : i32
    %dma_start3A_5 = tpu.memref_slice %arg6[%dma_start3A_3, %dma_start3A_4] : memref<4x256xi32, #tpu.memory_space<vmem>> -> memref<1x256xi32, #tpu.memory_space<vmem>>
    %dma_start3A_6 = tpu.memref_squeeze %dma_start3A_5 : memref<1x256xi32, #tpu.memory_space<vmem>> -> memref<256xi32, #tpu.memory_space<vmem>>
    %dma_start3A_7 = tpu.memref_slice %arg2[%dma_start3A, %mul3A_2] : memref<4x8192xi32, #tpu.memory_space<hbm>> -> memref<1x256xi32, #tpu.memory_space<hbm>>
    %dma_start3A_8 = tpu.memref_squeeze %dma_start3A_7 : memref<1x256xi32, #tpu.memory_space<hbm>> -> memref<256xi32, #tpu.memory_space<hbm>>
    %dma_start3A_9 = arith.constant 0 : i32
    %dma_start3A_10 = tpu.memref_slice %arg6[%dma_start3A_3, %dma_start3A_9] : memref<4x256xi32, #tpu.memory_space<vmem>> -> memref<1x256xi32, #tpu.memory_space<vmem>>
    %dma_start3A_11 = tpu.memref_squeeze %dma_start3A_10 : memref<1x256xi32, #tpu.memory_space<vmem>> -> memref<256xi32, #tpu.memory_space<vmem>>
    %dma_start3A_12 = tpu.memref_slice %arg2[%dma_start3A, %mul3A_2] : memref<4x8192xi32, #tpu.memory_space<hbm>> -> memref<1x256xi32, #tpu.memory_space<hbm>>
    %dma_start3A_13 = tpu.memref_squeeze %dma_start3A_12 : memref<1x256xi32, #tpu.memory_space<hbm>> -> memref<256xi32, #tpu.memory_space<hbm>>
    tpu.enqueue_dma source(%dma_start3A_13 : memref<256xi32, #tpu.memory_space<hbm>>) target(%dma_start3A_11 : memref<256xi32, #tpu.memory_space<vmem>>) target_semaphore(%arg11 : memref<!tpu.dma_semaphore, #tpu.memory_space<semaphore_mem>>)
    %dma_start3A_14 = arith.constant 1 : i32
    %dma_start3A_15 = arith.constant 1 : i32
    %dma_start3A_16 = arith.constant 0 : i32
    %dma_start3A_17 = tpu.memref_slice %arg6[%dma_start3A_15, %dma_start3A_16] : memref<4x256xi32, #tpu.memory_space<vmem>> -> memref<1x256xi32, #tpu.memory_space<vmem>>
    %dma_start3A_18 = tpu.memref_squeeze %dma_start3A_17 : memref<1x256xi32, #tpu.memory_space<vmem>> -> memref<256xi32, #tpu.memory_space<vmem>>
    %dma_start3A_19 = tpu.memref_slice %arg2[%dma_start3A_14, %mul3A_2] : memref<4x8192xi32, #tpu.memory_space<hbm>> -> memref<1x256xi32, #tpu.memory_space<hbm>>
    %dma_start3A_20 = tpu.memref_squeeze %dma_start3A_19 : memref<1x256xi32, #tpu.memory_space<hbm>> -> memref<256xi32, #tpu.memory_space<hbm>>
    %dma_start3A_21 = arith.constant 0 : i32
    %dma_start3A_22 = tpu.memref_slice %arg6[%dma_start3A_15, %dma_start3A_21] : memref<4x256xi32, #tpu.memory_space<vmem>> -> memref<1x256xi32, #tpu.memory_space<vmem>>
    %dma_start3A_23 = tpu.memref_squeeze %dma_start3A_22 : memref<1x256xi32, #tpu.memory_space<vmem>> -> memref<256xi32, #tpu.memory_space<vmem>>
    %dma_start3A_24 = tpu.memref_slice %arg2[%dma_start3A_14, %mul3A_2] : memref<4x8192xi32, #tpu.memory_space<hbm>> -> memref<1x256xi32, #tpu.memory_space<hbm>>
    %dma_start3A_25 = tpu.memref_squeeze %dma_start3A_24 : memref<1x256xi32, #tpu.memory_space<hbm>> -> memref<256xi32, #tpu.memory_space<hbm>>
    tpu.enqueue_dma source(%dma_start3A_25 : memref<256xi32, #tpu.memory_space<hbm>>) target(%dma_start3A_23 : memref<256xi32, #tpu.memory_space<vmem>>) target_semaphore(%arg11 : memref<!tpu.dma_semaphore, #tpu.memory_space<semaphore_mem>>)
    %dma_start3A_26 = arith.constant 2 : i32
    %dma_start3A_27 = arith.constant 2 : i32
    %dma_start3A_28 = arith.constant 0 : i32
    %dma_start3A_29 = tpu.memref_slice %arg6[%dma_start3A_27, %dma_start3A_28] : memref<4x256xi32, #tpu.memory_space<vmem>> -> memref<1x256xi32, #tpu.memory_space<vmem>>
    %dma_start3A_30 = tpu.memref_squeeze %dma_start3A_29 : memref<1x256xi32, #tpu.memory_space<vmem>> -> memref<256xi32, #tpu.memory_space<vmem>>
    %dma_start3A_31 = tpu.memref_slice %arg2[%dma_start3A_26, %mul3A_2] : memref<4x8192xi32, #tpu.memory_space<hbm>> -> memref<1x256xi32, #tpu.memory_space<hbm>>
    %dma_start3A_32 = tpu.memref_squeeze %dma_start3A_31 : memref<1x256xi32, #tpu.memory_space<hbm>> -> memref<256xi32, #tpu.memory_space<hbm>>
    %dma_start3A_33 = arith.constant 0 : i32
    %dma_start3A_34 = tpu.memref_slice %arg6[%dma_start3A_27, %dma_start3A_33] : memref<4x256xi32, #tpu.memory_space<vmem>> -> memref<1x256xi32, #tpu.memory_space<vmem>>
    %dma_start3A_35 = tpu.memref_squeeze %dma_start3A_34 : memref<1x256xi32, #tpu.memory_space<vmem>> -> memref<256xi32, #tpu.memory_space<vmem>>
    %dma_start3A_36 = tpu.memref_slice %arg2[%dma_start3A_26, %mul3A_2] : memref<4x8192xi32, #tpu.memory_space<hbm>> -> memref<1x256xi32, #tpu.memory_space<hbm>>
    %dma_start3A_37 = tpu.memref_squeeze %dma_start3A_36 : memref<1x256xi32, #tpu.memory_space<hbm>> -> memref<256xi32, #tpu.memory_space<hbm>>
    tpu.enqueue_dma source(%dma_start3A_37 : memref<256xi32, #tpu.memory_space<hbm>>) target(%dma_start3A_35 : memref<256xi32, #tpu.memory_space<vmem>>) target_semaphore(%arg11 : memref<!tpu.dma_semaphore, #tpu.memory_space<semaphore_mem>>)
    %dma_start3A_38 = arith.constant 3 : i32
    %dma_start3A_39 = arith.constant 3 : i32
    %dma_start3A_40 = arith.constant 0 : i32
    %dma_start3A_41 = tpu.memref_slice %arg6[%dma_start3A_39, %dma_start3A_40] : memref<4x256xi32, #tpu.memory_space<vmem>> -> memref<1x256xi32, #tpu.memory_space<vmem>>
    %dma_start3A_42 = tpu.memref_squeeze %dma_start3A_41 : memref<1x256xi32, #tpu.memory_space<vmem>> -> memref<256xi32, #tpu.memory_space<vmem>>
    %dma_start3A_43 = tpu.memref_slice %arg2[%dma_start3A_38, %mul3A_2] : memref<4x8192xi32, #tpu.memory_space<hbm>> -> memref<1x256xi32, #tpu.memory_space<hbm>>
    %dma_start3A_44 = tpu.memref_squeeze %dma_start3A_43 : memref<1x256xi32, #tpu.memory_space<hbm>> -> memref<256xi32, #tpu.memory_space<hbm>>
    %dma_start3A_45 = arith.constant 0 : i32
    %dma_start3A_46 = tpu.memref_slice %arg6[%dma_start3A_39, %dma_start3A_45] : memref<4x256xi32, #tpu.memory_space<vmem>> -> memref<1x256xi32, #tpu.memory_space<vmem>>
    %dma_start3A_47 = tpu.memref_squeeze %dma_start3A_46 : memref<1x256xi32, #tpu.memory_space<vmem>> -> memref<256xi32, #tpu.memory_space<vmem>>
    %dma_start3A_48 = tpu.memref_slice %arg2[%dma_start3A_38, %mul3A_2] : memref<4x8192xi32, #tpu.memory_space<hbm>> -> memref<1x256xi32, #tpu.memory_space<hbm>>
    %dma_start3A_49 = tpu.memref_squeeze %dma_start3A_48 : memref<1x256xi32, #tpu.memory_space<hbm>> -> memref<256xi32, #tpu.memory_space<hbm>>
    tpu.enqueue_dma source(%dma_start3A_49 : memref<256xi32, #tpu.memory_space<hbm>>) target(%dma_start3A_47 : memref<256xi32, #tpu.memory_space<vmem>>) target_semaphore(%arg11 : memref<!tpu.dma_semaphore, #tpu.memory_space<semaphore_mem>>)
    %add3A_50 = arith.constant 0 : i32
    %add3A_51 = arith.addi %mul3A_2, %add3A_50 : i32
    %dma_start3A_52 = arith.constant 0 : i32
    %dma_start3A_53 = tpu.memref_slice %arg3[%add3A_51, %dma_start3A_52] : memref<8192x1024xf32, #tpu.memory_space<hbm>> -> memref<64x1024xf32, #tpu.memory_space<hbm>>
    %dma_start3A_54 = arith.constant 0 : i32
    %dma_start3A_55 = tpu.memref_slice %arg3[%add3A_51, %dma_start3A_54] : memref<8192x1024xf32, #tpu.memory_space<hbm>> -> memref<64x1024xf32, #tpu.memory_space<hbm>>
    tpu.enqueue_dma source(%dma_start3A_55 : memref<64x1024xf32, #tpu.memory_space<hbm>>) target(%arg8 : memref<64x1024xf32, #tpu.memory_space<vmem>>) target_semaphore(%arg9 : memref<!tpu.dma_semaphore, #tpu.memory_space<semaphore_mem>>)
    tpu.wait_dma2 semaphore(%arg11 : memref<!tpu.dma_semaphore, #tpu.memory_space<semaphore_mem>>) src(%arg4 : memref<16x1024xf32, #tpu.memory_space<hbm>>) dst(%arg7 : memref<16x1024xf32, #tpu.memory_space<vmem>>)
    %dma_wait3A = arith.constant 0 : i32
    %dma_wait3A_56 = arith.constant 0 : i32
    %dma_wait3A_57 = arith.constant 0 : i32
    %dma_wait3A_58 = tpu.memref_slice %arg6[%dma_wait3A_56, %dma_wait3A_57] : memref<4x256xi32, #tpu.memory_space<vmem>> -> memref<1x256xi32, #tpu.memory_space<vmem>>
    %dma_wait3A_59 = tpu.memref_squeeze %dma_wait3A_58 : memref<1x256xi32, #tpu.memory_space<vmem>> -> memref<256xi32, #tpu.memory_space<vmem>>
    %dma_wait3A_60 = tpu.memref_slice %arg2[%dma_wait3A, %mul3A_2] : memref<4x8192xi32, #tpu.memory_space<hbm>> -> memref<1x256xi32, #tpu.memory_space<hbm>>
    %dma_wait3A_61 = tpu.memref_squeeze %dma_wait3A_60 : memref<1x256xi32, #tpu.memory_space<hbm>> -> memref<256xi32, #tpu.memory_space<hbm>>
    %dma_wait3A_62 = arith.constant 0 : i32
    %dma_wait3A_63 = tpu.memref_slice %arg6[%dma_wait3A_56, %dma_wait3A_62] : memref<4x256xi32, #tpu.memory_space<vmem>> -> memref<1x256xi32, #tpu.memory_space<vmem>>
    %dma_wait3A_64 = tpu.memref_squeeze %dma_wait3A_63 : memref<1x256xi32, #tpu.memory_space<vmem>> -> memref<256xi32, #tpu.memory_space<vmem>>
    %dma_wait3A_65 = tpu.memref_slice %arg2[%dma_wait3A, %mul3A_2] : memref<4x8192xi32, #tpu.memory_space<hbm>> -> memref<1x256xi32, #tpu.memory_space<hbm>>
    %dma_wait3A_66 = tpu.memref_squeeze %dma_wait3A_65 : memref<1x256xi32, #tpu.memory_space<hbm>> -> memref<256xi32, #tpu.memory_space<hbm>>
    tpu.wait_dma2 semaphore(%arg11 : memref<!tpu.dma_semaphore, #tpu.memory_space<semaphore_mem>>) src(%dma_wait3A_66 : memref<256xi32, #tpu.memory_space<hbm>>) dst(%dma_wait3A_64 : memref<256xi32, #tpu.memory_space<vmem>>)
    %dma_wait3A_67 = arith.constant 1 : i32
    %dma_wait3A_68 = arith.constant 1 : i32
    %dma_wait3A_69 = arith.constant 0 : i32
    %dma_wait3A_70 = tpu.memref_slice %arg6[%dma_wait3A_68, %dma_wait3A_69] : memref<4x256xi32, #tpu.memory_space<vmem>> -> memref<1x256xi32, #tpu.memory_space<vmem>>
    %dma_wait3A_71 = tpu.memref_squeeze %dma_wait3A_70 : memref<1x256xi32, #tpu.memory_space<vmem>> -> memref<256xi32, #tpu.memory_space<vmem>>
    %dma_wait3A_72 = tpu.memref_slice %arg2[%dma_wait3A_67, %mul3A_2] : memref<4x8192xi32, #tpu.memory_space<hbm>> -> memref<1x256xi32, #tpu.memory_space<hbm>>
    %dma_wait3A_73 = tpu.memref_squeeze %dma_wait3A_72 : memref<1x256xi32, #tpu.memory_space<hbm>> -> memref<256xi32, #tpu.memory_space<hbm>>
    %dma_wait3A_74 = arith.constant 0 : i32
    %dma_wait3A_75 = tpu.memref_slice %arg6[%dma_wait3A_68, %dma_wait3A_74] : memref<4x256xi32, #tpu.memory_space<vmem>> -> memref<1x256xi32, #tpu.memory_space<vmem>>
    %dma_wait3A_76 = tpu.memref_squeeze %dma_wait3A_75 : memref<1x256xi32, #tpu.memory_space<vmem>> -> memref<256xi32, #tpu.memory_space<vmem>>
    %dma_wait3A_77 = tpu.memref_slice %arg2[%dma_wait3A_67, %mul3A_2] : memref<4x8192xi32, #tpu.memory_space<hbm>> -> memref<1x256xi32, #tpu.memory_space<hbm>>
    %dma_wait3A_78 = tpu.memref_squeeze %dma_wait3A_77 : memref<1x256xi32, #tpu.memory_space<hbm>> -> memref<256xi32, #tpu.memory_space<hbm>>
    tpu.wait_dma2 semaphore(%arg11 : memref<!tpu.dma_semaphore, #tpu.memory_space<semaphore_mem>>) src(%dma_wait3A_78 : memref<256xi32, #tpu.memory_space<hbm>>) dst(%dma_wait3A_76 : memref<256xi32, #tpu.memory_space<vmem>>)
    %dma_wait3A_79 = arith.constant 2 : i32
    %dma_wait3A_80 = arith.constant 2 : i32
    %dma_wait3A_81 = arith.constant 0 : i32
    %dma_wait3A_82 = tpu.memref_slice %arg6[%dma_wait3A_80, %dma_wait3A_81] : memref<4x256xi32, #tpu.memory_space<vmem>> -> memref<1x256xi32, #tpu.memory_space<vmem>>
    %dma_wait3A_83 = tpu.memref_squeeze %dma_wait3A_82 : memref<1x256xi32, #tpu.memory_space<vmem>> -> memref<256xi32, #tpu.memory_space<vmem>>
    %dma_wait3A_84 = tpu.memref_slice %arg2[%dma_wait3A_79, %mul3A_2] : memref<4x8192xi32, #tpu.memory_space<hbm>> -> memref<1x256xi32, #tpu.memory_space<hbm>>
    %dma_wait3A_85 = tpu.memref_squeeze %dma_wait3A_84 : memref<1x256xi32, #tpu.memory_space<hbm>> -> memref<256xi32, #tpu.memory_space<hbm>>
    %dma_wait3A_86 = arith.constant 0 : i32
    %dma_wait3A_87 = tpu.memref_slice %arg6[%dma_wait3A_80, %dma_wait3A_86] : memref<4x256xi32, #tpu.memory_space<vmem>> -> memref<1x256xi32, #tpu.memory_space<vmem>>
    %dma_wait3A_88 = tpu.memref_squeeze %dma_wait3A_87 : memref<1x256xi32, #tpu.memory_space<vmem>> -> memref<256xi32, #tpu.memory_space<vmem>>
    %dma_wait3A_89 = tpu.memref_slice %arg2[%dma_wait3A_79, %mul3A_2] : memref<4x8192xi32, #tpu.memory_space<hbm>> -> memref<1x256xi32, #tpu.memory_space<hbm>>
    %dma_wait3A_90 = tpu.memref_squeeze %dma_wait3A_89 : memref<1x256xi32, #tpu.memory_space<hbm>> -> memref<256xi32, #tpu.memory_space<hbm>>
    tpu.wait_dma2 semaphore(%arg11 : memref<!tpu.dma_semaphore, #tpu.memory_space<semaphore_mem>>) src(%dma_wait3A_90 : memref<256xi32, #tpu.memory_space<hbm>>) dst(%dma_wait3A_88 : memref<256xi32, #tpu.memory_space<vmem>>)
    %dma_wait3A_91 = arith.constant 3 : i32
    %dma_wait3A_92 = arith.constant 3 : i32
    %dma_wait3A_93 = arith.constant 0 : i32
    %dma_wait3A_94 = tpu.memref_slice %arg6[%dma_wait3A_92, %dma_wait3A_93] : memref<4x256xi32, #tpu.memory_space<vmem>> -> memref<1x256xi32, #tpu.memory_space<vmem>>
    %dma_wait3A_95 = tpu.memref_squeeze %dma_wait3A_94 : memref<1x256xi32, #tpu.memory_space<vmem>> -> memref<256xi32, #tpu.memory_space<vmem>>
    %dma_wait3A_96 = tpu.memref_slice %arg2[%dma_wait3A_91, %mul3A_2] : memref<4x8192xi32, #tpu.memory_space<hbm>> -> memref<1x256xi32, #tpu.memory_space<hbm>>
    %dma_wait3A_97 = tpu.memref_squeeze %dma_wait3A_96 : memref<1x256xi32, #tpu.memory_space<hbm>> -> memref<256xi32, #tpu.memory_space<hbm>>
    %dma_wait3A_98 = arith.constant 0 : i32
    %dma_wait3A_99 = tpu.memref_slice %arg6[%dma_wait3A_92, %dma_wait3A_98] : memref<4x256xi32, #tpu.memory_space<vmem>> -> memref<1x256xi32, #tpu.memory_space<vmem>>
    %dma_wait3A_100 = tpu.memref_squeeze %dma_wait3A_99 : memref<1x256xi32, #tpu.memory_space<vmem>> -> memref<256xi32, #tpu.memory_space<vmem>>
    %dma_wait3A_101 = tpu.memref_slice %arg2[%dma_wait3A_91, %mul3A_2] : memref<4x8192xi32, #tpu.memory_space<hbm>> -> memref<1x256xi32, #tpu.memory_space<hbm>>
    %dma_wait3A_102 = tpu.memref_squeeze %dma_wait3A_101 : memref<1x256xi32, #tpu.memory_space<hbm>> -> memref<256xi32, #tpu.memory_space<hbm>>
    tpu.wait_dma2 semaphore(%arg11 : memref<!tpu.dma_semaphore, #tpu.memory_space<semaphore_mem>>) src(%dma_wait3A_102 : memref<256xi32, #tpu.memory_space<hbm>>) dst(%dma_wait3A_100 : memref<256xi32, #tpu.memory_space<vmem>>)
    %add3A_103 = arith.constant 0 : i32
    %add3A_104 = arith.addi %mul3A_2, %add3A_103 : i32
    %dma_wait3A_105 = arith.constant 0 : i32
    %dma_wait3A_106 = tpu.memref_slice %arg3[%add3A_104, %dma_wait3A_105] : memref<8192x1024xf32, #tpu.memory_space<hbm>> -> memref<64x1024xf32, #tpu.memory_space<hbm>>
    %dma_wait3A_107 = arith.constant 0 : i32
    %dma_wait3A_108 = tpu.memref_slice %arg3[%add3A_104, %dma_wait3A_107] : memref<8192x1024xf32, #tpu.memory_space<hbm>> -> memref<64x1024xf32, #tpu.memory_space<hbm>>
    tpu.wait_dma2 semaphore(%arg9 : memref<!tpu.dma_semaphore, #tpu.memory_space<semaphore_mem>>) src(%dma_wait3A_108 : memref<64x1024xf32, #tpu.memory_space<hbm>>) dst(%arg8 : memref<64x1024xf32, #tpu.memory_space<vmem>>)
    %add3A_109 = arith.constant 0 : i32
    %add3A_110 = arith.addi %mul3A_2, %add3A_109 : i32
    %dma_start3A_111 = arith.constant 0 : i32
    %dma_start3A_112 = arith.constant 0 : i32
    %dma_start3A_113 = tpu.memref_slice %arg5[%dma_start3A_111, %add3A_110, %dma_start3A_112] : memref<4x8192x1024xf32, #tpu.memory_space<hbm>> -> memref<1x64x1024xf32, #tpu.memory_space<hbm>>
    %dma_start3A_114 = tpu.memref_squeeze %dma_start3A_113 : memref<1x64x1024xf32, #tpu.memory_space<hbm>> -> memref<64x1024xf32, #tpu.memory_space<hbm>>
    %dma_start3A_115 = arith.constant 0 : i32
    %dma_start3A_116 = tpu.memref_slice %arg5[%dma_start3A_111, %add3A_110, %dma_start3A_115] : memref<4x8192x1024xf32, #tpu.memory_space<hbm>> -> memref<1x64x1024xf32, #tpu.memory_space<hbm>>
    %dma_start3A_117 = tpu.memref_squeeze %dma_start3A_116 : memref<1x64x1024xf32, #tpu.memory_space<hbm>> -> memref<64x1024xf32, #tpu.memory_space<hbm>>
    tpu.enqueue_dma source(%arg8 : memref<64x1024xf32, #tpu.memory_space<vmem>>) target(%dma_start3A_117 : memref<64x1024xf32, #tpu.memory_space<hbm>>) target_semaphore(%arg10 : memref<!tpu.dma_semaphore, #tpu.memory_space<semaphore_mem>>)
    %add3A_118 = arith.constant 0 : i32
    %add3A_119 = arith.addi %mul3A_2, %add3A_118 : i32
    %dma_start3A_120 = arith.constant 1 : i32
    %dma_start3A_121 = arith.constant 0 : i32
    %dma_start3A_122 = tpu.memref_slice %arg5[%dma_start3A_120, %add3A_119, %dma_start3A_121] : memref<4x8192x1024xf32, #tpu.memory_space<hbm>> -> memref<1x64x1024xf32, #tpu.memory_space<hbm>>
    %dma_start3A_123 = tpu.memref_squeeze %dma_start3A_122 : memref<1x64x1024xf32, #tpu.memory_space<hbm>> -> memref<64x1024xf32, #tpu.memory_space<hbm>>
    %dma_start3A_124 = arith.constant 0 : i32
    %dma_start3A_125 = tpu.memref_slice %arg5[%dma_start3A_120, %add3A_119, %dma_start3A_124] : memref<4x8192x1024xf32, #tpu.memory_space<hbm>> -> memref<1x64x1024xf32, #tpu.memory_space<hbm>>
    %dma_start3A_126 = tpu.memref_squeeze %dma_start3A_125 : memref<1x64x1024xf32, #tpu.memory_space<hbm>> -> memref<64x1024xf32, #tpu.memory_space<hbm>>
    tpu.enqueue_dma source(%arg8 : memref<64x1024xf32, #tpu.memory_space<vmem>>) target(%dma_start3A_126 : memref<64x1024xf32, #tpu.memory_space<hbm>>) target_semaphore(%arg10 : memref<!tpu.dma_semaphore, #tpu.memory_space<semaphore_mem>>)
    %add3A_127 = arith.constant 0 : i32
    %add3A_128 = arith.addi %mul3A_2, %add3A_127 : i32
    %dma_start3A_129 = arith.constant 2 : i32
    %dma_start3A_130 = arith.constant 0 : i32
    %dma_start3A_131 = tpu.memref_slice %arg5[%dma_start3A_129, %add3A_128, %dma_start3A_130] : memref<4x8192x1024xf32, #tpu.memory_space<hbm>> -> memref<1x64x1024xf32, #tpu.memory_space<hbm>>
    %dma_start3A_132 = tpu.memref_squeeze %dma_start3A_131 : memref<1x64x1024xf32, #tpu.memory_space<hbm>> -> memref<64x1024xf32, #tpu.memory_space<hbm>>
    %dma_start3A_133 = arith.constant 0 : i32
    %dma_start3A_134 = tpu.memref_slice %arg5[%dma_start3A_129, %add3A_128, %dma_start3A_133] : memref<4x8192x1024xf32, #tpu.memory_space<hbm>> -> memref<1x64x1024xf32, #tpu.memory_space<hbm>>
    %dma_start3A_135 = tpu.memref_squeeze %dma_start3A_134 : memref<1x64x1024xf32, #tpu.memory_space<hbm>> -> memref<64x1024xf32, #tpu.memory_space<hbm>>
    tpu.enqueue_dma source(%arg8 : memref<64x1024xf32, #tpu.memory_space<vmem>>) target(%dma_start3A_135 : memref<64x1024xf32, #tpu.memory_space<hbm>>) target_semaphore(%arg10 : memref<!tpu.dma_semaphore, #tpu.memory_space<semaphore_mem>>)
    %add3A_136 = arith.constant 0 : i32
    %add3A_137 = arith.addi %mul3A_2, %add3A_136 : i32
    %dma_start3A_138 = arith.constant 3 : i32
    %dma_start3A_139 = arith.constant 0 : i32
    %dma_start3A_140 = tpu.memref_slice %arg5[%dma_start3A_138, %add3A_137, %dma_start3A_139] : memref<4x8192x1024xf32, #tpu.memory_space<hbm>> -> memref<1x64x1024xf32, #tpu.memory_space<hbm>>
    %dma_start3A_141 = tpu.memref_squeeze %dma_start3A_140 : memref<1x64x1024xf32, #tpu.memory_space<hbm>> -> memref<64x1024xf32, #tpu.memory_space<hbm>>
    %dma_start3A_142 = arith.constant 0 : i32
    %dma_start3A_143 = tpu.memref_slice %arg5[%dma_start3A_138, %add3A_137, %dma_start3A_142] : memref<4x8192x1024xf32, #tpu.memory_space<hbm>> -> memref<1x64x1024xf32, #tpu.memory_space<hbm>>
    %dma_start3A_144 = tpu.memref_squeeze %dma_start3A_143 : memref<1x64x1024xf32, #tpu.memory_space<hbm>> -> memref<64x1024xf32, #tpu.memory_space<hbm>>
    tpu.enqueue_dma source(%arg8 : memref<64x1024xf32, #tpu.memory_space<vmem>>) target(%dma_start3A_144 : memref<64x1024xf32, #tpu.memory_space<hbm>>) target_semaphore(%arg10 : memref<!tpu.dma_semaphore, #tpu.memory_space<semaphore_mem>>)
    %add3A_145 = arith.constant 0 : i32
    %add3A_146 = arith.addi %mul3A_2, %add3A_145 : i32
    %dma_wait3A_147 = arith.constant 0 : i32
    %dma_wait3A_148 = arith.constant 0 : i32
    %dma_wait3A_149 = tpu.memref_slice %arg5[%dma_wait3A_147, %add3A_146, %dma_wait3A_148] : memref<4x8192x1024xf32, #tpu.memory_space<hbm>> -> memref<1x64x1024xf32, #tpu.memory_space<hbm>>
    %dma_wait3A_150 = tpu.memref_squeeze %dma_wait3A_149 : memref<1x64x1024xf32, #tpu.memory_space<hbm>> -> memref<64x1024xf32, #tpu.memory_space<hbm>>
    %dma_wait3A_151 = arith.constant 0 : i32
    %dma_wait3A_152 = tpu.memref_slice %arg5[%dma_wait3A_147, %add3A_146, %dma_wait3A_151] : memref<4x8192x1024xf32, #tpu.memory_space<hbm>> -> memref<1x64x1024xf32, #tpu.memory_space<hbm>>
    %dma_wait3A_153 = tpu.memref_squeeze %dma_wait3A_152 : memref<1x64x1024xf32, #tpu.memory_space<hbm>> -> memref<64x1024xf32, #tpu.memory_space<hbm>>
    tpu.wait_dma2 semaphore(%arg10 : memref<!tpu.dma_semaphore, #tpu.memory_space<semaphore_mem>>) src(%arg8 : memref<64x1024xf32, #tpu.memory_space<vmem>>) dst(%dma_wait3A_153 : memref<64x1024xf32, #tpu.memory_space<hbm>>)
    %add3A_154 = arith.constant 0 : i32
    %add3A_155 = arith.addi %mul3A_2, %add3A_154 : i32
    %dma_wait3A_156 = arith.constant 1 : i32
    %dma_wait3A_157 = arith.constant 0 : i32
    %dma_wait3A_158 = tpu.memref_slice %arg5[%dma_wait3A_156, %add3A_155, %dma_wait3A_157] : memref<4x8192x1024xf32, #tpu.memory_space<hbm>> -> memref<1x64x1024xf32, #tpu.memory_space<hbm>>
    %dma_wait3A_159 = tpu.memref_squeeze %dma_wait3A_158 : memref<1x64x1024xf32, #tpu.memory_space<hbm>> -> memref<64x1024xf32, #tpu.memory_space<hbm>>
    %dma_wait3A_160 = arith.constant 0 : i32
    %dma_wait3A_161 = tpu.memref_slice %arg5[%dma_wait3A_156, %add3A_155, %dma_wait3A_160] : memref<4x8192x1024xf32, #tpu.memory_space<hbm>> -> memref<1x64x1024xf32, #tpu.memory_space<hbm>>
    %dma_wait3A_162 = tpu.memref_squeeze %dma_wait3A_161 : memref<1x64x1024xf32, #tpu.memory_space<hbm>> -> memref<64x1024xf32, #tpu.memory_space<hbm>>
    tpu.wait_dma2 semaphore(%arg10 : memref<!tpu.dma_semaphore, #tpu.memory_space<semaphore_mem>>) src(%arg8 : memref<64x1024xf32, #tpu.memory_space<vmem>>) dst(%dma_wait3A_162 : memref<64x1024xf32, #tpu.memory_space<hbm>>)
    %add3A_163 = arith.constant 0 : i32
    %add3A_164 = arith.addi %mul3A_2, %add3A_163 : i32
    %dma_wait3A_165 = arith.constant 2 : i32
    %dma_wait3A_166 = arith.constant 0 : i32
    %dma_wait3A_167 = tpu.memref_slice %arg5[%dma_wait3A_165, %add3A_164, %dma_wait3A_166] : memref<4x8192x1024xf32, #tpu.memory_space<hbm>> -> memref<1x64x1024xf32, #tpu.memory_space<hbm>>
    %dma_wait3A_168 = tpu.memref_squeeze %dma_wait3A_167 : memref<1x64x1024xf32, #tpu.memory_space<hbm>> -> memref<64x1024xf32, #tpu.memory_space<hbm>>
    %dma_wait3A_169 = arith.constant 0 : i32
    %dma_wait3A_170 = tpu.memref_slice %arg5[%dma_wait3A_165, %add3A_164, %dma_wait3A_169] : memref<4x8192x1024xf32, #tpu.memory_space<hbm>> -> memref<1x64x1024xf32, #tpu.memory_space<hbm>>
    %dma_wait3A_171 = tpu.memref_squeeze %dma_wait3A_170 : memref<1x64x1024xf32, #tpu.memory_space<hbm>> -> memref<64x1024xf32, #tpu.memory_space<hbm>>
    tpu.wait_dma2 semaphore(%arg10 : memref<!tpu.dma_semaphore, #tpu.memory_space<semaphore_mem>>) src(%arg8 : memref<64x1024xf32, #tpu.memory_space<vmem>>) dst(%dma_wait3A_171 : memref<64x1024xf32, #tpu.memory_space<hbm>>)
    %add3A_172 = arith.constant 0 : i32
    %add3A_173 = arith.addi %mul3A_2, %add3A_172 : i32
    %dma_wait3A_174 = arith.constant 3 : i32
    %dma_wait3A_175 = arith.constant 0 : i32
    %dma_wait3A_176 = tpu.memref_slice %arg5[%dma_wait3A_174, %add3A_173, %dma_wait3A_175] : memref<4x8192x1024xf32, #tpu.memory_space<hbm>> -> memref<1x64x1024xf32, #tpu.memory_space<hbm>>
    %dma_wait3A_177 = tpu.memref_squeeze %dma_wait3A_176 : memref<1x64x1024xf32, #tpu.memory_space<hbm>> -> memref<64x1024xf32, #tpu.memory_space<hbm>>
    %dma_wait3A_178 = arith.constant 0 : i32
    %dma_wait3A_179 = tpu.memref_slice %arg5[%dma_wait3A_174, %add3A_173, %dma_wait3A_178] : memref<4x8192x1024xf32, #tpu.memory_space<hbm>> -> memref<1x64x1024xf32, #tpu.memory_space<hbm>>
    %dma_wait3A_180 = tpu.memref_squeeze %dma_wait3A_179 : memref<1x64x1024xf32, #tpu.memory_space<hbm>> -> memref<64x1024xf32, #tpu.memory_space<hbm>>
    tpu.wait_dma2 semaphore(%arg10 : memref<!tpu.dma_semaphore, #tpu.memory_space<semaphore_mem>>) src(%arg8 : memref<64x1024xf32, #tpu.memory_space<vmem>>) dst(%dma_wait3A_180 : memref<64x1024xf32, #tpu.memory_space<hbm>>)
    %add3A_181 = arith.constant 64 : i32
    %add3A_182 = arith.addi %mul3A_2, %add3A_181 : i32
    %dma_start3A_183 = arith.constant 0 : i32
    %dma_start3A_184 = tpu.memref_slice %arg3[%add3A_182, %dma_start3A_183] : memref<8192x1024xf32, #tpu.memory_space<hbm>> -> memref<64x1024xf32, #tpu.memory_space<hbm>>
    %dma_start3A_185 = arith.constant 0 : i32
    %dma_start3A_186 = tpu.memref_slice %arg3[%add3A_182, %dma_start3A_185] : memref<8192x1024xf32, #tpu.memory_space<hbm>> -> memref<64x1024xf32, #tpu.memory_space<hbm>>
    tpu.enqueue_dma source(%dma_start3A_186 : memref<64x1024xf32, #tpu.memory_space<hbm>>) target(%arg8 : memref<64x1024xf32, #tpu.memory_space<vmem>>) target_semaphore(%arg9 : memref<!tpu.dma_semaphore, #tpu.memory_space<semaphore_mem>>)
    %add3A_187 = arith.constant 64 : i32
    %add3A_188 = arith.addi %mul3A_2, %add3A_187 : i32
    %dma_wait3A_189 = arith.constant 0 : i32
    %dma_wait3A_190 = tpu.memref_slice %arg3[%add3A_188, %dma_wait3A_189] : memref<8192x1024xf32, #tpu.memory_space<hbm>> -> memref<64x1024xf32, #tpu.memory_space<hbm>>
    %dma_wait3A_191 = arith.constant 0 : i32
    %dma_wait3A_192 = tpu.memref_slice %arg3[%add3A_188, %dma_wait3A_191] : memref<8192x1024xf32, #tpu.memory_space<hbm>> -> memref<64x1024xf32, #tpu.memory_space<hbm>>
    tpu.wait_dma2 semaphore(%arg9 : memref<!tpu.dma_semaphore, #tpu.memory_space<semaphore_mem>>) src(%dma_wait3A_192 : memref<64x1024xf32, #tpu.memory_space<hbm>>) dst(%arg8 : memref<64x1024xf32, #tpu.memory_space<vmem>>)
    %add3A_193 = arith.constant 64 : i32
    %add3A_194 = arith.addi %mul3A_2, %add3A_193 : i32
    %dma_start3A_195 = arith.constant 0 : i32
    %dma_start3A_196 = arith.constant 0 : i32
    %dma_start3A_197 = tpu.memref_slice %arg5[%dma_start3A_195, %add3A_194, %dma_start3A_196] : memref<4x8192x1024xf32, #tpu.memory_space<hbm>> -> memref<1x64x1024xf32, #tpu.memory_space<hbm>>
    %dma_start3A_198 = tpu.memref_squeeze %dma_start3A_197 : memref<1x64x1024xf32, #tpu.memory_space<hbm>> -> memref<64x1024xf32, #tpu.memory_space<hbm>>
    %dma_start3A_199 = arith.constant 0 : i32
    %dma_start3A_200 = tpu.memref_slice %arg5[%dma_start3A_195, %add3A_194, %dma_start3A_199] : memref<4x8192x1024xf32, #tpu.memory_space<hbm>> -> memref<1x64x1024xf32, #tpu.memory_space<hbm>>
    %dma_start3A_201 = tpu.memref_squeeze %dma_start3A_200 : memref<1x64x1024xf32, #tpu.memory_space<hbm>> -> memref<64x1024xf32, #tpu.memory_space<hbm>>
    tpu.enqueue_dma source(%arg8 : memref<64x1024xf32, #tpu.memory_space<vmem>>) target(%dma_start3A_201 : memref<64x1024xf32, #tpu.memory_space<hbm>>) target_semaphore(%arg10 : memref<!tpu.dma_semaphore, #tpu.memory_space<semaphore_mem>>)
    %add3A_202 = arith.constant 64 : i32
    %add3A_203 = arith.addi %mul3A_2, %add3A_202 : i32
    %dma_start3A_204 = arith.constant 1 : i32
    %dma_start3A_205 = arith.constant 0 : i32
    %dma_start3A_206 = tpu.memref_slice %arg5[%dma_start3A_204, %add3A_203, %dma_start3A_205] : memref<4x8192x1024xf32, #tpu.memory_space<hbm>> -> memref<1x64x1024xf32, #tpu.memory_space<hbm>>
    %dma_start3A_207 = tpu.memref_squeeze %dma_start3A_206 : memref<1x64x1024xf32, #tpu.memory_space<hbm>> -> memref<64x1024xf32, #tpu.memory_space<hbm>>
    %dma_start3A_208 = arith.constant 0 : i32
    %dma_start3A_209 = tpu.memref_slice %arg5[%dma_start3A_204, %add3A_203, %dma_start3A_208] : memref<4x8192x1024xf32, #tpu.memory_space<hbm>> -> memref<1x64x1024xf32, #tpu.memory_space<hbm>>
    %dma_start3A_210 = tpu.memref_squeeze %dma_start3A_209 : memref<1x64x1024xf32, #tpu.memory_space<hbm>> -> memref<64x1024xf32, #tpu.memory_space<hbm>>
    tpu.enqueue_dma source(%arg8 : memref<64x1024xf32, #tpu.memory_space<vmem>>) target(%dma_start3A_210 : memref<64x1024xf32, #tpu.memory_space<hbm>>) target_semaphore(%arg10 : memref<!tpu.dma_semaphore, #tpu.memory_space<semaphore_mem>>)
    %add3A_211 = arith.constant 64 : i32
    %add3A_212 = arith.addi %mul3A_2, %add3A_211 : i32
    %dma_start3A_213 = arith.constant 2 : i32
    %dma_start3A_214 = arith.constant 0 : i32
    %dma_start3A_215 = tpu.memref_slice %arg5[%dma_start3A_213, %add3A_212, %dma_start3A_214] : memref<4x8192x1024xf32, #tpu.memory_space<hbm>> -> memref<1x64x1024xf32, #tpu.memory_space<hbm>>
    %dma_start3A_216 = tpu.memref_squeeze %dma_start3A_215 : memref<1x64x1024xf32, #tpu.memory_space<hbm>> -> memref<64x1024xf32, #tpu.memory_space<hbm>>
    %dma_start3A_217 = arith.constant 0 : i32
    %dma_start3A_218 = tpu.memref_slice %arg5[%dma_start3A_213, %add3A_212, %dma_start3A_217] : memref<4x8192x1024xf32, #tpu.memory_space<hbm>> -> memref<1x64x1024xf32, #tpu.memory_space<hbm>>
    %dma_start3A_219 = tpu.memref_squeeze %dma_start3A_218 : memref<1x64x1024xf32, #tpu.memory_space<hbm>> -> memref<64x1024xf32, #tpu.memory_space<hbm>>
    tpu.enqueue_dma source(%arg8 : memref<64x1024xf32, #tpu.memory_space<vmem>>) target(%dma_start3A_219 : memref<64x1024xf32, #tpu.memory_space<hbm>>) target_semaphore(%arg10 : memref<!tpu.dma_semaphore, #tpu.memory_space<semaphore_mem>>)
    %add3A_220 = arith.constant 64 : i32
    %add3A_221 = arith.addi %mul3A_2, %add3A_220 : i32
    %dma_start3A_222 = arith.constant 3 : i32
    %dma_start3A_223 = arith.constant 0 : i32
    %dma_start3A_224 = tpu.memref_slice %arg5[%dma_start3A_222, %add3A_221, %dma_start3A_223] : memref<4x8192x1024xf32, #tpu.memory_space<hbm>> -> memref<1x64x1024xf32, #tpu.memory_space<hbm>>
    %dma_start3A_225 = tpu.memref_squeeze %dma_start3A_224 : memref<1x64x1024xf32, #tpu.memory_space<hbm>> -> memref<64x1024xf32, #tpu.memory_space<hbm>>
    %dma_start3A_226 = arith.constant 0 : i32
    %dma_start3A_227 = tpu.memref_slice %arg5[%dma_start3A_222, %add3A_221, %dma_start3A_226] : memref<4x8192x1024xf32, #tpu.memory_space<hbm>> -> memref<1x64x1024xf32, #tpu.memory_space<hbm>>
    %dma_start3A_228 = tpu.memref_squeeze %dma_start3A_227 : memref<1x64x1024xf32, #tpu.memory_space<hbm>> -> memref<64x1024xf32, #tpu.memory_space<hbm>>
    tpu.enqueue_dma source(%arg8 : memref<64x1024xf32, #tpu.memory_space<vmem>>) target(%dma_start3A_228 : memref<64x1024xf32, #tpu.memory_space<hbm>>) target_semaphore(%arg10 : memref<!tpu.dma_semaphore, #tpu.memory_space<semaphore_mem>>)
    %add3A_229 = arith.constant 64 : i32
    %add3A_230 = arith.addi %mul3A_2, %add3A_229 : i32
    %dma_wait3A_231 = arith.constant 0 : i32
    %dma_wait3A_232 = arith.constant 0 : i32
    %dma_wait3A_233 = tpu.memref_slice %arg5[%dma_wait3A_231, %add3A_230, %dma_wait3A_232] : memref<4x8192x1024xf32, #tpu.memory_space<hbm>> -> memref<1x64x1024xf32, #tpu.memory_space<hbm>>
    %dma_wait3A_234 = tpu.memref_squeeze %dma_wait3A_233 : memref<1x64x1024xf32, #tpu.memory_space<hbm>> -> memref<64x1024xf32, #tpu.memory_space<hbm>>
    %dma_wait3A_235 = arith.constant 0 : i32
    %dma_wait3A_236 = tpu.memref_slice %arg5[%dma_wait3A_231, %add3A_230, %dma_wait3A_235] : memref<4x8192x1024xf32, #tpu.memory_space<hbm>> -> memref<1x64x1024xf32, #tpu.memory_space<hbm>>
    %dma_wait3A_237 = tpu.memref_squeeze %dma_wait3A_236 : memref<1x64x1024xf32, #tpu.memory_space<hbm>> -> memref<64x1024xf32, #tpu.memory_space<hbm>>
    tpu.wait_dma2 semaphore(%arg10 : memref<!tpu.dma_semaphore, #tpu.memory_space<semaphore_mem>>) src(%arg8 : memref<64x1024xf32, #tpu.memory_space<vmem>>) dst(%dma_wait3A_237 : memref<64x1024xf32, #tpu.memory_space<hbm>>)
    %add3A_238 = arith.constant 64 : i32
    %add3A_239 = arith.addi %mul3A_2, %add3A_238 : i32
    %dma_wait3A_240 = arith.constant 1 : i32
    %dma_wait3A_241 = arith.constant 0 : i32
    %dma_wait3A_242 = tpu.memref_slice %arg5[%dma_wait3A_240, %add3A_239, %dma_wait3A_241] : memref<4x8192x1024xf32, #tpu.memory_space<hbm>> -> memref<1x64x1024xf32, #tpu.memory_space<hbm>>
    %dma_wait3A_243 = tpu.memref_squeeze %dma_wait3A_242 : memref<1x64x1024xf32, #tpu.memory_space<hbm>> -> memref<64x1024xf32, #tpu.memory_space<hbm>>
    %dma_wait3A_244 = arith.constant 0 : i32
    %dma_wait3A_245 = tpu.memref_slice %arg5[%dma_wait3A_240, %add3A_239, %dma_wait3A_244] : memref<4x8192x1024xf32, #tpu.memory_space<hbm>> -> memref<1x64x1024xf32, #tpu.memory_space<hbm>>
    %dma_wait3A_246 = tpu.memref_squeeze %dma_wait3A_245 : memref<1x64x1024xf32, #tpu.memory_space<hbm>> -> memref<64x1024xf32, #tpu.memory_space<hbm>>
    tpu.wait_dma2 semaphore(%arg10 : memref<!tpu.dma_semaphore, #tpu.memory_space<semaphore_mem>>) src(%arg8 : memref<64x1024xf32, #tpu.memory_space<vmem>>) dst(%dma_wait3A_246 : memref<64x1024xf32, #tpu.memory_space<hbm>>)
    %add3A_247 = arith.constant 64 : i32
    %add3A_248 = arith.addi %mul3A_2, %add3A_247 : i32
    %dma_wait3A_249 = arith.constant 2 : i32
    %dma_wait3A_250 = arith.constant 0 : i32
    %dma_wait3A_251 = tpu.memref_slice %arg5[%dma_wait3A_249, %add3A_248, %dma_wait3A_250] : memref<4x8192x1024xf32, #tpu.memory_space<hbm>> -> memref<1x64x1024xf32, #tpu.memory_space<hbm>>
    %dma_wait3A_252 = tpu.memref_squeeze %dma_wait3A_251 : memref<1x64x1024xf32, #tpu.memory_space<hbm>> -> memref<64x1024xf32, #tpu.memory_space<hbm>>
    %dma_wait3A_253 = arith.constant 0 : i32
    %dma_wait3A_254 = tpu.memref_slice %arg5[%dma_wait3A_249, %add3A_248, %dma_wait3A_253] : memref<4x8192x1024xf32, #tpu.memory_space<hbm>> -> memref<1x64x1024xf32, #tpu.memory_space<hbm>>
    %dma_wait3A_255 = tpu.memref_squeeze %dma_wait3A_254 : memref<1x64x1024xf32, #tpu.memory_space<hbm>> -> memref<64x1024xf32, #tpu.memory_space<hbm>>
    tpu.wait_dma2 semaphore(%arg10 : memref<!tpu.dma_semaphore, #tpu.memory_space<semaphore_mem>>) src(%arg8 : memref<64x1024xf32, #tpu.memory_space<vmem>>) dst(%dma_wait3A_255 : memref<64x1024xf32, #tpu.memory_space<hbm>>)
    %add3A_256 = arith.constant 64 : i32
    %add3A_257 = arith.addi %mul3A_2, %add3A_256 : i32
    %dma_wait3A_258 = arith.constant 3 : i32
    %dma_wait3A_259 = arith.constant 0 : i32
    %dma_wait3A_260 = tpu.memref_slice %arg5[%dma_wait3A_258, %add3A_257, %dma_wait3A_259] : memref<4x8192x1024xf32, #tpu.memory_space<hbm>> -> memref<1x64x1024xf32, #tpu.memory_space<hbm>>
    %dma_wait3A_261 = tpu.memref_squeeze %dma_wait3A_260 : memref<1x64x1024xf32, #tpu.memory_space<hbm>> -> memref<64x1024xf32, #tpu.memory_space<hbm>>
    %dma_wait3A_262 = arith.constant 0 : i32
    %dma_wait3A_263 = tpu.memref_slice %arg5[%dma_wait3A_258, %add3A_257, %dma_wait3A_262] : memref<4x8192x1024xf32, #tpu.memory_space<hbm>> -> memref<1x64x1024xf32, #tpu.memory_space<hbm>>
    %dma_wait3A_264 = tpu.memref_squeeze %dma_wait3A_263 : memref<1x64x1024xf32, #tpu.memory_space<hbm>> -> memref<64x1024xf32, #tpu.memory_space<hbm>>
    tpu.wait_dma2 semaphore(%arg10 : memref<!tpu.dma_semaphore, #tpu.memory_space<semaphore_mem>>) src(%arg8 : memref<64x1024xf32, #tpu.memory_space<vmem>>) dst(%dma_wait3A_264 : memref<64x1024xf32, #tpu.memory_space<hbm>>)
    %add3A_265 = arith.constant 128 : i32
    %add3A_266 = arith.addi %mul3A_2, %add3A_265 : i32
    %dma_start3A_267 = arith.constant 0 : i32
    %dma_start3A_268 = tpu.memref_slice %arg3[%add3A_266, %dma_start3A_267] : memref<8192x1024xf32, #tpu.memory_space<hbm>> -> memref<64x1024xf32, #tpu.memory_space<hbm>>
    %dma_start3A_269 = arith.constant 0 : i32
    %dma_start3A_270 = tpu.memref_slice %arg3[%add3A_266, %dma_start3A_269] : memref<8192x1024xf32, #tpu.memory_space<hbm>> -> memref<64x1024xf32, #tpu.memory_space<hbm>>
    tpu.enqueue_dma source(%dma_start3A_270 : memref<64x1024xf32, #tpu.memory_space<hbm>>) target(%arg8 : memref<64x1024xf32, #tpu.memory_space<vmem>>) target_semaphore(%arg9 : memref<!tpu.dma_semaphore, #tpu.memory_space<semaphore_mem>>)
    %add3A_271 = arith.constant 128 : i32
    %add3A_272 = arith.addi %mul3A_2, %add3A_271 : i32
    %dma_wait3A_273 = arith.constant 0 : i32
    %dma_wait3A_274 = tpu.memref_slice %arg3[%add3A_272, %dma_wait3A_273] : memref<8192x1024xf32, #tpu.memory_space<hbm>> -> memref<64x1024xf32, #tpu.memory_space<hbm>>
    %dma_wait3A_275 = arith.constant 0 : i32
    %dma_wait3A_276 = tpu.memref_slice %arg3[%add3A_272, %dma_wait3A_275] : memref<8192x1024xf32, #tpu.memory_space<hbm>> -> memref<64x1024xf32, #tpu.memory_space<hbm>>
    tpu.wait_dma2 semaphore(%arg9 : memref<!tpu.dma_semaphore, #tpu.memory_space<semaphore_mem>>) src(%dma_wait3A_276 : memref<64x1024xf32, #tpu.memory_space<hbm>>) dst(%arg8 : memref<64x1024xf32, #tpu.memory_space<vmem>>)
    %add3A_277 = arith.constant 128 : i32
    %add3A_278 = arith.addi %mul3A_2, %add3A_277 : i32
    %dma_start3A_279 = arith.constant 0 : i32
    %dma_start3A_280 = arith.constant 0 : i32
    %dma_start3A_281 = tpu.memref_slice %arg5[%dma_start3A_279, %add3A_278, %dma_start3A_280] : memref<4x8192x1024xf32, #tpu.memory_space<hbm>> -> memref<1x64x1024xf32, #tpu.memory_space<hbm>>
    %dma_start3A_282 = tpu.memref_squeeze %dma_start3A_281 : memref<1x64x1024xf32, #tpu.memory_space<hbm>> -> memref<64x1024xf32, #tpu.memory_space<hbm>>
    %dma_start3A_283 = arith.constant 0 : i32
    %dma_start3A_284 = tpu.memref_slice %arg5[%dma_start3A_279, %add3A_278, %dma_start3A_283] : memref<4x8192x1024xf32, #tpu.memory_space<hbm>> -> memref<1x64x1024xf32, #tpu.memory_space<hbm>>
    %dma_start3A_285 = tpu.memref_squeeze %dma_start3A_284 : memref<1x64x1024xf32, #tpu.memory_space<hbm>> -> memref<64x1024xf32, #tpu.memory_space<hbm>>
    tpu.enqueue_dma source(%arg8 : memref<64x1024xf32, #tpu.memory_space<vmem>>) target(%dma_start3A_285 : memref<64x1024xf32, #tpu.memory_space<hbm>>) target_semaphore(%arg10 : memref<!tpu.dma_semaphore, #tpu.memory_space<semaphore_mem>>)
    %add3A_286 = arith.constant 128 : i32
    %add3A_287 = arith.addi %mul3A_2, %add3A_286 : i32
    %dma_start3A_288 = arith.constant 1 : i32
    %dma_start3A_289 = arith.constant 0 : i32
    %dma_start3A_290 = tpu.memref_slice %arg5[%dma_start3A_288, %add3A_287, %dma_start3A_289] : memref<4x8192x1024xf32, #tpu.memory_space<hbm>> -> memref<1x64x1024xf32, #tpu.memory_space<hbm>>
    %dma_start3A_291 = tpu.memref_squeeze %dma_start3A_290 : memref<1x64x1024xf32, #tpu.memory_space<hbm>> -> memref<64x1024xf32, #tpu.memory_space<hbm>>
    %dma_start3A_292 = arith.constant 0 : i32
    %dma_start3A_293 = tpu.memref_slice %arg5[%dma_start3A_288, %add3A_287, %dma_start3A_292] : memref<4x8192x1024xf32, #tpu.memory_space<hbm>> -> memref<1x64x1024xf32, #tpu.memory_space<hbm>>
    %dma_start3A_294 = tpu.memref_squeeze %dma_start3A_293 : memref<1x64x1024xf32, #tpu.memory_space<hbm>> -> memref<64x1024xf32, #tpu.memory_space<hbm>>
    tpu.enqueue_dma source(%arg8 : memref<64x1024xf32, #tpu.memory_space<vmem>>) target(%dma_start3A_294 : memref<64x1024xf32, #tpu.memory_space<hbm>>) target_semaphore(%arg10 : memref<!tpu.dma_semaphore, #tpu.memory_space<semaphore_mem>>)
    %add3A_295 = arith.constant 128 : i32
    %add3A_296 = arith.addi %mul3A_2, %add3A_295 : i32
    %dma_start3A_297 = arith.constant 2 : i32
    %dma_start3A_298 = arith.constant 0 : i32
    %dma_start3A_299 = tpu.memref_slice %arg5[%dma_start3A_297, %add3A_296, %dma_start3A_298] : memref<4x8192x1024xf32, #tpu.memory_space<hbm>> -> memref<1x64x1024xf32, #tpu.memory_space<hbm>>
    %dma_start3A_300 = tpu.memref_squeeze %dma_start3A_299 : memref<1x64x1024xf32, #tpu.memory_space<hbm>> -> memref<64x1024xf32, #tpu.memory_space<hbm>>
    %dma_start3A_301 = arith.constant 0 : i32
    %dma_start3A_302 = tpu.memref_slice %arg5[%dma_start3A_297, %add3A_296, %dma_start3A_301] : memref<4x8192x1024xf32, #tpu.memory_space<hbm>> -> memref<1x64x1024xf32, #tpu.memory_space<hbm>>
    %dma_start3A_303 = tpu.memref_squeeze %dma_start3A_302 : memref<1x64x1024xf32, #tpu.memory_space<hbm>> -> memref<64x1024xf32, #tpu.memory_space<hbm>>
    tpu.enqueue_dma source(%arg8 : memref<64x1024xf32, #tpu.memory_space<vmem>>) target(%dma_start3A_303 : memref<64x1024xf32, #tpu.memory_space<hbm>>) target_semaphore(%arg10 : memref<!tpu.dma_semaphore, #tpu.memory_space<semaphore_mem>>)
    %add3A_304 = arith.constant 128 : i32
    %add3A_305 = arith.addi %mul3A_2, %add3A_304 : i32
    %dma_start3A_306 = arith.constant 3 : i32
    %dma_start3A_307 = arith.constant 0 : i32
    %dma_start3A_308 = tpu.memref_slice %arg5[%dma_start3A_306, %add3A_305, %dma_start3A_307] : memref<4x8192x1024xf32, #tpu.memory_space<hbm>> -> memref<1x64x1024xf32, #tpu.memory_space<hbm>>
    %dma_start3A_309 = tpu.memref_squeeze %dma_start3A_308 : memref<1x64x1024xf32, #tpu.memory_space<hbm>> -> memref<64x1024xf32, #tpu.memory_space<hbm>>
    %dma_start3A_310 = arith.constant 0 : i32
    %dma_start3A_311 = tpu.memref_slice %arg5[%dma_start3A_306, %add3A_305, %dma_start3A_310] : memref<4x8192x1024xf32, #tpu.memory_space<hbm>> -> memref<1x64x1024xf32, #tpu.memory_space<hbm>>
    %dma_start3A_312 = tpu.memref_squeeze %dma_start3A_311 : memref<1x64x1024xf32, #tpu.memory_space<hbm>> -> memref<64x1024xf32, #tpu.memory_space<hbm>>
    tpu.enqueue_dma source(%arg8 : memref<64x1024xf32, #tpu.memory_space<vmem>>) target(%dma_start3A_312 : memref<64x1024xf32, #tpu.memory_space<hbm>>) target_semaphore(%arg10 : memref<!tpu.dma_semaphore, #tpu.memory_space<semaphore_mem>>)
    %add3A_313 = arith.constant 128 : i32
    %add3A_314 = arith.addi %mul3A_2, %add3A_313 : i32
    %dma_wait3A_315 = arith.constant 0 : i32
    %dma_wait3A_316 = arith.constant 0 : i32
    %dma_wait3A_317 = tpu.memref_slice %arg5[%dma_wait3A_315, %add3A_314, %dma_wait3A_316] : memref<4x8192x1024xf32, #tpu.memory_space<hbm>> -> memref<1x64x1024xf32, #tpu.memory_space<hbm>>
    %dma_wait3A_318 = tpu.memref_squeeze %dma_wait3A_317 : memref<1x64x1024xf32, #tpu.memory_space<hbm>> -> memref<64x1024xf32, #tpu.memory_space<hbm>>
    %dma_wait3A_319 = arith.constant 0 : i32
    %dma_wait3A_320 = tpu.memref_slice %arg5[%dma_wait3A_315, %add3A_314, %dma_wait3A_319] : memref<4x8192x1024xf32, #tpu.memory_space<hbm>> -> memref<1x64x1024xf32, #tpu.memory_space<hbm>>
    %dma_wait3A_321 = tpu.memref_squeeze %dma_wait3A_320 : memref<1x64x1024xf32, #tpu.memory_space<hbm>> -> memref<64x1024xf32, #tpu.memory_space<hbm>>
    tpu.wait_dma2 semaphore(%arg10 : memref<!tpu.dma_semaphore, #tpu.memory_space<semaphore_mem>>) src(%arg8 : memref<64x1024xf32, #tpu.memory_space<vmem>>) dst(%dma_wait3A_321 : memref<64x1024xf32, #tpu.memory_space<hbm>>)
    %add3A_322 = arith.constant 128 : i32
    %add3A_323 = arith.addi %mul3A_2, %add3A_322 : i32
    %dma_wait3A_324 = arith.constant 1 : i32
    %dma_wait3A_325 = arith.constant 0 : i32
    %dma_wait3A_326 = tpu.memref_slice %arg5[%dma_wait3A_324, %add3A_323, %dma_wait3A_325] : memref<4x8192x1024xf32, #tpu.memory_space<hbm>> -> memref<1x64x1024xf32, #tpu.memory_space<hbm>>
    %dma_wait3A_327 = tpu.memref_squeeze %dma_wait3A_326 : memref<1x64x1024xf32, #tpu.memory_space<hbm>> -> memref<64x1024xf32, #tpu.memory_space<hbm>>
    %dma_wait3A_328 = arith.constant 0 : i32
    %dma_wait3A_329 = tpu.memref_slice %arg5[%dma_wait3A_324, %add3A_323, %dma_wait3A_328] : memref<4x8192x1024xf32, #tpu.memory_space<hbm>> -> memref<1x64x1024xf32, #tpu.memory_space<hbm>>
    %dma_wait3A_330 = tpu.memref_squeeze %dma_wait3A_329 : memref<1x64x1024xf32, #tpu.memory_space<hbm>> -> memref<64x1024xf32, #tpu.memory_space<hbm>>
    tpu.wait_dma2 semaphore(%arg10 : memref<!tpu.dma_semaphore, #tpu.memory_space<semaphore_mem>>) src(%arg8 : memref<64x1024xf32, #tpu.memory_space<vmem>>) dst(%dma_wait3A_330 : memref<64x1024xf32, #tpu.memory_space<hbm>>)
    %add3A_331 = arith.constant 128 : i32
    %add3A_332 = arith.addi %mul3A_2, %add3A_331 : i32
    %dma_wait3A_333 = arith.constant 2 : i32
    %dma_wait3A_334 = arith.constant 0 : i32
    %dma_wait3A_335 = tpu.memref_slice %arg5[%dma_wait3A_333, %add3A_332, %dma_wait3A_334] : memref<4x8192x1024xf32, #tpu.memory_space<hbm>> -> memref<1x64x1024xf32, #tpu.memory_space<hbm>>
    %dma_wait3A_336 = tpu.memref_squeeze %dma_wait3A_335 : memref<1x64x1024xf32, #tpu.memory_space<hbm>> -> memref<64x1024xf32, #tpu.memory_space<hbm>>
    %dma_wait3A_337 = arith.constant 0 : i32
    %dma_wait3A_338 = tpu.memref_slice %arg5[%dma_wait3A_333, %add3A_332, %dma_wait3A_337] : memref<4x8192x1024xf32, #tpu.memory_space<hbm>> -> memref<1x64x1024xf32, #tpu.memory_space<hbm>>
    %dma_wait3A_339 = tpu.memref_squeeze %dma_wait3A_338 : memref<1x64x1024xf32, #tpu.memory_space<hbm>> -> memref<64x1024xf32, #tpu.memory_space<hbm>>
    tpu.wait_dma2 semaphore(%arg10 : memref<!tpu.dma_semaphore, #tpu.memory_space<semaphore_mem>>) src(%arg8 : memref<64x1024xf32, #tpu.memory_space<vmem>>) dst(%dma_wait3A_339 : memref<64x1024xf32, #tpu.memory_space<hbm>>)
    %add3A_340 = arith.constant 128 : i32
    %add3A_341 = arith.addi %mul3A_2, %add3A_340 : i32
    %dma_wait3A_342 = arith.constant 3 : i32
    %dma_wait3A_343 = arith.constant 0 : i32
    %dma_wait3A_344 = tpu.memref_slice %arg5[%dma_wait3A_342, %add3A_341, %dma_wait3A_343] : memref<4x8192x1024xf32, #tpu.memory_space<hbm>> -> memref<1x64x1024xf32, #tpu.memory_space<hbm>>
    %dma_wait3A_345 = tpu.memref_squeeze %dma_wait3A_344 : memref<1x64x1024xf32, #tpu.memory_space<hbm>> -> memref<64x1024xf32, #tpu.memory_space<hbm>>
    %dma_wait3A_346 = arith.constant 0 : i32
    %dma_wait3A_347 = tpu.memref_slice %arg5[%dma_wait3A_342, %add3A_341, %dma_wait3A_346] : memref<4x8192x1024xf32, #tpu.memory_space<hbm>> -> memref<1x64x1024xf32, #tpu.memory_space<hbm>>
    %dma_wait3A_348 = tpu.memref_squeeze %dma_wait3A_347 : memref<1x64x1024xf32, #tpu.memory_space<hbm>> -> memref<64x1024xf32, #tpu.memory_space<hbm>>
    tpu.wait_dma2 semaphore(%arg10 : memref<!tpu.dma_semaphore, #tpu.memory_space<semaphore_mem>>) src(%arg8 : memref<64x1024xf32, #tpu.memory_space<vmem>>) dst(%dma_wait3A_348 : memref<64x1024xf32, #tpu.memory_space<hbm>>)
    %add3A_349 = arith.constant 192 : i32
    %add3A_350 = arith.addi %mul3A_2, %add3A_349 : i32
    %dma_start3A_351 = arith.constant 0 : i32
    %dma_start3A_352 = tpu.memref_slice %arg3[%add3A_350, %dma_start3A_351] : memref<8192x1024xf32, #tpu.memory_space<hbm>> -> memref<64x1024xf32, #tpu.memory_space<hbm>>
    %dma_start3A_353 = arith.constant 0 : i32
    %dma_start3A_354 = tpu.memref_slice %arg3[%add3A_350, %dma_start3A_353] : memref<8192x1024xf32, #tpu.memory_space<hbm>> -> memref<64x1024xf32, #tpu.memory_space<hbm>>
    tpu.enqueue_dma source(%dma_start3A_354 : memref<64x1024xf32, #tpu.memory_space<hbm>>) target(%arg8 : memref<64x1024xf32, #tpu.memory_space<vmem>>) target_semaphore(%arg9 : memref<!tpu.dma_semaphore, #tpu.memory_space<semaphore_mem>>)
    %add3A_355 = arith.constant 192 : i32
    %add3A_356 = arith.addi %mul3A_2, %add3A_355 : i32
    %dma_wait3A_357 = arith.constant 0 : i32
    %dma_wait3A_358 = tpu.memref_slice %arg3[%add3A_356, %dma_wait3A_357] : memref<8192x1024xf32, #tpu.memory_space<hbm>> -> memref<64x1024xf32, #tpu.memory_space<hbm>>
    %dma_wait3A_359 = arith.constant 0 : i32
    %dma_wait3A_360 = tpu.memref_slice %arg3[%add3A_356, %dma_wait3A_359] : memref<8192x1024xf32, #tpu.memory_space<hbm>> -> memref<64x1024xf32, #tpu.memory_space<hbm>>
    tpu.wait_dma2 semaphore(%arg9 : memref<!tpu.dma_semaphore, #tpu.memory_space<semaphore_mem>>) src(%dma_wait3A_360 : memref<64x1024xf32, #tpu.memory_space<hbm>>) dst(%arg8 : memref<64x1024xf32, #tpu.memory_space<vmem>>)
    %add3A_361 = arith.constant 192 : i32
    %add3A_362 = arith.addi %mul3A_2, %add3A_361 : i32
    %dma_start3A_363 = arith.constant 0 : i32
    %dma_start3A_364 = arith.constant 0 : i32
    %dma_start3A_365 = tpu.memref_slice %arg5[%dma_start3A_363, %add3A_362, %dma_start3A_364] : memref<4x8192x1024xf32, #tpu.memory_space<hbm>> -> memref<1x64x1024xf32, #tpu.memory_space<hbm>>
    %dma_start3A_366 = tpu.memref_squeeze %dma_start3A_365 : memref<1x64x1024xf32, #tpu.memory_space<hbm>> -> memref<64x1024xf32, #tpu.memory_space<hbm>>
    %dma_start3A_367 = arith.constant 0 : i32
    %dma_start3A_368 = tpu.memref_slice %arg5[%dma_start3A_363, %add3A_362, %dma_start3A_367] : memref<4x8192x1024xf32, #tpu.memory_space<hbm>> -> memref<1x64x1024xf32, #tpu.memory_space<hbm>>
    %dma_start3A_369 = tpu.memref_squeeze %dma_start3A_368 : memref<1x64x1024xf32, #tpu.memory_space<hbm>> -> memref<64x1024xf32, #tpu.memory_space<hbm>>
    tpu.enqueue_dma source(%arg8 : memref<64x1024xf32, #tpu.memory_space<vmem>>) target(%dma_start3A_369 : memref<64x1024xf32, #tpu.memory_space<hbm>>) target_semaphore(%arg10 : memref<!tpu.dma_semaphore, #tpu.memory_space<semaphore_mem>>)
    %add3A_370 = arith.constant 192 : i32
    %add3A_371 = arith.addi %mul3A_2, %add3A_370 : i32
    %dma_start3A_372 = arith.constant 1 : i32
    %dma_start3A_373 = arith.constant 0 : i32
    %dma_start3A_374 = tpu.memref_slice %arg5[%dma_start3A_372, %add3A_371, %dma_start3A_373] : memref<4x8192x1024xf32, #tpu.memory_space<hbm>> -> memref<1x64x1024xf32, #tpu.memory_space<hbm>>
    %dma_start3A_375 = tpu.memref_squeeze %dma_start3A_374 : memref<1x64x1024xf32, #tpu.memory_space<hbm>> -> memref<64x1024xf32, #tpu.memory_space<hbm>>
    %dma_start3A_376 = arith.constant 0 : i32
    %dma_start3A_377 = tpu.memref_slice %arg5[%dma_start3A_372, %add3A_371, %dma_start3A_376] : memref<4x8192x1024xf32, #tpu.memory_space<hbm>> -> memref<1x64x1024xf32, #tpu.memory_space<hbm>>
    %dma_start3A_378 = tpu.memref_squeeze %dma_start3A_377 : memref<1x64x1024xf32, #tpu.memory_space<hbm>> -> memref<64x1024xf32, #tpu.memory_space<hbm>>
    tpu.enqueue_dma source(%arg8 : memref<64x1024xf32, #tpu.memory_space<vmem>>) target(%dma_start3A_378 : memref<64x1024xf32, #tpu.memory_space<hbm>>) target_semaphore(%arg10 : memref<!tpu.dma_semaphore, #tpu.memory_space<semaphore_mem>>)
    %add3A_379 = arith.constant 192 : i32
    %add3A_380 = arith.addi %mul3A_2, %add3A_379 : i32
    %dma_start3A_381 = arith.constant 2 : i32
    %dma_start3A_382 = arith.constant 0 : i32
    %dma_start3A_383 = tpu.memref_slice %arg5[%dma_start3A_381, %add3A_380, %dma_start3A_382] : memref<4x8192x1024xf32, #tpu.memory_space<hbm>> -> memref<1x64x1024xf32, #tpu.memory_space<hbm>>
    %dma_start3A_384 = tpu.memref_squeeze %dma_start3A_383 : memref<1x64x1024xf32, #tpu.memory_space<hbm>> -> memref<64x1024xf32, #tpu.memory_space<hbm>>
    %dma_start3A_385 = arith.constant 0 : i32
    %dma_start3A_386 = tpu.memref_slice %arg5[%dma_start3A_381, %add3A_380, %dma_start3A_385] : memref<4x8192x1024xf32, #tpu.memory_space<hbm>> -> memref<1x64x1024xf32, #tpu.memory_space<hbm>>
    %dma_start3A_387 = tpu.memref_squeeze %dma_start3A_386 : memref<1x64x1024xf32, #tpu.memory_space<hbm>> -> memref<64x1024xf32, #tpu.memory_space<hbm>>
    tpu.enqueue_dma source(%arg8 : memref<64x1024xf32, #tpu.memory_space<vmem>>) target(%dma_start3A_387 : memref<64x1024xf32, #tpu.memory_space<hbm>>) target_semaphore(%arg10 : memref<!tpu.dma_semaphore, #tpu.memory_space<semaphore_mem>>)
    %add3A_388 = arith.constant 192 : i32
    %add3A_389 = arith.addi %mul3A_2, %add3A_388 : i32
    %dma_start3A_390 = arith.constant 3 : i32
    %dma_start3A_391 = arith.constant 0 : i32
    %dma_start3A_392 = tpu.memref_slice %arg5[%dma_start3A_390, %add3A_389, %dma_start3A_391] : memref<4x8192x1024xf32, #tpu.memory_space<hbm>> -> memref<1x64x1024xf32, #tpu.memory_space<hbm>>
    %dma_start3A_393 = tpu.memref_squeeze %dma_start3A_392 : memref<1x64x1024xf32, #tpu.memory_space<hbm>> -> memref<64x1024xf32, #tpu.memory_space<hbm>>
    %dma_start3A_394 = arith.constant 0 : i32
    %dma_start3A_395 = tpu.memref_slice %arg5[%dma_start3A_390, %add3A_389, %dma_start3A_394] : memref<4x8192x1024xf32, #tpu.memory_space<hbm>> -> memref<1x64x1024xf32, #tpu.memory_space<hbm>>
    %dma_start3A_396 = tpu.memref_squeeze %dma_start3A_395 : memref<1x64x1024xf32, #tpu.memory_space<hbm>> -> memref<64x1024xf32, #tpu.memory_space<hbm>>
    tpu.enqueue_dma source(%arg8 : memref<64x1024xf32, #tpu.memory_space<vmem>>) target(%dma_start3A_396 : memref<64x1024xf32, #tpu.memory_space<hbm>>) target_semaphore(%arg10 : memref<!tpu.dma_semaphore, #tpu.memory_space<semaphore_mem>>)
    %add3A_397 = arith.constant 192 : i32
    %add3A_398 = arith.addi %mul3A_2, %add3A_397 : i32
    %dma_wait3A_399 = arith.constant 0 : i32
    %dma_wait3A_400 = arith.constant 0 : i32
    %dma_wait3A_401 = tpu.memref_slice %arg5[%dma_wait3A_399, %add3A_398, %dma_wait3A_400] : memref<4x8192x1024xf32, #tpu.memory_space<hbm>> -> memref<1x64x1024xf32, #tpu.memory_space<hbm>>
    %dma_wait3A_402 = tpu.memref_squeeze %dma_wait3A_401 : memref<1x64x1024xf32, #tpu.memory_space<hbm>> -> memref<64x1024xf32, #tpu.memory_space<hbm>>
    %dma_wait3A_403 = arith.constant 0 : i32
    %dma_wait3A_404 = tpu.memref_slice %arg5[%dma_wait3A_399, %add3A_398, %dma_wait3A_403] : memref<4x8192x1024xf32, #tpu.memory_space<hbm>> -> memref<1x64x1024xf32, #tpu.memory_space<hbm>>
    %dma_wait3A_405 = tpu.memref_squeeze %dma_wait3A_404 : memref<1x64x1024xf32, #tpu.memory_space<hbm>> -> memref<64x1024xf32, #tpu.memory_space<hbm>>
    tpu.wait_dma2 semaphore(%arg10 : memref<!tpu.dma_semaphore, #tpu.memory_space<semaphore_mem>>) src(%arg8 : memref<64x1024xf32, #tpu.memory_space<vmem>>) dst(%dma_wait3A_405 : memref<64x1024xf32, #tpu.memory_space<hbm>>)
    %add3A_406 = arith.constant 192 : i32
    %add3A_407 = arith.addi %mul3A_2, %add3A_406 : i32
    %dma_wait3A_408 = arith.constant 1 : i32
    %dma_wait3A_409 = arith.constant 0 : i32
    %dma_wait3A_410 = tpu.memref_slice %arg5[%dma_wait3A_408, %add3A_407, %dma_wait3A_409] : memref<4x8192x1024xf32, #tpu.memory_space<hbm>> -> memref<1x64x1024xf32, #tpu.memory_space<hbm>>
    %dma_wait3A_411 = tpu.memref_squeeze %dma_wait3A_410 : memref<1x64x1024xf32, #tpu.memory_space<hbm>> -> memref<64x1024xf32, #tpu.memory_space<hbm>>
    %dma_wait3A_412 = arith.constant 0 : i32
    %dma_wait3A_413 = tpu.memref_slice %arg5[%dma_wait3A_408, %add3A_407, %dma_wait3A_412] : memref<4x8192x1024xf32, #tpu.memory_space<hbm>> -> memref<1x64x1024xf32, #tpu.memory_space<hbm>>
    %dma_wait3A_414 = tpu.memref_squeeze %dma_wait3A_413 : memref<1x64x1024xf32, #tpu.memory_space<hbm>> -> memref<64x1024xf32, #tpu.memory_space<hbm>>
    tpu.wait_dma2 semaphore(%arg10 : memref<!tpu.dma_semaphore, #tpu.memory_space<semaphore_mem>>) src(%arg8 : memref<64x1024xf32, #tpu.memory_space<vmem>>) dst(%dma_wait3A_414 : memref<64x1024xf32, #tpu.memory_space<hbm>>)
    %add3A_415 = arith.constant 192 : i32
    %add3A_416 = arith.addi %mul3A_2, %add3A_415 : i32
    %dma_wait3A_417 = arith.constant 2 : i32
    %dma_wait3A_418 = arith.constant 0 : i32
    %dma_wait3A_419 = tpu.memref_slice %arg5[%dma_wait3A_417, %add3A_416, %dma_wait3A_418] : memref<4x8192x1024xf32, #tpu.memory_space<hbm>> -> memref<1x64x1024xf32, #tpu.memory_space<hbm>>
    %dma_wait3A_420 = tpu.memref_squeeze %dma_wait3A_419 : memref<1x64x1024xf32, #tpu.memory_space<hbm>> -> memref<64x1024xf32, #tpu.memory_space<hbm>>
    %dma_wait3A_421 = arith.constant 0 : i32
    %dma_wait3A_422 = tpu.memref_slice %arg5[%dma_wait3A_417, %add3A_416, %dma_wait3A_421] : memref<4x8192x1024xf32, #tpu.memory_space<hbm>> -> memref<1x64x1024xf32, #tpu.memory_space<hbm>>
    %dma_wait3A_423 = tpu.memref_squeeze %dma_wait3A_422 : memref<1x64x1024xf32, #tpu.memory_space<hbm>> -> memref<64x1024xf32, #tpu.memory_space<hbm>>
    tpu.wait_dma2 semaphore(%arg10 : memref<!tpu.dma_semaphore, #tpu.memory_space<semaphore_mem>>) src(%arg8 : memref<64x1024xf32, #tpu.memory_space<vmem>>) dst(%dma_wait3A_423 : memref<64x1024xf32, #tpu.memory_space<hbm>>)
    %add3A_424 = arith.constant 192 : i32
    %add3A_425 = arith.addi %mul3A_2, %add3A_424 : i32
    %dma_wait3A_426 = arith.constant 3 : i32
    %dma_wait3A_427 = arith.constant 0 : i32
    %dma_wait3A_428 = tpu.memref_slice %arg5[%dma_wait3A_426, %add3A_425, %dma_wait3A_427] : memref<4x8192x1024xf32, #tpu.memory_space<hbm>> -> memref<1x64x1024xf32, #tpu.memory_space<hbm>>
    %dma_wait3A_429 = tpu.memref_squeeze %dma_wait3A_428 : memref<1x64x1024xf32, #tpu.memory_space<hbm>> -> memref<64x1024xf32, #tpu.memory_space<hbm>>
    %dma_wait3A_430 = arith.constant 0 : i32
    %dma_wait3A_431 = tpu.memref_slice %arg5[%dma_wait3A_426, %add3A_425, %dma_wait3A_430] : memref<4x8192x1024xf32, #tpu.memory_space<hbm>> -> memref<1x64x1024xf32, #tpu.memory_space<hbm>>
    %dma_wait3A_432 = tpu.memref_squeeze %dma_wait3A_431 : memref<1x64x1024xf32, #tpu.memory_space<hbm>> -> memref<64x1024xf32, #tpu.memory_space<hbm>>
    tpu.wait_dma2 semaphore(%arg10 : memref<!tpu.dma_semaphore, #tpu.memory_space<semaphore_mem>>) src(%arg8 : memref<64x1024xf32, #tpu.memory_space<vmem>>) dst(%dma_wait3A_432 : memref<64x1024xf32, #tpu.memory_space<hbm>>)
    %scan3A = arith.constant 0 : i32
    %scan3A_433 = arith.constant 0 : i32
    %scan3A_434 = arith.constant 4 : i32
    %scan3A_435 = arith.addi %scan3A_433, %scan3A_434 : i32
    %scan3A_436 = arith.constant 1 : i32
    scf.for %scan3A_438 = %scan3A_433 to %scan3A_435 step %scan3A_436  : i32 {
      %mul3A_439 = arith.constant 64 : i32
      %mul3A_440 = arith.muli %scan3A_438, %mul3A_439 : i32
      %add3A_441 = arith.addi %mul3A_2, %mul3A_440 : i32
      %mul3A_442 = arith.constant 64 : i32
      %mul3A_443 = arith.muli %scan3A_438, %mul3A_442 : i32
      %add3A_444 = arith.constant 0 : i32
      %add3A_445 = arith.addi %mul3A_443, %add3A_444 : i32
      %get3A = arith.constant 0 : i32
      %get3A_446 = arith.index_cast %get3A : i32 to index
      %get3A_447 = arith.index_cast %add3A_445 : i32 to index
      %get3A_448 = tpu.vector_load %arg6[%get3A_446, %get3A_447] {strides = array<i32>} : memref<4x256xi32, #tpu.memory_space<vmem>>, vector<16xi32>,
      %eq3A = arith.constant 0 : i32
      %eq3A_449 = vector.broadcast %eq3A : i32 to vector<16xi32>
      %eq3A_450 = arith.cmpi eq, %get3A_448, %eq3A_449 : vector<16xi32>
      %all_reduce_population_count3A = tpu.all_reduce %eq3A_450 {dim = 0 : i64, kind = #tpu.reduction_kind<sum>} : vector<16xi1> -> vector<16xi32>
      %slice3A = vector.extract_strided_slice %all_reduce_population_count3A {offsets = [0], sizes = [1], strides = [1]} : vector<16xi32> to vector<1xi32>
      %squeeze3A = vector.extract %slice3A[0] : i32 from vector<1xi32>
      %gt3A = arith.constant 0 : i32
      %gt3A_451 = arith.cmpi sgt, %squeeze3A, %gt3A : i32
      %convert_element_type3A = arith.extui %gt3A_451 : i1 to i32
      %cond3A = arith.constant 0 : i32
      %cond3A_452 = arith.cmpi ne, %convert_element_type3A, %cond3A : i32
      scf.if %cond3A_452 {
        %add3A_738 = arith.constant 0 : i32
        %add3A_739 = arith.addi %add3A_441, %add3A_738 : i32
        %iota3A = tpu.iota {dimensions = array<i32: 0>} : vector<16xi32>
        %add3A_740 = vector.broadcast %add3A_739 : i32 to vector<16xi32>
        %add3A_741 = arith.addi %add3A_740, %iota3A : vector<16xi32>
        %all_reduce_ffs3A = tpu.all_reduce %eq3A_450 {dim = 0 : i64, kind = #tpu.reduction_kind<find_first_set>} : vector<16xi1> -> vector<16xi32>
        %add3A_742 = vector.broadcast %add3A_739 : i32 to vector<16xi32>
        %add3A_743 = arith.addi %add3A_742, %all_reduce_ffs3A : vector<16xi32>
        %select_n3A = arith.select %eq3A_450, %add3A_741, %add3A_743 : vector<16xi1>, vector<16xi32>
        %dma_start3A_744 = arith.constant 0 : i32
        %dma_start3A_745 = arith.constant 0 : i32
        %dma_start3A_746 = arith.constant 0 : i32
        %dma_start3A_747 = tpu.memref_slice %arg5[%dma_start3A_744, %dma_start3A_745, %dma_start3A_746] : memref<4x8192x1024xf32, #tpu.memory_space<hbm>> -> memref<1x8192x1024xf32, #tpu.memory_space<hbm>>
        %dma_start3A_748 = tpu.memref_squeeze %dma_start3A_747 : memref<1x8192x1024xf32, #tpu.memory_space<hbm>> -> memref<8192x1024xf32, #tpu.memory_space<hbm>>
        %dma_start3A_749 = arith.constant 0 : i32
        %dma_start3A_750 = arith.constant 0 : i32
        %dma_start3A_751 = tpu.memref_slice %dma_start3A_748[%dma_start3A_749, %dma_start3A_750] : memref<8192x1024xf32, #tpu.memory_space<hbm>> -> memref<8192x1024xf32, #tpu.memory_space<hbm>>
        tpu.enqueue_indirect_dma source(%arg7 : memref<16x1024xf32, #tpu.memory_space<vmem>>) target(%dma_start3A_751 : memref<8192x1024xf32, #tpu.memory_space<hbm>>) offsets(%select_n3A : vector<16xi32>) semaphore(%arg11 : memref<!tpu.dma_semaphore, #tpu.memory_space<semaphore_mem>>)
        %dma_wait3A_752 = arith.constant 0 : i32
        %dma_wait3A_753 = arith.constant 0 : i32
        %dma_wait3A_754 = arith.constant 0 : i32
        %dma_wait3A_755 = tpu.memref_slice %arg5[%dma_wait3A_752, %dma_wait3A_753, %dma_wait3A_754] : memref<4x8192x1024xf32, #tpu.memory_space<hbm>> -> memref<1x8192x1024xf32, #tpu.memory_space<hbm>>
        %dma_wait3A_756 = tpu.memref_squeeze %dma_wait3A_755 : memref<1x8192x1024xf32, #tpu.memory_space<hbm>> -> memref<8192x1024xf32, #tpu.memory_space<hbm>>
        %dma_wait3A_757 = arith.constant 0 : i32
        %dma_wait3A_758 = arith.constant 0 : i32
        %dma_wait3A_759 = tpu.memref_slice %dma_wait3A_756[%dma_wait3A_757, %dma_wait3A_758] : memref<8192x1024xf32, #tpu.memory_space<hbm>> -> memref<8192x1024xf32, #tpu.memory_space<hbm>>
        tpu.wait_indirect_dma semaphore(%arg11 : memref<!tpu.dma_semaphore, #tpu.memory_space<semaphore_mem>>) src(%arg7 : memref<16x1024xf32, #tpu.memory_space<vmem>>) dst(%dma_wait3A_759 : memref<8192x1024xf32, #tpu.memory_space<hbm>>)
      } else {
      }
      %mul3A_453 = arith.constant 64 : i32
      %mul3A_454 = arith.muli %scan3A_438, %mul3A_453 : i32
      %add3A_455 = arith.constant 16 : i32
      %add3A_456 = arith.addi %mul3A_454, %add3A_455 : i32
      %get3A_457 = arith.constant 0 : i32
      %get3A_458 = arith.index_cast %get3A_457 : i32 to index
      %get3A_459 = arith.index_cast %add3A_456 : i32 to index
      %get3A_460 = tpu.vector_load %arg6[%get3A_458, %get3A_459] {strides = array<i32>} : memref<4x256xi32, #tpu.memory_space<vmem>>, vector<16xi32>,
      %eq3A_461 = arith.constant 0 : i32
      %eq3A_462 = vector.broadcast %eq3A_461 : i32 to vector<16xi32>
      %eq3A_463 = arith.cmpi eq, %get3A_460, %eq3A_462 : vector<16xi32>
      %all_reduce_population_count3A_464 = tpu.all_reduce %eq3A_463 {dim = 0 : i64, kind = #tpu.reduction_kind<sum>} : vector<16xi1> -> vector<16xi32>
      %slice3A_465 = vector.extract_strided_slice %all_reduce_population_count3A_464 {offsets = [0], sizes = [1], strides = [1]} : vector<16xi32> to vector<1xi32>
      %squeeze3A_466 = vector.extract %slice3A_465[0] : i32 from vector<1xi32>
      %gt3A_467 = arith.constant 0 : i32
      %gt3A_468 = arith.cmpi sgt, %squeeze3A_466, %gt3A_467 : i32
      %convert_element_type3A_469 = arith.extui %gt3A_468 : i1 to i32
      %cond3A_470 = arith.constant 0 : i32
      %cond3A_471 = arith.cmpi ne, %convert_element_type3A_469, %cond3A_470 : i32
      scf.if %cond3A_471 {
        %add3A_738 = arith.constant 16 : i32
        %add3A_739 = arith.addi %add3A_441, %add3A_738 : i32
        %iota3A = tpu.iota {dimensions = array<i32: 0>} : vector<16xi32>
        %add3A_740 = vector.broadcast %add3A_739 : i32 to vector<16xi32>
        %add3A_741 = arith.addi %add3A_740, %iota3A : vector<16xi32>
        %all_reduce_ffs3A = tpu.all_reduce %eq3A_463 {dim = 0 : i64, kind = #tpu.reduction_kind<find_first_set>} : vector<16xi1> -> vector<16xi32>
        %add3A_742 = vector.broadcast %add3A_739 : i32 to vector<16xi32>
        %add3A_743 = arith.addi %add3A_742, %all_reduce_ffs3A : vector<16xi32>
        %select_n3A = arith.select %eq3A_463, %add3A_741, %add3A_743 : vector<16xi1>, vector<16xi32>
        %dma_start3A_744 = arith.constant 0 : i32
        %dma_start3A_745 = arith.constant 0 : i32
        %dma_start3A_746 = arith.constant 0 : i32
        %dma_start3A_747 = tpu.memref_slice %arg5[%dma_start3A_744, %dma_start3A_745, %dma_start3A_746] : memref<4x8192x1024xf32, #tpu.memory_space<hbm>> -> memref<1x8192x1024xf32, #tpu.memory_space<hbm>>
        %dma_start3A_748 = tpu.memref_squeeze %dma_start3A_747 : memref<1x8192x1024xf32, #tpu.memory_space<hbm>> -> memref<8192x1024xf32, #tpu.memory_space<hbm>>
        %dma_start3A_749 = arith.constant 0 : i32
        %dma_start3A_750 = arith.constant 0 : i32
        %dma_start3A_751 = tpu.memref_slice %dma_start3A_748[%dma_start3A_749, %dma_start3A_750] : memref<8192x1024xf32, #tpu.memory_space<hbm>> -> memref<8192x1024xf32, #tpu.memory_space<hbm>>
        tpu.enqueue_indirect_dma source(%arg7 : memref<16x1024xf32, #tpu.memory_space<vmem>>) target(%dma_start3A_751 : memref<8192x1024xf32, #tpu.memory_space<hbm>>) offsets(%select_n3A : vector<16xi32>) semaphore(%arg11 : memref<!tpu.dma_semaphore, #tpu.memory_space<semaphore_mem>>)
        %dma_wait3A_752 = arith.constant 0 : i32
        %dma_wait3A_753 = arith.constant 0 : i32
        %dma_wait3A_754 = arith.constant 0 : i32
        %dma_wait3A_755 = tpu.memref_slice %arg5[%dma_wait3A_752, %dma_wait3A_753, %dma_wait3A_754] : memref<4x8192x1024xf32, #tpu.memory_space<hbm>> -> memref<1x8192x1024xf32, #tpu.memory_space<hbm>>
        %dma_wait3A_756 = tpu.memref_squeeze %dma_wait3A_755 : memref<1x8192x1024xf32, #tpu.memory_space<hbm>> -> memref<8192x1024xf32, #tpu.memory_space<hbm>>
        %dma_wait3A_757 = arith.constant 0 : i32
        %dma_wait3A_758 = arith.constant 0 : i32
        %dma_wait3A_759 = tpu.memref_slice %dma_wait3A_756[%dma_wait3A_757, %dma_wait3A_758] : memref<8192x1024xf32, #tpu.memory_space<hbm>> -> memref<8192x1024xf32, #tpu.memory_space<hbm>>
        tpu.wait_indirect_dma semaphore(%arg11 : memref<!tpu.dma_semaphore, #tpu.memory_space<semaphore_mem>>) src(%arg7 : memref<16x1024xf32, #tpu.memory_space<vmem>>) dst(%dma_wait3A_759 : memref<8192x1024xf32, #tpu.memory_space<hbm>>)
      } else {
      }
      %mul3A_472 = arith.constant 64 : i32
      %mul3A_473 = arith.muli %scan3A_438, %mul3A_472 : i32
      %add3A_474 = arith.constant 32 : i32
      %add3A_475 = arith.addi %mul3A_473, %add3A_474 : i32
      %get3A_476 = arith.constant 0 : i32
      %get3A_477 = arith.index_cast %get3A_476 : i32 to index
      %get3A_478 = arith.index_cast %add3A_475 : i32 to index
      %get3A_479 = tpu.vector_load %arg6[%get3A_477, %get3A_478] {strides = array<i32>} : memref<4x256xi32, #tpu.memory_space<vmem>>, vector<16xi32>,
      %eq3A_480 = arith.constant 0 : i32
      %eq3A_481 = vector.broadcast %eq3A_480 : i32 to vector<16xi32>
      %eq3A_482 = arith.cmpi eq, %get3A_479, %eq3A_481 : vector<16xi32>
      %all_reduce_population_count3A_483 = tpu.all_reduce %eq3A_482 {dim = 0 : i64, kind = #tpu.reduction_kind<sum>} : vector<16xi1> -> vector<16xi32>
      %slice3A_484 = vector.extract_strided_slice %all_reduce_population_count3A_483 {offsets = [0], sizes = [1], strides = [1]} : vector<16xi32> to vector<1xi32>
      %squeeze3A_485 = vector.extract %slice3A_484[0] : i32 from vector<1xi32>
      %gt3A_486 = arith.constant 0 : i32
      %gt3A_487 = arith.cmpi sgt, %squeeze3A_485, %gt3A_486 : i32
      %convert_element_type3A_488 = arith.extui %gt3A_487 : i1 to i32
      %cond3A_489 = arith.constant 0 : i32
      %cond3A_490 = arith.cmpi ne, %convert_element_type3A_488, %cond3A_489 : i32
      scf.if %cond3A_490 {
        %add3A_738 = arith.constant 32 : i32
        %add3A_739 = arith.addi %add3A_441, %add3A_738 : i32
        %iota3A = tpu.iota {dimensions = array<i32: 0>} : vector<16xi32>
        %add3A_740 = vector.broadcast %add3A_739 : i32 to vector<16xi32>
        %add3A_741 = arith.addi %add3A_740, %iota3A : vector<16xi32>
        %all_reduce_ffs3A = tpu.all_reduce %eq3A_482 {dim = 0 : i64, kind = #tpu.reduction_kind<find_first_set>} : vector<16xi1> -> vector<16xi32>
        %add3A_742 = vector.broadcast %add3A_739 : i32 to vector<16xi32>
        %add3A_743 = arith.addi %add3A_742, %all_reduce_ffs3A : vector<16xi32>
        %select_n3A = arith.select %eq3A_482, %add3A_741, %add3A_743 : vector<16xi1>, vector<16xi32>
        %dma_start3A_744 = arith.constant 0 : i32
        %dma_start3A_745 = arith.constant 0 : i32
        %dma_start3A_746 = arith.constant 0 : i32
        %dma_start3A_747 = tpu.memref_slice %arg5[%dma_start3A_744, %dma_start3A_745, %dma_start3A_746] : memref<4x8192x1024xf32, #tpu.memory_space<hbm>> -> memref<1x8192x1024xf32, #tpu.memory_space<hbm>>
        %dma_start3A_748 = tpu.memref_squeeze %dma_start3A_747 : memref<1x8192x1024xf32, #tpu.memory_space<hbm>> -> memref<8192x1024xf32, #tpu.memory_space<hbm>>
        %dma_start3A_749 = arith.constant 0 : i32
        %dma_start3A_750 = arith.constant 0 : i32
        %dma_start3A_751 = tpu.memref_slice %dma_start3A_748[%dma_start3A_749, %dma_start3A_750] : memref<8192x1024xf32, #tpu.memory_space<hbm>> -> memref<8192x1024xf32, #tpu.memory_space<hbm>>
        tpu.enqueue_indirect_dma source(%arg7 : memref<16x1024xf32, #tpu.memory_space<vmem>>) target(%dma_start3A_751 : memref<8192x1024xf32, #tpu.memory_space<hbm>>) offsets(%select_n3A : vector<16xi32>) semaphore(%arg11 : memref<!tpu.dma_semaphore, #tpu.memory_space<semaphore_mem>>)
        %dma_wait3A_752 = arith.constant 0 : i32
        %dma_wait3A_753 = arith.constant 0 : i32
        %dma_wait3A_754 = arith.constant 0 : i32
        %dma_wait3A_755 = tpu.memref_slice %arg5[%dma_wait3A_752, %dma_wait3A_753, %dma_wait3A_754] : memref<4x8192x1024xf32, #tpu.memory_space<hbm>> -> memref<1x8192x1024xf32, #tpu.memory_space<hbm>>
        %dma_wait3A_756 = tpu.memref_squeeze %dma_wait3A_755 : memref<1x8192x1024xf32, #tpu.memory_space<hbm>> -> memref<8192x1024xf32, #tpu.memory_space<hbm>>
        %dma_wait3A_757 = arith.constant 0 : i32
        %dma_wait3A_758 = arith.constant 0 : i32
        %dma_wait3A_759 = tpu.memref_slice %dma_wait3A_756[%dma_wait3A_757, %dma_wait3A_758] : memref<8192x1024xf32, #tpu.memory_space<hbm>> -> memref<8192x1024xf32, #tpu.memory_space<hbm>>
        tpu.wait_indirect_dma semaphore(%arg11 : memref<!tpu.dma_semaphore, #tpu.memory_space<semaphore_mem>>) src(%arg7 : memref<16x1024xf32, #tpu.memory_space<vmem>>) dst(%dma_wait3A_759 : memref<8192x1024xf32, #tpu.memory_space<hbm>>)
      } else {
      }
      %mul3A_491 = arith.constant 64 : i32
      %mul3A_492 = arith.muli %scan3A_438, %mul3A_491 : i32
      %add3A_493 = arith.constant 48 : i32
      %add3A_494 = arith.addi %mul3A_492, %add3A_493 : i32
      %get3A_495 = arith.constant 0 : i32
      %get3A_496 = arith.index_cast %get3A_495 : i32 to index
      %get3A_497 = arith.index_cast %add3A_494 : i32 to index
      %get3A_498 = tpu.vector_load %arg6[%get3A_496, %get3A_497] {strides = array<i32>} : memref<4x256xi32, #tpu.memory_space<vmem>>, vector<16xi32>,
      %eq3A_499 = arith.constant 0 : i32
      %eq3A_500 = vector.broadcast %eq3A_499 : i32 to vector<16xi32>
      %eq3A_501 = arith.cmpi eq, %get3A_498, %eq3A_500 : vector<16xi32>
      %all_reduce_population_count3A_502 = tpu.all_reduce %eq3A_501 {dim = 0 : i64, kind = #tpu.reduction_kind<sum>} : vector<16xi1> -> vector<16xi32>
      %slice3A_503 = vector.extract_strided_slice %all_reduce_population_count3A_502 {offsets = [0], sizes = [1], strides = [1]} : vector<16xi32> to vector<1xi32>
      %squeeze3A_504 = vector.extract %slice3A_503[0] : i32 from vector<1xi32>
      %gt3A_505 = arith.constant 0 : i32
      %gt3A_506 = arith.cmpi sgt, %squeeze3A_504, %gt3A_505 : i32
      %convert_element_type3A_507 = arith.extui %gt3A_506 : i1 to i32
      %cond3A_508 = arith.constant 0 : i32
      %cond3A_509 = arith.cmpi ne, %convert_element_type3A_507, %cond3A_508 : i32
      scf.if %cond3A_509 {
        %add3A_738 = arith.constant 48 : i32
        %add3A_739 = arith.addi %add3A_441, %add3A_738 : i32
        %iota3A = tpu.iota {dimensions = array<i32: 0>} : vector<16xi32>
        %add3A_740 = vector.broadcast %add3A_739 : i32 to vector<16xi32>
        %add3A_741 = arith.addi %add3A_740, %iota3A : vector<16xi32>
        %all_reduce_ffs3A = tpu.all_reduce %eq3A_501 {dim = 0 : i64, kind = #tpu.reduction_kind<find_first_set>} : vector<16xi1> -> vector<16xi32>
        %add3A_742 = vector.broadcast %add3A_739 : i32 to vector<16xi32>
        %add3A_743 = arith.addi %add3A_742, %all_reduce_ffs3A : vector<16xi32>
        %select_n3A = arith.select %eq3A_501, %add3A_741, %add3A_743 : vector<16xi1>, vector<16xi32>
        %dma_start3A_744 = arith.constant 0 : i32
        %dma_start3A_745 = arith.constant 0 : i32
        %dma_start3A_746 = arith.constant 0 : i32
        %dma_start3A_747 = tpu.memref_slice %arg5[%dma_start3A_744, %dma_start3A_745, %dma_start3A_746] : memref<4x8192x1024xf32, #tpu.memory_space<hbm>> -> memref<1x8192x1024xf32, #tpu.memory_space<hbm>>
        %dma_start3A_748 = tpu.memref_squeeze %dma_start3A_747 : memref<1x8192x1024xf32, #tpu.memory_space<hbm>> -> memref<8192x1024xf32, #tpu.memory_space<hbm>>
        %dma_start3A_749 = arith.constant 0 : i32
        %dma_start3A_750 = arith.constant 0 : i32
        %dma_start3A_751 = tpu.memref_slice %dma_start3A_748[%dma_start3A_749, %dma_start3A_750] : memref<8192x1024xf32, #tpu.memory_space<hbm>> -> memref<8192x1024xf32, #tpu.memory_space<hbm>>
        tpu.enqueue_indirect_dma source(%arg7 : memref<16x1024xf32, #tpu.memory_space<vmem>>) target(%dma_start3A_751 : memref<8192x1024xf32, #tpu.memory_space<hbm>>) offsets(%select_n3A : vector<16xi32>) semaphore(%arg11 : memref<!tpu.dma_semaphore, #tpu.memory_space<semaphore_mem>>)
        %dma_wait3A_752 = arith.constant 0 : i32
        %dma_wait3A_753 = arith.constant 0 : i32
        %dma_wait3A_754 = arith.constant 0 : i32
        %dma_wait3A_755 = tpu.memref_slice %arg5[%dma_wait3A_752, %dma_wait3A_753, %dma_wait3A_754] : memref<4x8192x1024xf32, #tpu.memory_space<hbm>> -> memref<1x8192x1024xf32, #tpu.memory_space<hbm>>
        %dma_wait3A_756 = tpu.memref_squeeze %dma_wait3A_755 : memref<1x8192x1024xf32, #tpu.memory_space<hbm>> -> memref<8192x1024xf32, #tpu.memory_space<hbm>>
        %dma_wait3A_757 = arith.constant 0 : i32
        %dma_wait3A_758 = arith.constant 0 : i32
        %dma_wait3A_759 = tpu.memref_slice %dma_wait3A_756[%dma_wait3A_757, %dma_wait3A_758] : memref<8192x1024xf32, #tpu.memory_space<hbm>> -> memref<8192x1024xf32, #tpu.memory_space<hbm>>
        tpu.wait_indirect_dma semaphore(%arg11 : memref<!tpu.dma_semaphore, #tpu.memory_space<semaphore_mem>>) src(%arg7 : memref<16x1024xf32, #tpu.memory_space<vmem>>) dst(%dma_wait3A_759 : memref<8192x1024xf32, #tpu.memory_space<hbm>>)
      } else {
      }
      %mul3A_510 = arith.constant 64 : i32
      %mul3A_511 = arith.muli %scan3A_438, %mul3A_510 : i32
      %add3A_512 = arith.constant 0 : i32
      %add3A_513 = arith.addi %mul3A_511, %add3A_512 : i32
      %get3A_514 = arith.constant 1 : i32
      %get3A_515 = arith.index_cast %get3A_514 : i32 to index
      %get3A_516 = arith.index_cast %add3A_513 : i32 to index
      %get3A_517 = tpu.vector_load %arg6[%get3A_515, %get3A_516] {strides = array<i32>} : memref<4x256xi32, #tpu.memory_space<vmem>>, vector<16xi32>,
      %eq3A_518 = arith.constant 0 : i32
      %eq3A_519 = vector.broadcast %eq3A_518 : i32 to vector<16xi32>
      %eq3A_520 = arith.cmpi eq, %get3A_517, %eq3A_519 : vector<16xi32>
      %all_reduce_population_count3A_521 = tpu.all_reduce %eq3A_520 {dim = 0 : i64, kind = #tpu.reduction_kind<sum>} : vector<16xi1> -> vector<16xi32>
      %slice3A_522 = vector.extract_strided_slice %all_reduce_population_count3A_521 {offsets = [0], sizes = [1], strides = [1]} : vector<16xi32> to vector<1xi32>
      %squeeze3A_523 = vector.extract %slice3A_522[0] : i32 from vector<1xi32>
      %gt3A_524 = arith.constant 0 : i32
      %gt3A_525 = arith.cmpi sgt, %squeeze3A_523, %gt3A_524 : i32
      %convert_element_type3A_526 = arith.extui %gt3A_525 : i1 to i32
      %cond3A_527 = arith.constant 0 : i32
      %cond3A_528 = arith.cmpi ne, %convert_element_type3A_526, %cond3A_527 : i32
      scf.if %cond3A_528 {
        %add3A_738 = arith.constant 0 : i32
        %add3A_739 = arith.addi %add3A_441, %add3A_738 : i32
        %iota3A = tpu.iota {dimensions = array<i32: 0>} : vector<16xi32>
        %add3A_740 = vector.broadcast %add3A_739 : i32 to vector<16xi32>
        %add3A_741 = arith.addi %add3A_740, %iota3A : vector<16xi32>
        %all_reduce_ffs3A = tpu.all_reduce %eq3A_520 {dim = 0 : i64, kind = #tpu.reduction_kind<find_first_set>} : vector<16xi1> -> vector<16xi32>
        %add3A_742 = vector.broadcast %add3A_739 : i32 to vector<16xi32>
        %add3A_743 = arith.addi %add3A_742, %all_reduce_ffs3A : vector<16xi32>
        %select_n3A = arith.select %eq3A_520, %add3A_741, %add3A_743 : vector<16xi1>, vector<16xi32>
        %dma_start3A_744 = arith.constant 1 : i32
        %dma_start3A_745 = arith.constant 0 : i32
        %dma_start3A_746 = arith.constant 0 : i32
        %dma_start3A_747 = tpu.memref_slice %arg5[%dma_start3A_744, %dma_start3A_745, %dma_start3A_746] : memref<4x8192x1024xf32, #tpu.memory_space<hbm>> -> memref<1x8192x1024xf32, #tpu.memory_space<hbm>>
        %dma_start3A_748 = tpu.memref_squeeze %dma_start3A_747 : memref<1x8192x1024xf32, #tpu.memory_space<hbm>> -> memref<8192x1024xf32, #tpu.memory_space<hbm>>
        %dma_start3A_749 = arith.constant 0 : i32
        %dma_start3A_750 = arith.constant 0 : i32
        %dma_start3A_751 = tpu.memref_slice %dma_start3A_748[%dma_start3A_749, %dma_start3A_750] : memref<8192x1024xf32, #tpu.memory_space<hbm>> -> memref<8192x1024xf32, #tpu.memory_space<hbm>>
        tpu.enqueue_indirect_dma source(%arg7 : memref<16x1024xf32, #tpu.memory_space<vmem>>) target(%dma_start3A_751 : memref<8192x1024xf32, #tpu.memory_space<hbm>>) offsets(%select_n3A : vector<16xi32>) semaphore(%arg11 : memref<!tpu.dma_semaphore, #tpu.memory_space<semaphore_mem>>)
        %dma_wait3A_752 = arith.constant 1 : i32
        %dma_wait3A_753 = arith.constant 0 : i32
        %dma_wait3A_754 = arith.constant 0 : i32
        %dma_wait3A_755 = tpu.memref_slice %arg5[%dma_wait3A_752, %dma_wait3A_753, %dma_wait3A_754] : memref<4x8192x1024xf32, #tpu.memory_space<hbm>> -> memref<1x8192x1024xf32, #tpu.memory_space<hbm>>
        %dma_wait3A_756 = tpu.memref_squeeze %dma_wait3A_755 : memref<1x8192x1024xf32, #tpu.memory_space<hbm>> -> memref<8192x1024xf32, #tpu.memory_space<hbm>>
        %dma_wait3A_757 = arith.constant 0 : i32
        %dma_wait3A_758 = arith.constant 0 : i32
        %dma_wait3A_759 = tpu.memref_slice %dma_wait3A_756[%dma_wait3A_757, %dma_wait3A_758] : memref<8192x1024xf32, #tpu.memory_space<hbm>> -> memref<8192x1024xf32, #tpu.memory_space<hbm>>
        tpu.wait_indirect_dma semaphore(%arg11 : memref<!tpu.dma_semaphore, #tpu.memory_space<semaphore_mem>>) src(%arg7 : memref<16x1024xf32, #tpu.memory_space<vmem>>) dst(%dma_wait3A_759 : memref<8192x1024xf32, #tpu.memory_space<hbm>>)
      } else {
      }
      %mul3A_529 = arith.constant 64 : i32
      %mul3A_530 = arith.muli %scan3A_438, %mul3A_529 : i32
      %add3A_531 = arith.constant 16 : i32
      %add3A_532 = arith.addi %mul3A_530, %add3A_531 : i32
      %get3A_533 = arith.constant 1 : i32
      %get3A_534 = arith.index_cast %get3A_533 : i32 to index
      %get3A_535 = arith.index_cast %add3A_532 : i32 to index
      %get3A_536 = tpu.vector_load %arg6[%get3A_534, %get3A_535] {strides = array<i32>} : memref<4x256xi32, #tpu.memory_space<vmem>>, vector<16xi32>,
      %eq3A_537 = arith.constant 0 : i32
      %eq3A_538 = vector.broadcast %eq3A_537 : i32 to vector<16xi32>
      %eq3A_539 = arith.cmpi eq, %get3A_536, %eq3A_538 : vector<16xi32>
      %all_reduce_population_count3A_540 = tpu.all_reduce %eq3A_539 {dim = 0 : i64, kind = #tpu.reduction_kind<sum>} : vector<16xi1> -> vector<16xi32>
      %slice3A_541 = vector.extract_strided_slice %all_reduce_population_count3A_540 {offsets = [0], sizes = [1], strides = [1]} : vector<16xi32> to vector<1xi32>
      %squeeze3A_542 = vector.extract %slice3A_541[0] : i32 from vector<1xi32>
      %gt3A_543 = arith.constant 0 : i32
      %gt3A_544 = arith.cmpi sgt, %squeeze3A_542, %gt3A_543 : i32
      %convert_element_type3A_545 = arith.extui %gt3A_544 : i1 to i32
      %cond3A_546 = arith.constant 0 : i32
      %cond3A_547 = arith.cmpi ne, %convert_element_type3A_545, %cond3A_546 : i32
      scf.if %cond3A_547 {
        %add3A_738 = arith.constant 16 : i32
        %add3A_739 = arith.addi %add3A_441, %add3A_738 : i32
        %iota3A = tpu.iota {dimensions = array<i32: 0>} : vector<16xi32>
        %add3A_740 = vector.broadcast %add3A_739 : i32 to vector<16xi32>
        %add3A_741 = arith.addi %add3A_740, %iota3A : vector<16xi32>
        %all_reduce_ffs3A = tpu.all_reduce %eq3A_539 {dim = 0 : i64, kind = #tpu.reduction_kind<find_first_set>} : vector<16xi1> -> vector<16xi32>
        %add3A_742 = vector.broadcast %add3A_739 : i32 to vector<16xi32>
        %add3A_743 = arith.addi %add3A_742, %all_reduce_ffs3A : vector<16xi32>
        %select_n3A = arith.select %eq3A_539, %add3A_741, %add3A_743 : vector<16xi1>, vector<16xi32>
        %dma_start3A_744 = arith.constant 1 : i32
        %dma_start3A_745 = arith.constant 0 : i32
        %dma_start3A_746 = arith.constant 0 : i32
        %dma_start3A_747 = tpu.memref_slice %arg5[%dma_start3A_744, %dma_start3A_745, %dma_start3A_746] : memref<4x8192x1024xf32, #tpu.memory_space<hbm>> -> memref<1x8192x1024xf32, #tpu.memory_space<hbm>>
        %dma_start3A_748 = tpu.memref_squeeze %dma_start3A_747 : memref<1x8192x1024xf32, #tpu.memory_space<hbm>> -> memref<8192x1024xf32, #tpu.memory_space<hbm>>
        %dma_start3A_749 = arith.constant 0 : i32
        %dma_start3A_750 = arith.constant 0 : i32
        %dma_start3A_751 = tpu.memref_slice %dma_start3A_748[%dma_start3A_749, %dma_start3A_750] : memref<8192x1024xf32, #tpu.memory_space<hbm>> -> memref<8192x1024xf32, #tpu.memory_space<hbm>>
        tpu.enqueue_indirect_dma source(%arg7 : memref<16x1024xf32, #tpu.memory_space<vmem>>) target(%dma_start3A_751 : memref<8192x1024xf32, #tpu.memory_space<hbm>>) offsets(%select_n3A : vector<16xi32>) semaphore(%arg11 : memref<!tpu.dma_semaphore, #tpu.memory_space<semaphore_mem>>)
        %dma_wait3A_752 = arith.constant 1 : i32
        %dma_wait3A_753 = arith.constant 0 : i32
        %dma_wait3A_754 = arith.constant 0 : i32
        %dma_wait3A_755 = tpu.memref_slice %arg5[%dma_wait3A_752, %dma_wait3A_753, %dma_wait3A_754] : memref<4x8192x1024xf32, #tpu.memory_space<hbm>> -> memref<1x8192x1024xf32, #tpu.memory_space<hbm>>
        %dma_wait3A_756 = tpu.memref_squeeze %dma_wait3A_755 : memref<1x8192x1024xf32, #tpu.memory_space<hbm>> -> memref<8192x1024xf32, #tpu.memory_space<hbm>>
        %dma_wait3A_757 = arith.constant 0 : i32
        %dma_wait3A_758 = arith.constant 0 : i32
        %dma_wait3A_759 = tpu.memref_slice %dma_wait3A_756[%dma_wait3A_757, %dma_wait3A_758] : memref<8192x1024xf32, #tpu.memory_space<hbm>> -> memref<8192x1024xf32, #tpu.memory_space<hbm>>
        tpu.wait_indirect_dma semaphore(%arg11 : memref<!tpu.dma_semaphore, #tpu.memory_space<semaphore_mem>>) src(%arg7 : memref<16x1024xf32, #tpu.memory_space<vmem>>) dst(%dma_wait3A_759 : memref<8192x1024xf32, #tpu.memory_space<hbm>>)
      } else {
      }
      %mul3A_548 = arith.constant 64 : i32
      %mul3A_549 = arith.muli %scan3A_438, %mul3A_548 : i32
      %add3A_550 = arith.constant 32 : i32
      %add3A_551 = arith.addi %mul3A_549, %add3A_550 : i32
      %get3A_552 = arith.constant 1 : i32
      %get3A_553 = arith.index_cast %get3A_552 : i32 to index
      %get3A_554 = arith.index_cast %add3A_551 : i32 to index
      %get3A_555 = tpu.vector_load %arg6[%get3A_553, %get3A_554] {strides = array<i32>} : memref<4x256xi32, #tpu.memory_space<vmem>>, vector<16xi32>,
      %eq3A_556 = arith.constant 0 : i32
      %eq3A_557 = vector.broadcast %eq3A_556 : i32 to vector<16xi32>
      %eq3A_558 = arith.cmpi eq, %get3A_555, %eq3A_557 : vector<16xi32>
      %all_reduce_population_count3A_559 = tpu.all_reduce %eq3A_558 {dim = 0 : i64, kind = #tpu.reduction_kind<sum>} : vector<16xi1> -> vector<16xi32>
      %slice3A_560 = vector.extract_strided_slice %all_reduce_population_count3A_559 {offsets = [0], sizes = [1], strides = [1]} : vector<16xi32> to vector<1xi32>
      %squeeze3A_561 = vector.extract %slice3A_560[0] : i32 from vector<1xi32>
      %gt3A_562 = arith.constant 0 : i32
      %gt3A_563 = arith.cmpi sgt, %squeeze3A_561, %gt3A_562 : i32
      %convert_element_type3A_564 = arith.extui %gt3A_563 : i1 to i32
      %cond3A_565 = arith.constant 0 : i32
      %cond3A_566 = arith.cmpi ne, %convert_element_type3A_564, %cond3A_565 : i32
      scf.if %cond3A_566 {
        %add3A_738 = arith.constant 32 : i32
        %add3A_739 = arith.addi %add3A_441, %add3A_738 : i32
        %iota3A = tpu.iota {dimensions = array<i32: 0>} : vector<16xi32>
        %add3A_740 = vector.broadcast %add3A_739 : i32 to vector<16xi32>
        %add3A_741 = arith.addi %add3A_740, %iota3A : vector<16xi32>
        %all_reduce_ffs3A = tpu.all_reduce %eq3A_558 {dim = 0 : i64, kind = #tpu.reduction_kind<find_first_set>} : vector<16xi1> -> vector<16xi32>
        %add3A_742 = vector.broadcast %add3A_739 : i32 to vector<16xi32>
        %add3A_743 = arith.addi %add3A_742, %all_reduce_ffs3A : vector<16xi32>
        %select_n3A = arith.select %eq3A_558, %add3A_741, %add3A_743 : vector<16xi1>, vector<16xi32>
        %dma_start3A_744 = arith.constant 1 : i32
        %dma_start3A_745 = arith.constant 0 : i32
        %dma_start3A_746 = arith.constant 0 : i32
        %dma_start3A_747 = tpu.memref_slice %arg5[%dma_start3A_744, %dma_start3A_745, %dma_start3A_746] : memref<4x8192x1024xf32, #tpu.memory_space<hbm>> -> memref<1x8192x1024xf32, #tpu.memory_space<hbm>>
        %dma_start3A_748 = tpu.memref_squeeze %dma_start3A_747 : memref<1x8192x1024xf32, #tpu.memory_space<hbm>> -> memref<8192x1024xf32, #tpu.memory_space<hbm>>
        %dma_start3A_749 = arith.constant 0 : i32
        %dma_start3A_750 = arith.constant 0 : i32
        %dma_start3A_751 = tpu.memref_slice %dma_start3A_748[%dma_start3A_749, %dma_start3A_750] : memref<8192x1024xf32, #tpu.memory_space<hbm>> -> memref<8192x1024xf32, #tpu.memory_space<hbm>>
        tpu.enqueue_indirect_dma source(%arg7 : memref<16x1024xf32, #tpu.memory_space<vmem>>) target(%dma_start3A_751 : memref<8192x1024xf32, #tpu.memory_space<hbm>>) offsets(%select_n3A : vector<16xi32>) semaphore(%arg11 : memref<!tpu.dma_semaphore, #tpu.memory_space<semaphore_mem>>)
        %dma_wait3A_752 = arith.constant 1 : i32
        %dma_wait3A_753 = arith.constant 0 : i32
        %dma_wait3A_754 = arith.constant 0 : i32
        %dma_wait3A_755 = tpu.memref_slice %arg5[%dma_wait3A_752, %dma_wait3A_753, %dma_wait3A_754] : memref<4x8192x1024xf32, #tpu.memory_space<hbm>> -> memref<1x8192x1024xf32, #tpu.memory_space<hbm>>
        %dma_wait3A_756 = tpu.memref_squeeze %dma_wait3A_755 : memref<1x8192x1024xf32, #tpu.memory_space<hbm>> -> memref<8192x1024xf32, #tpu.memory_space<hbm>>
        %dma_wait3A_757 = arith.constant 0 : i32
        %dma_wait3A_758 = arith.constant 0 : i32
        %dma_wait3A_759 = tpu.memref_slice %dma_wait3A_756[%dma_wait3A_757, %dma_wait3A_758] : memref<8192x1024xf32, #tpu.memory_space<hbm>> -> memref<8192x1024xf32, #tpu.memory_space<hbm>>
        tpu.wait_indirect_dma semaphore(%arg11 : memref<!tpu.dma_semaphore, #tpu.memory_space<semaphore_mem>>) src(%arg7 : memref<16x1024xf32, #tpu.memory_space<vmem>>) dst(%dma_wait3A_759 : memref<8192x1024xf32, #tpu.memory_space<hbm>>)
      } else {
      }
      %mul3A_567 = arith.constant 64 : i32
      %mul3A_568 = arith.muli %scan3A_438, %mul3A_567 : i32
      %add3A_569 = arith.constant 48 : i32
      %add3A_570 = arith.addi %mul3A_568, %add3A_569 : i32
      %get3A_571 = arith.constant 1 : i32
      %get3A_572 = arith.index_cast %get3A_571 : i32 to index
      %get3A_573 = arith.index_cast %add3A_570 : i32 to index
      %get3A_574 = tpu.vector_load %arg6[%get3A_572, %get3A_573] {strides = array<i32>} : memref<4x256xi32, #tpu.memory_space<vmem>>, vector<16xi32>,
      %eq3A_575 = arith.constant 0 : i32
      %eq3A_576 = vector.broadcast %eq3A_575 : i32 to vector<16xi32>
      %eq3A_577 = arith.cmpi eq, %get3A_574, %eq3A_576 : vector<16xi32>
      %all_reduce_population_count3A_578 = tpu.all_reduce %eq3A_577 {dim = 0 : i64, kind = #tpu.reduction_kind<sum>} : vector<16xi1> -> vector<16xi32>
      %slice3A_579 = vector.extract_strided_slice %all_reduce_population_count3A_578 {offsets = [0], sizes = [1], strides = [1]} : vector<16xi32> to vector<1xi32>
      %squeeze3A_580 = vector.extract %slice3A_579[0] : i32 from vector<1xi32>
      %gt3A_581 = arith.constant 0 : i32
      %gt3A_582 = arith.cmpi sgt, %squeeze3A_580, %gt3A_581 : i32
      %convert_element_type3A_583 = arith.extui %gt3A_582 : i1 to i32
      %cond3A_584 = arith.constant 0 : i32
      %cond3A_585 = arith.cmpi ne, %convert_element_type3A_583, %cond3A_584 : i32
      scf.if %cond3A_585 {
        %add3A_738 = arith.constant 48 : i32
        %add3A_739 = arith.addi %add3A_441, %add3A_738 : i32
        %iota3A = tpu.iota {dimensions = array<i32: 0>} : vector<16xi32>
        %add3A_740 = vector.broadcast %add3A_739 : i32 to vector<16xi32>
        %add3A_741 = arith.addi %add3A_740, %iota3A : vector<16xi32>
        %all_reduce_ffs3A = tpu.all_reduce %eq3A_577 {dim = 0 : i64, kind = #tpu.reduction_kind<find_first_set>} : vector<16xi1> -> vector<16xi32>
        %add3A_742 = vector.broadcast %add3A_739 : i32 to vector<16xi32>
        %add3A_743 = arith.addi %add3A_742, %all_reduce_ffs3A : vector<16xi32>
        %select_n3A = arith.select %eq3A_577, %add3A_741, %add3A_743 : vector<16xi1>, vector<16xi32>
        %dma_start3A_744 = arith.constant 1 : i32
        %dma_start3A_745 = arith.constant 0 : i32
        %dma_start3A_746 = arith.constant 0 : i32
        %dma_start3A_747 = tpu.memref_slice %arg5[%dma_start3A_744, %dma_start3A_745, %dma_start3A_746] : memref<4x8192x1024xf32, #tpu.memory_space<hbm>> -> memref<1x8192x1024xf32, #tpu.memory_space<hbm>>
        %dma_start3A_748 = tpu.memref_squeeze %dma_start3A_747 : memref<1x8192x1024xf32, #tpu.memory_space<hbm>> -> memref<8192x1024xf32, #tpu.memory_space<hbm>>
        %dma_start3A_749 = arith.constant 0 : i32
        %dma_start3A_750 = arith.constant 0 : i32
        %dma_start3A_751 = tpu.memref_slice %dma_start3A_748[%dma_start3A_749, %dma_start3A_750] : memref<8192x1024xf32, #tpu.memory_space<hbm>> -> memref<8192x1024xf32, #tpu.memory_space<hbm>>
        tpu.enqueue_indirect_dma source(%arg7 : memref<16x1024xf32, #tpu.memory_space<vmem>>) target(%dma_start3A_751 : memref<8192x1024xf32, #tpu.memory_space<hbm>>) offsets(%select_n3A : vector<16xi32>) semaphore(%arg11 : memref<!tpu.dma_semaphore, #tpu.memory_space<semaphore_mem>>)
        %dma_wait3A_752 = arith.constant 1 : i32
        %dma_wait3A_753 = arith.constant 0 : i32
        %dma_wait3A_754 = arith.constant 0 : i32
        %dma_wait3A_755 = tpu.memref_slice %arg5[%dma_wait3A_752, %dma_wait3A_753, %dma_wait3A_754] : memref<4x8192x1024xf32, #tpu.memory_space<hbm>> -> memref<1x8192x1024xf32, #tpu.memory_space<hbm>>
        %dma_wait3A_756 = tpu.memref_squeeze %dma_wait3A_755 : memref<1x8192x1024xf32, #tpu.memory_space<hbm>> -> memref<8192x1024xf32, #tpu.memory_space<hbm>>
        %dma_wait3A_757 = arith.constant 0 : i32
        %dma_wait3A_758 = arith.constant 0 : i32
        %dma_wait3A_759 = tpu.memref_slice %dma_wait3A_756[%dma_wait3A_757, %dma_wait3A_758] : memref<8192x1024xf32, #tpu.memory_space<hbm>> -> memref<8192x1024xf32, #tpu.memory_space<hbm>>
        tpu.wait_indirect_dma semaphore(%arg11 : memref<!tpu.dma_semaphore, #tpu.memory_space<semaphore_mem>>) src(%arg7 : memref<16x1024xf32, #tpu.memory_space<vmem>>) dst(%dma_wait3A_759 : memref<8192x1024xf32, #tpu.memory_space<hbm>>)
      } else {
      }
      %mul3A_586 = arith.constant 64 : i32
      %mul3A_587 = arith.muli %scan3A_438, %mul3A_586 : i32
      %add3A_588 = arith.constant 0 : i32
      %add3A_589 = arith.addi %mul3A_587, %add3A_588 : i32
      %get3A_590 = arith.constant 2 : i32
      %get3A_591 = arith.index_cast %get3A_590 : i32 to index
      %get3A_592 = arith.index_cast %add3A_589 : i32 to index
      %get3A_593 = tpu.vector_load %arg6[%get3A_591, %get3A_592] {strides = array<i32>} : memref<4x256xi32, #tpu.memory_space<vmem>>, vector<16xi32>,
      %eq3A_594 = arith.constant 0 : i32
      %eq3A_595 = vector.broadcast %eq3A_594 : i32 to vector<16xi32>
      %eq3A_596 = arith.cmpi eq, %get3A_593, %eq3A_595 : vector<16xi32>
      %all_reduce_population_count3A_597 = tpu.all_reduce %eq3A_596 {dim = 0 : i64, kind = #tpu.reduction_kind<sum>} : vector<16xi1> -> vector<16xi32>
      %slice3A_598 = vector.extract_strided_slice %all_reduce_population_count3A_597 {offsets = [0], sizes = [1], strides = [1]} : vector<16xi32> to vector<1xi32>
      %squeeze3A_599 = vector.extract %slice3A_598[0] : i32 from vector<1xi32>
      %gt3A_600 = arith.constant 0 : i32
      %gt3A_601 = arith.cmpi sgt, %squeeze3A_599, %gt3A_600 : i32
      %convert_element_type3A_602 = arith.extui %gt3A_601 : i1 to i32
      %cond3A_603 = arith.constant 0 : i32
      %cond3A_604 = arith.cmpi ne, %convert_element_type3A_602, %cond3A_603 : i32
      scf.if %cond3A_604 {
        %add3A_738 = arith.constant 0 : i32
        %add3A_739 = arith.addi %add3A_441, %add3A_738 : i32
        %iota3A = tpu.iota {dimensions = array<i32: 0>} : vector<16xi32>
        %add3A_740 = vector.broadcast %add3A_739 : i32 to vector<16xi32>
        %add3A_741 = arith.addi %add3A_740, %iota3A : vector<16xi32>
        %all_reduce_ffs3A = tpu.all_reduce %eq3A_596 {dim = 0 : i64, kind = #tpu.reduction_kind<find_first_set>} : vector<16xi1> -> vector<16xi32>
        %add3A_742 = vector.broadcast %add3A_739 : i32 to vector<16xi32>
        %add3A_743 = arith.addi %add3A_742, %all_reduce_ffs3A : vector<16xi32>
        %select_n3A = arith.select %eq3A_596, %add3A_741, %add3A_743 : vector<16xi1>, vector<16xi32>
        %dma_start3A_744 = arith.constant 2 : i32
        %dma_start3A_745 = arith.constant 0 : i32
        %dma_start3A_746 = arith.constant 0 : i32
        %dma_start3A_747 = tpu.memref_slice %arg5[%dma_start3A_744, %dma_start3A_745, %dma_start3A_746] : memref<4x8192x1024xf32, #tpu.memory_space<hbm>> -> memref<1x8192x1024xf32, #tpu.memory_space<hbm>>
        %dma_start3A_748 = tpu.memref_squeeze %dma_start3A_747 : memref<1x8192x1024xf32, #tpu.memory_space<hbm>> -> memref<8192x1024xf32, #tpu.memory_space<hbm>>
        %dma_start3A_749 = arith.constant 0 : i32
        %dma_start3A_750 = arith.constant 0 : i32
        %dma_start3A_751 = tpu.memref_slice %dma_start3A_748[%dma_start3A_749, %dma_start3A_750] : memref<8192x1024xf32, #tpu.memory_space<hbm>> -> memref<8192x1024xf32, #tpu.memory_space<hbm>>
        tpu.enqueue_indirect_dma source(%arg7 : memref<16x1024xf32, #tpu.memory_space<vmem>>) target(%dma_start3A_751 : memref<8192x1024xf32, #tpu.memory_space<hbm>>) offsets(%select_n3A : vector<16xi32>) semaphore(%arg11 : memref<!tpu.dma_semaphore, #tpu.memory_space<semaphore_mem>>)
        %dma_wait3A_752 = arith.constant 2 : i32
        %dma_wait3A_753 = arith.constant 0 : i32
        %dma_wait3A_754 = arith.constant 0 : i32
        %dma_wait3A_755 = tpu.memref_slice %arg5[%dma_wait3A_752, %dma_wait3A_753, %dma_wait3A_754] : memref<4x8192x1024xf32, #tpu.memory_space<hbm>> -> memref<1x8192x1024xf32, #tpu.memory_space<hbm>>
        %dma_wait3A_756 = tpu.memref_squeeze %dma_wait3A_755 : memref<1x8192x1024xf32, #tpu.memory_space<hbm>> -> memref<8192x1024xf32, #tpu.memory_space<hbm>>
        %dma_wait3A_757 = arith.constant 0 : i32
        %dma_wait3A_758 = arith.constant 0 : i32
        %dma_wait3A_759 = tpu.memref_slice %dma_wait3A_756[%dma_wait3A_757, %dma_wait3A_758] : memref<8192x1024xf32, #tpu.memory_space<hbm>> -> memref<8192x1024xf32, #tpu.memory_space<hbm>>
        tpu.wait_indirect_dma semaphore(%arg11 : memref<!tpu.dma_semaphore, #tpu.memory_space<semaphore_mem>>) src(%arg7 : memref<16x1024xf32, #tpu.memory_space<vmem>>) dst(%dma_wait3A_759 : memref<8192x1024xf32, #tpu.memory_space<hbm>>)
      } else {
      }
      %mul3A_605 = arith.constant 64 : i32
      %mul3A_606 = arith.muli %scan3A_438, %mul3A_605 : i32
      %add3A_607 = arith.constant 16 : i32
      %add3A_608 = arith.addi %mul3A_606, %add3A_607 : i32
      %get3A_609 = arith.constant 2 : i32
      %get3A_610 = arith.index_cast %get3A_609 : i32 to index
      %get3A_611 = arith.index_cast %add3A_608 : i32 to index
      %get3A_612 = tpu.vector_load %arg6[%get3A_610, %get3A_611] {strides = array<i32>} : memref<4x256xi32, #tpu.memory_space<vmem>>, vector<16xi32>,
      %eq3A_613 = arith.constant 0 : i32
      %eq3A_614 = vector.broadcast %eq3A_613 : i32 to vector<16xi32>
      %eq3A_615 = arith.cmpi eq, %get3A_612, %eq3A_614 : vector<16xi32>
      %all_reduce_population_count3A_616 = tpu.all_reduce %eq3A_615 {dim = 0 : i64, kind = #tpu.reduction_kind<sum>} : vector<16xi1> -> vector<16xi32>
      %slice3A_617 = vector.extract_strided_slice %all_reduce_population_count3A_616 {offsets = [0], sizes = [1], strides = [1]} : vector<16xi32> to vector<1xi32>
      %squeeze3A_618 = vector.extract %slice3A_617[0] : i32 from vector<1xi32>
      %gt3A_619 = arith.constant 0 : i32
      %gt3A_620 = arith.cmpi sgt, %squeeze3A_618, %gt3A_619 : i32
      %convert_element_type3A_621 = arith.extui %gt3A_620 : i1 to i32
      %cond3A_622 = arith.constant 0 : i32
      %cond3A_623 = arith.cmpi ne, %convert_element_type3A_621, %cond3A_622 : i32
      scf.if %cond3A_623 {
        %add3A_738 = arith.constant 16 : i32
        %add3A_739 = arith.addi %add3A_441, %add3A_738 : i32
        %iota3A = tpu.iota {dimensions = array<i32: 0>} : vector<16xi32>
        %add3A_740 = vector.broadcast %add3A_739 : i32 to vector<16xi32>
        %add3A_741 = arith.addi %add3A_740, %iota3A : vector<16xi32>
        %all_reduce_ffs3A = tpu.all_reduce %eq3A_615 {dim = 0 : i64, kind = #tpu.reduction_kind<find_first_set>} : vector<16xi1> -> vector<16xi32>
        %add3A_742 = vector.broadcast %add3A_739 : i32 to vector<16xi32>
        %add3A_743 = arith.addi %add3A_742, %all_reduce_ffs3A : vector<16xi32>
        %select_n3A = arith.select %eq3A_615, %add3A_741, %add3A_743 : vector<16xi1>, vector<16xi32>
        %dma_start3A_744 = arith.constant 2 : i32
        %dma_start3A_745 = arith.constant 0 : i32
        %dma_start3A_746 = arith.constant 0 : i32
        %dma_start3A_747 = tpu.memref_slice %arg5[%dma_start3A_744, %dma_start3A_745, %dma_start3A_746] : memref<4x8192x1024xf32, #tpu.memory_space<hbm>> -> memref<1x8192x1024xf32, #tpu.memory_space<hbm>>
        %dma_start3A_748 = tpu.memref_squeeze %dma_start3A_747 : memref<1x8192x1024xf32, #tpu.memory_space<hbm>> -> memref<8192x1024xf32, #tpu.memory_space<hbm>>
        %dma_start3A_749 = arith.constant 0 : i32
        %dma_start3A_750 = arith.constant 0 : i32
        %dma_start3A_751 = tpu.memref_slice %dma_start3A_748[%dma_start3A_749, %dma_start3A_750] : memref<8192x1024xf32, #tpu.memory_space<hbm>> -> memref<8192x1024xf32, #tpu.memory_space<hbm>>
        tpu.enqueue_indirect_dma source(%arg7 : memref<16x1024xf32, #tpu.memory_space<vmem>>) target(%dma_start3A_751 : memref<8192x1024xf32, #tpu.memory_space<hbm>>) offsets(%select_n3A : vector<16xi32>) semaphore(%arg11 : memref<!tpu.dma_semaphore, #tpu.memory_space<semaphore_mem>>)
        %dma_wait3A_752 = arith.constant 2 : i32
        %dma_wait3A_753 = arith.constant 0 : i32
        %dma_wait3A_754 = arith.constant 0 : i32
        %dma_wait3A_755 = tpu.memref_slice %arg5[%dma_wait3A_752, %dma_wait3A_753, %dma_wait3A_754] : memref<4x8192x1024xf32, #tpu.memory_space<hbm>> -> memref<1x8192x1024xf32, #tpu.memory_space<hbm>>
        %dma_wait3A_756 = tpu.memref_squeeze %dma_wait3A_755 : memref<1x8192x1024xf32, #tpu.memory_space<hbm>> -> memref<8192x1024xf32, #tpu.memory_space<hbm>>
        %dma_wait3A_757 = arith.constant 0 : i32
        %dma_wait3A_758 = arith.constant 0 : i32
        %dma_wait3A_759 = tpu.memref_slice %dma_wait3A_756[%dma_wait3A_757, %dma_wait3A_758] : memref<8192x1024xf32, #tpu.memory_space<hbm>> -> memref<8192x1024xf32, #tpu.memory_space<hbm>>
        tpu.wait_indirect_dma semaphore(%arg11 : memref<!tpu.dma_semaphore, #tpu.memory_space<semaphore_mem>>) src(%arg7 : memref<16x1024xf32, #tpu.memory_space<vmem>>) dst(%dma_wait3A_759 : memref<8192x1024xf32, #tpu.memory_space<hbm>>)
      } else {
      }
      %mul3A_624 = arith.constant 64 : i32
      %mul3A_625 = arith.muli %scan3A_438, %mul3A_624 : i32
      %add3A_626 = arith.constant 32 : i32
      %add3A_627 = arith.addi %mul3A_625, %add3A_626 : i32
      %get3A_628 = arith.constant 2 : i32
      %get3A_629 = arith.index_cast %get3A_628 : i32 to index
      %get3A_630 = arith.index_cast %add3A_627 : i32 to index
      %get3A_631 = tpu.vector_load %arg6[%get3A_629, %get3A_630] {strides = array<i32>} : memref<4x256xi32, #tpu.memory_space<vmem>>, vector<16xi32>,
      %eq3A_632 = arith.constant 0 : i32
      %eq3A_633 = vector.broadcast %eq3A_632 : i32 to vector<16xi32>
      %eq3A_634 = arith.cmpi eq, %get3A_631, %eq3A_633 : vector<16xi32>
      %all_reduce_population_count3A_635 = tpu.all_reduce %eq3A_634 {dim = 0 : i64, kind = #tpu.reduction_kind<sum>} : vector<16xi1> -> vector<16xi32>
      %slice3A_636 = vector.extract_strided_slice %all_reduce_population_count3A_635 {offsets = [0], sizes = [1], strides = [1]} : vector<16xi32> to vector<1xi32>
      %squeeze3A_637 = vector.extract %slice3A_636[0] : i32 from vector<1xi32>
      %gt3A_638 = arith.constant 0 : i32
      %gt3A_639 = arith.cmpi sgt, %squeeze3A_637, %gt3A_638 : i32
      %convert_element_type3A_640 = arith.extui %gt3A_639 : i1 to i32
      %cond3A_641 = arith.constant 0 : i32
      %cond3A_642 = arith.cmpi ne, %convert_element_type3A_640, %cond3A_641 : i32
      scf.if %cond3A_642 {
        %add3A_738 = arith.constant 32 : i32
        %add3A_739 = arith.addi %add3A_441, %add3A_738 : i32
        %iota3A = tpu.iota {dimensions = array<i32: 0>} : vector<16xi32>
        %add3A_740 = vector.broadcast %add3A_739 : i32 to vector<16xi32>
        %add3A_741 = arith.addi %add3A_740, %iota3A : vector<16xi32>
        %all_reduce_ffs3A = tpu.all_reduce %eq3A_634 {dim = 0 : i64, kind = #tpu.reduction_kind<find_first_set>} : vector<16xi1> -> vector<16xi32>
        %add3A_742 = vector.broadcast %add3A_739 : i32 to vector<16xi32>
        %add3A_743 = arith.addi %add3A_742, %all_reduce_ffs3A : vector<16xi32>
        %select_n3A = arith.select %eq3A_634, %add3A_741, %add3A_743 : vector<16xi1>, vector<16xi32>
        %dma_start3A_744 = arith.constant 2 : i32
        %dma_start3A_745 = arith.constant 0 : i32
        %dma_start3A_746 = arith.constant 0 : i32
        %dma_start3A_747 = tpu.memref_slice %arg5[%dma_start3A_744, %dma_start3A_745, %dma_start3A_746] : memref<4x8192x1024xf32, #tpu.memory_space<hbm>> -> memref<1x8192x1024xf32, #tpu.memory_space<hbm>>
        %dma_start3A_748 = tpu.memref_squeeze %dma_start3A_747 : memref<1x8192x1024xf32, #tpu.memory_space<hbm>> -> memref<8192x1024xf32, #tpu.memory_space<hbm>>
        %dma_start3A_749 = arith.constant 0 : i32
        %dma_start3A_750 = arith.constant 0 : i32
        %dma_start3A_751 = tpu.memref_slice %dma_start3A_748[%dma_start3A_749, %dma_start3A_750] : memref<8192x1024xf32, #tpu.memory_space<hbm>> -> memref<8192x1024xf32, #tpu.memory_space<hbm>>
        tpu.enqueue_indirect_dma source(%arg7 : memref<16x1024xf32, #tpu.memory_space<vmem>>) target(%dma_start3A_751 : memref<8192x1024xf32, #tpu.memory_space<hbm>>) offsets(%select_n3A : vector<16xi32>) semaphore(%arg11 : memref<!tpu.dma_semaphore, #tpu.memory_space<semaphore_mem>>)
        %dma_wait3A_752 = arith.constant 2 : i32
        %dma_wait3A_753 = arith.constant 0 : i32
        %dma_wait3A_754 = arith.constant 0 : i32
        %dma_wait3A_755 = tpu.memref_slice %arg5[%dma_wait3A_752, %dma_wait3A_753, %dma_wait3A_754] : memref<4x8192x1024xf32, #tpu.memory_space<hbm>> -> memref<1x8192x1024xf32, #tpu.memory_space<hbm>>
        %dma_wait3A_756 = tpu.memref_squeeze %dma_wait3A_755 : memref<1x8192x1024xf32, #tpu.memory_space<hbm>> -> memref<8192x1024xf32, #tpu.memory_space<hbm>>
        %dma_wait3A_757 = arith.constant 0 : i32
        %dma_wait3A_758 = arith.constant 0 : i32
        %dma_wait3A_759 = tpu.memref_slice %dma_wait3A_756[%dma_wait3A_757, %dma_wait3A_758] : memref<8192x1024xf32, #tpu.memory_space<hbm>> -> memref<8192x1024xf32, #tpu.memory_space<hbm>>
        tpu.wait_indirect_dma semaphore(%arg11 : memref<!tpu.dma_semaphore, #tpu.memory_space<semaphore_mem>>) src(%arg7 : memref<16x1024xf32, #tpu.memory_space<vmem>>) dst(%dma_wait3A_759 : memref<8192x1024xf32, #tpu.memory_space<hbm>>)
      } else {
      }
      %mul3A_643 = arith.constant 64 : i32
      %mul3A_644 = arith.muli %scan3A_438, %mul3A_643 : i32
      %add3A_645 = arith.constant 48 : i32
      %add3A_646 = arith.addi %mul3A_644, %add3A_645 : i32
      %get3A_647 = arith.constant 2 : i32
      %get3A_648 = arith.index_cast %get3A_647 : i32 to index
      %get3A_649 = arith.index_cast %add3A_646 : i32 to index
      %get3A_650 = tpu.vector_load %arg6[%get3A_648, %get3A_649] {strides = array<i32>} : memref<4x256xi32, #tpu.memory_space<vmem>>, vector<16xi32>,
      %eq3A_651 = arith.constant 0 : i32
      %eq3A_652 = vector.broadcast %eq3A_651 : i32 to vector<16xi32>
      %eq3A_653 = arith.cmpi eq, %get3A_650, %eq3A_652 : vector<16xi32>
      %all_reduce_population_count3A_654 = tpu.all_reduce %eq3A_653 {dim = 0 : i64, kind = #tpu.reduction_kind<sum>} : vector<16xi1> -> vector<16xi32>
      %slice3A_655 = vector.extract_strided_slice %all_reduce_population_count3A_654 {offsets = [0], sizes = [1], strides = [1]} : vector<16xi32> to vector<1xi32>
      %squeeze3A_656 = vector.extract %slice3A_655[0] : i32 from vector<1xi32>
      %gt3A_657 = arith.constant 0 : i32
      %gt3A_658 = arith.cmpi sgt, %squeeze3A_656, %gt3A_657 : i32
      %convert_element_type3A_659 = arith.extui %gt3A_658 : i1 to i32
      %cond3A_660 = arith.constant 0 : i32
      %cond3A_661 = arith.cmpi ne, %convert_element_type3A_659, %cond3A_660 : i32
      scf.if %cond3A_661 {
        %add3A_738 = arith.constant 48 : i32
        %add3A_739 = arith.addi %add3A_441, %add3A_738 : i32
        %iota3A = tpu.iota {dimensions = array<i32: 0>} : vector<16xi32>
        %add3A_740 = vector.broadcast %add3A_739 : i32 to vector<16xi32>
        %add3A_741 = arith.addi %add3A_740, %iota3A : vector<16xi32>
        %all_reduce_ffs3A = tpu.all_reduce %eq3A_653 {dim = 0 : i64, kind = #tpu.reduction_kind<find_first_set>} : vector<16xi1> -> vector<16xi32>
        %add3A_742 = vector.broadcast %add3A_739 : i32 to vector<16xi32>
        %add3A_743 = arith.addi %add3A_742, %all_reduce_ffs3A : vector<16xi32>
        %select_n3A = arith.select %eq3A_653, %add3A_741, %add3A_743 : vector<16xi1>, vector<16xi32>
        %dma_start3A_744 = arith.constant 2 : i32
        %dma_start3A_745 = arith.constant 0 : i32
        %dma_start3A_746 = arith.constant 0 : i32
        %dma_start3A_747 = tpu.memref_slice %arg5[%dma_start3A_744, %dma_start3A_745, %dma_start3A_746] : memref<4x8192x1024xf32, #tpu.memory_space<hbm>> -> memref<1x8192x1024xf32, #tpu.memory_space<hbm>>
        %dma_start3A_748 = tpu.memref_squeeze %dma_start3A_747 : memref<1x8192x1024xf32, #tpu.memory_space<hbm>> -> memref<8192x1024xf32, #tpu.memory_space<hbm>>
        %dma_start3A_749 = arith.constant 0 : i32
        %dma_start3A_750 = arith.constant 0 : i32
        %dma_start3A_751 = tpu.memref_slice %dma_start3A_748[%dma_start3A_749, %dma_start3A_750] : memref<8192x1024xf32, #tpu.memory_space<hbm>> -> memref<8192x1024xf32, #tpu.memory_space<hbm>>
        tpu.enqueue_indirect_dma source(%arg7 : memref<16x1024xf32, #tpu.memory_space<vmem>>) target(%dma_start3A_751 : memref<8192x1024xf32, #tpu.memory_space<hbm>>) offsets(%select_n3A : vector<16xi32>) semaphore(%arg11 : memref<!tpu.dma_semaphore, #tpu.memory_space<semaphore_mem>>)
        %dma_wait3A_752 = arith.constant 2 : i32
        %dma_wait3A_753 = arith.constant 0 : i32
        %dma_wait3A_754 = arith.constant 0 : i32
        %dma_wait3A_755 = tpu.memref_slice %arg5[%dma_wait3A_752, %dma_wait3A_753, %dma_wait3A_754] : memref<4x8192x1024xf32, #tpu.memory_space<hbm>> -> memref<1x8192x1024xf32, #tpu.memory_space<hbm>>
        %dma_wait3A_756 = tpu.memref_squeeze %dma_wait3A_755 : memref<1x8192x1024xf32, #tpu.memory_space<hbm>> -> memref<8192x1024xf32, #tpu.memory_space<hbm>>
        %dma_wait3A_757 = arith.constant 0 : i32
        %dma_wait3A_758 = arith.constant 0 : i32
        %dma_wait3A_759 = tpu.memref_slice %dma_wait3A_756[%dma_wait3A_757, %dma_wait3A_758] : memref<8192x1024xf32, #tpu.memory_space<hbm>> -> memref<8192x1024xf32, #tpu.memory_space<hbm>>
        tpu.wait_indirect_dma semaphore(%arg11 : memref<!tpu.dma_semaphore, #tpu.memory_space<semaphore_mem>>) src(%arg7 : memref<16x1024xf32, #tpu.memory_space<vmem>>) dst(%dma_wait3A_759 : memref<8192x1024xf32, #tpu.memory_space<hbm>>)
      } else {
      }
      %mul3A_662 = arith.constant 64 : i32
      %mul3A_663 = arith.muli %scan3A_438, %mul3A_662 : i32
      %add3A_664 = arith.constant 0 : i32
      %add3A_665 = arith.addi %mul3A_663, %add3A_664 : i32
      %get3A_666 = arith.constant 3 : i32
      %get3A_667 = arith.index_cast %get3A_666 : i32 to index
      %get3A_668 = arith.index_cast %add3A_665 : i32 to index
      %get3A_669 = tpu.vector_load %arg6[%get3A_667, %get3A_668] {strides = array<i32>} : memref<4x256xi32, #tpu.memory_space<vmem>>, vector<16xi32>,
      %eq3A_670 = arith.constant 0 : i32
      %eq3A_671 = vector.broadcast %eq3A_670 : i32 to vector<16xi32>
      %eq3A_672 = arith.cmpi eq, %get3A_669, %eq3A_671 : vector<16xi32>
      %all_reduce_population_count3A_673 = tpu.all_reduce %eq3A_672 {dim = 0 : i64, kind = #tpu.reduction_kind<sum>} : vector<16xi1> -> vector<16xi32>
      %slice3A_674 = vector.extract_strided_slice %all_reduce_population_count3A_673 {offsets = [0], sizes = [1], strides = [1]} : vector<16xi32> to vector<1xi32>
      %squeeze3A_675 = vector.extract %slice3A_674[0] : i32 from vector<1xi32>
      %gt3A_676 = arith.constant 0 : i32
      %gt3A_677 = arith.cmpi sgt, %squeeze3A_675, %gt3A_676 : i32
      %convert_element_type3A_678 = arith.extui %gt3A_677 : i1 to i32
      %cond3A_679 = arith.constant 0 : i32
      %cond3A_680 = arith.cmpi ne, %convert_element_type3A_678, %cond3A_679 : i32
      scf.if %cond3A_680 {
        %add3A_738 = arith.constant 0 : i32
        %add3A_739 = arith.addi %add3A_441, %add3A_738 : i32
        %iota3A = tpu.iota {dimensions = array<i32: 0>} : vector<16xi32>
        %add3A_740 = vector.broadcast %add3A_739 : i32 to vector<16xi32>
        %add3A_741 = arith.addi %add3A_740, %iota3A : vector<16xi32>
        %all_reduce_ffs3A = tpu.all_reduce %eq3A_672 {dim = 0 : i64, kind = #tpu.reduction_kind<find_first_set>} : vector<16xi1> -> vector<16xi32>
        %add3A_742 = vector.broadcast %add3A_739 : i32 to vector<16xi32>
        %add3A_743 = arith.addi %add3A_742, %all_reduce_ffs3A : vector<16xi32>
        %select_n3A = arith.select %eq3A_672, %add3A_741, %add3A_743 : vector<16xi1>, vector<16xi32>
        %dma_start3A_744 = arith.constant 3 : i32
        %dma_start3A_745 = arith.constant 0 : i32
        %dma_start3A_746 = arith.constant 0 : i32
        %dma_start3A_747 = tpu.memref_slice %arg5[%dma_start3A_744, %dma_start3A_745, %dma_start3A_746] : memref<4x8192x1024xf32, #tpu.memory_space<hbm>> -> memref<1x8192x1024xf32, #tpu.memory_space<hbm>>
        %dma_start3A_748 = tpu.memref_squeeze %dma_start3A_747 : memref<1x8192x1024xf32, #tpu.memory_space<hbm>> -> memref<8192x1024xf32, #tpu.memory_space<hbm>>
        %dma_start3A_749 = arith.constant 0 : i32
        %dma_start3A_750 = arith.constant 0 : i32
        %dma_start3A_751 = tpu.memref_slice %dma_start3A_748[%dma_start3A_749, %dma_start3A_750] : memref<8192x1024xf32, #tpu.memory_space<hbm>> -> memref<8192x1024xf32, #tpu.memory_space<hbm>>
        tpu.enqueue_indirect_dma source(%arg7 : memref<16x1024xf32, #tpu.memory_space<vmem>>) target(%dma_start3A_751 : memref<8192x1024xf32, #tpu.memory_space<hbm>>) offsets(%select_n3A : vector<16xi32>) semaphore(%arg11 : memref<!tpu.dma_semaphore, #tpu.memory_space<semaphore_mem>>)
        %dma_wait3A_752 = arith.constant 3 : i32
        %dma_wait3A_753 = arith.constant 0 : i32
        %dma_wait3A_754 = arith.constant 0 : i32
        %dma_wait3A_755 = tpu.memref_slice %arg5[%dma_wait3A_752, %dma_wait3A_753, %dma_wait3A_754] : memref<4x8192x1024xf32, #tpu.memory_space<hbm>> -> memref<1x8192x1024xf32, #tpu.memory_space<hbm>>
        %dma_wait3A_756 = tpu.memref_squeeze %dma_wait3A_755 : memref<1x8192x1024xf32, #tpu.memory_space<hbm>> -> memref<8192x1024xf32, #tpu.memory_space<hbm>>
        %dma_wait3A_757 = arith.constant 0 : i32
        %dma_wait3A_758 = arith.constant 0 : i32
        %dma_wait3A_759 = tpu.memref_slice %dma_wait3A_756[%dma_wait3A_757, %dma_wait3A_758] : memref<8192x1024xf32, #tpu.memory_space<hbm>> -> memref<8192x1024xf32, #tpu.memory_space<hbm>>
        tpu.wait_indirect_dma semaphore(%arg11 : memref<!tpu.dma_semaphore, #tpu.memory_space<semaphore_mem>>) src(%arg7 : memref<16x1024xf32, #tpu.memory_space<vmem>>) dst(%dma_wait3A_759 : memref<8192x1024xf32, #tpu.memory_space<hbm>>)
      } else {
      }
      %mul3A_681 = arith.constant 64 : i32
      %mul3A_682 = arith.muli %scan3A_438, %mul3A_681 : i32
      %add3A_683 = arith.constant 16 : i32
      %add3A_684 = arith.addi %mul3A_682, %add3A_683 : i32
      %get3A_685 = arith.constant 3 : i32
      %get3A_686 = arith.index_cast %get3A_685 : i32 to index
      %get3A_687 = arith.index_cast %add3A_684 : i32 to index
      %get3A_688 = tpu.vector_load %arg6[%get3A_686, %get3A_687] {strides = array<i32>} : memref<4x256xi32, #tpu.memory_space<vmem>>, vector<16xi32>,
      %eq3A_689 = arith.constant 0 : i32
      %eq3A_690 = vector.broadcast %eq3A_689 : i32 to vector<16xi32>
      %eq3A_691 = arith.cmpi eq, %get3A_688, %eq3A_690 : vector<16xi32>
      %all_reduce_population_count3A_692 = tpu.all_reduce %eq3A_691 {dim = 0 : i64, kind = #tpu.reduction_kind<sum>} : vector<16xi1> -> vector<16xi32>
      %slice3A_693 = vector.extract_strided_slice %all_reduce_population_count3A_692 {offsets = [0], sizes = [1], strides = [1]} : vector<16xi32> to vector<1xi32>
      %squeeze3A_694 = vector.extract %slice3A_693[0] : i32 from vector<1xi32>
      %gt3A_695 = arith.constant 0 : i32
      %gt3A_696 = arith.cmpi sgt, %squeeze3A_694, %gt3A_695 : i32
      %convert_element_type3A_697 = arith.extui %gt3A_696 : i1 to i32
      %cond3A_698 = arith.constant 0 : i32
      %cond3A_699 = arith.cmpi ne, %convert_element_type3A_697, %cond3A_698 : i32
      scf.if %cond3A_699 {
        %add3A_738 = arith.constant 16 : i32
        %add3A_739 = arith.addi %add3A_441, %add3A_738 : i32
        %iota3A = tpu.iota {dimensions = array<i32: 0>} : vector<16xi32>
        %add3A_740 = vector.broadcast %add3A_739 : i32 to vector<16xi32>
        %add3A_741 = arith.addi %add3A_740, %iota3A : vector<16xi32>
        %all_reduce_ffs3A = tpu.all_reduce %eq3A_691 {dim = 0 : i64, kind = #tpu.reduction_kind<find_first_set>} : vector<16xi1> -> vector<16xi32>
        %add3A_742 = vector.broadcast %add3A_739 : i32 to vector<16xi32>
        %add3A_743 = arith.addi %add3A_742, %all_reduce_ffs3A : vector<16xi32>
        %select_n3A = arith.select %eq3A_691, %add3A_741, %add3A_743 : vector<16xi1>, vector<16xi32>
        %dma_start3A_744 = arith.constant 3 : i32
        %dma_start3A_745 = arith.constant 0 : i32
        %dma_start3A_746 = arith.constant 0 : i32
        %dma_start3A_747 = tpu.memref_slice %arg5[%dma_start3A_744, %dma_start3A_745, %dma_start3A_746] : memref<4x8192x1024xf32, #tpu.memory_space<hbm>> -> memref<1x8192x1024xf32, #tpu.memory_space<hbm>>
        %dma_start3A_748 = tpu.memref_squeeze %dma_start3A_747 : memref<1x8192x1024xf32, #tpu.memory_space<hbm>> -> memref<8192x1024xf32, #tpu.memory_space<hbm>>
        %dma_start3A_749 = arith.constant 0 : i32
        %dma_start3A_750 = arith.constant 0 : i32
        %dma_start3A_751 = tpu.memref_slice %dma_start3A_748[%dma_start3A_749, %dma_start3A_750] : memref<8192x1024xf32, #tpu.memory_space<hbm>> -> memref<8192x1024xf32, #tpu.memory_space<hbm>>
        tpu.enqueue_indirect_dma source(%arg7 : memref<16x1024xf32, #tpu.memory_space<vmem>>) target(%dma_start3A_751 : memref<8192x1024xf32, #tpu.memory_space<hbm>>) offsets(%select_n3A : vector<16xi32>) semaphore(%arg11 : memref<!tpu.dma_semaphore, #tpu.memory_space<semaphore_mem>>)
        %dma_wait3A_752 = arith.constant 3 : i32
        %dma_wait3A_753 = arith.constant 0 : i32
        %dma_wait3A_754 = arith.constant 0 : i32
        %dma_wait3A_755 = tpu.memref_slice %arg5[%dma_wait3A_752, %dma_wait3A_753, %dma_wait3A_754] : memref<4x8192x1024xf32, #tpu.memory_space<hbm>> -> memref<1x8192x1024xf32, #tpu.memory_space<hbm>>
        %dma_wait3A_756 = tpu.memref_squeeze %dma_wait3A_755 : memref<1x8192x1024xf32, #tpu.memory_space<hbm>> -> memref<8192x1024xf32, #tpu.memory_space<hbm>>
        %dma_wait3A_757 = arith.constant 0 : i32
        %dma_wait3A_758 = arith.constant 0 : i32
        %dma_wait3A_759 = tpu.memref_slice %dma_wait3A_756[%dma_wait3A_757, %dma_wait3A_758] : memref<8192x1024xf32, #tpu.memory_space<hbm>> -> memref<8192x1024xf32, #tpu.memory_space<hbm>>
        tpu.wait_indirect_dma semaphore(%arg11 : memref<!tpu.dma_semaphore, #tpu.memory_space<semaphore_mem>>) src(%arg7 : memref<16x1024xf32, #tpu.memory_space<vmem>>) dst(%dma_wait3A_759 : memref<8192x1024xf32, #tpu.memory_space<hbm>>)
      } else {
      }
      %mul3A_700 = arith.constant 64 : i32
      %mul3A_701 = arith.muli %scan3A_438, %mul3A_700 : i32
      %add3A_702 = arith.constant 32 : i32
      %add3A_703 = arith.addi %mul3A_701, %add3A_702 : i32
      %get3A_704 = arith.constant 3 : i32
      %get3A_705 = arith.index_cast %get3A_704 : i32 to index
      %get3A_706 = arith.index_cast %add3A_703 : i32 to index
      %get3A_707 = tpu.vector_load %arg6[%get3A_705, %get3A_706] {strides = array<i32>} : memref<4x256xi32, #tpu.memory_space<vmem>>, vector<16xi32>,
      %eq3A_708 = arith.constant 0 : i32
      %eq3A_709 = vector.broadcast %eq3A_708 : i32 to vector<16xi32>
      %eq3A_710 = arith.cmpi eq, %get3A_707, %eq3A_709 : vector<16xi32>
      %all_reduce_population_count3A_711 = tpu.all_reduce %eq3A_710 {dim = 0 : i64, kind = #tpu.reduction_kind<sum>} : vector<16xi1> -> vector<16xi32>
      %slice3A_712 = vector.extract_strided_slice %all_reduce_population_count3A_711 {offsets = [0], sizes = [1], strides = [1]} : vector<16xi32> to vector<1xi32>
      %squeeze3A_713 = vector.extract %slice3A_712[0] : i32 from vector<1xi32>
      %gt3A_714 = arith.constant 0 : i32
      %gt3A_715 = arith.cmpi sgt, %squeeze3A_713, %gt3A_714 : i32
      %convert_element_type3A_716 = arith.extui %gt3A_715 : i1 to i32
      %cond3A_717 = arith.constant 0 : i32
      %cond3A_718 = arith.cmpi ne, %convert_element_type3A_716, %cond3A_717 : i32
      scf.if %cond3A_718 {
        %add3A_738 = arith.constant 32 : i32
        %add3A_739 = arith.addi %add3A_441, %add3A_738 : i32
        %iota3A = tpu.iota {dimensions = array<i32: 0>} : vector<16xi32>
        %add3A_740 = vector.broadcast %add3A_739 : i32 to vector<16xi32>
        %add3A_741 = arith.addi %add3A_740, %iota3A : vector<16xi32>
        %all_reduce_ffs3A = tpu.all_reduce %eq3A_710 {dim = 0 : i64, kind = #tpu.reduction_kind<find_first_set>} : vector<16xi1> -> vector<16xi32>
        %add3A_742 = vector.broadcast %add3A_739 : i32 to vector<16xi32>
        %add3A_743 = arith.addi %add3A_742, %all_reduce_ffs3A : vector<16xi32>
        %select_n3A = arith.select %eq3A_710, %add3A_741, %add3A_743 : vector<16xi1>, vector<16xi32>
        %dma_start3A_744 = arith.constant 3 : i32
        %dma_start3A_745 = arith.constant 0 : i32
        %dma_start3A_746 = arith.constant 0 : i32
        %dma_start3A_747 = tpu.memref_slice %arg5[%dma_start3A_744, %dma_start3A_745, %dma_start3A_746] : memref<4x8192x1024xf32, #tpu.memory_space<hbm>> -> memref<1x8192x1024xf32, #tpu.memory_space<hbm>>
        %dma_start3A_748 = tpu.memref_squeeze %dma_start3A_747 : memref<1x8192x1024xf32, #tpu.memory_space<hbm>> -> memref<8192x1024xf32, #tpu.memory_space<hbm>>
        %dma_start3A_749 = arith.constant 0 : i32
        %dma_start3A_750 = arith.constant 0 : i32
        %dma_start3A_751 = tpu.memref_slice %dma_start3A_748[%dma_start3A_749, %dma_start3A_750] : memref<8192x1024xf32, #tpu.memory_space<hbm>> -> memref<8192x1024xf32, #tpu.memory_space<hbm>>
        tpu.enqueue_indirect_dma source(%arg7 : memref<16x1024xf32, #tpu.memory_space<vmem>>) target(%dma_start3A_751 : memref<8192x1024xf32, #tpu.memory_space<hbm>>) offsets(%select_n3A : vector<16xi32>) semaphore(%arg11 : memref<!tpu.dma_semaphore, #tpu.memory_space<semaphore_mem>>)
        %dma_wait3A_752 = arith.constant 3 : i32
        %dma_wait3A_753 = arith.constant 0 : i32
        %dma_wait3A_754 = arith.constant 0 : i32
        %dma_wait3A_755 = tpu.memref_slice %arg5[%dma_wait3A_752, %dma_wait3A_753, %dma_wait3A_754] : memref<4x8192x1024xf32, #tpu.memory_space<hbm>> -> memref<1x8192x1024xf32, #tpu.memory_space<hbm>>
        %dma_wait3A_756 = tpu.memref_squeeze %dma_wait3A_755 : memref<1x8192x1024xf32, #tpu.memory_space<hbm>> -> memref<8192x1024xf32, #tpu.memory_space<hbm>>
        %dma_wait3A_757 = arith.constant 0 : i32
        %dma_wait3A_758 = arith.constant 0 : i32
        %dma_wait3A_759 = tpu.memref_slice %dma_wait3A_756[%dma_wait3A_757, %dma_wait3A_758] : memref<8192x1024xf32, #tpu.memory_space<hbm>> -> memref<8192x1024xf32, #tpu.memory_space<hbm>>
        tpu.wait_indirect_dma semaphore(%arg11 : memref<!tpu.dma_semaphore, #tpu.memory_space<semaphore_mem>>) src(%arg7 : memref<16x1024xf32, #tpu.memory_space<vmem>>) dst(%dma_wait3A_759 : memref<8192x1024xf32, #tpu.memory_space<hbm>>)
      } else {
      }
      %mul3A_719 = arith.constant 64 : i32
      %mul3A_720 = arith.muli %scan3A_438, %mul3A_719 : i32
      %add3A_721 = arith.constant 48 : i32
      %add3A_722 = arith.addi %mul3A_720, %add3A_721 : i32
      %get3A_723 = arith.constant 3 : i32
      %get3A_724 = arith.index_cast %get3A_723 : i32 to index
      %get3A_725 = arith.index_cast %add3A_722 : i32 to index
      %get3A_726 = tpu.vector_load %arg6[%get3A_724, %get3A_725] {strides = array<i32>} : memref<4x256xi32, #tpu.memory_space<vmem>>, vector<16xi32>,
      %eq3A_727 = arith.constant 0 : i32
      %eq3A_728 = vector.broadcast %eq3A_727 : i32 to vector<16xi32>
      %eq3A_729 = arith.cmpi eq, %get3A_726, %eq3A_728 : vector<16xi32>
      %all_reduce_population_count3A_730 = tpu.all_reduce %eq3A_729 {dim = 0 : i64, kind = #tpu.reduction_kind<sum>} : vector<16xi1> -> vector<16xi32>
      %slice3A_731 = vector.extract_strided_slice %all_reduce_population_count3A_730 {offsets = [0], sizes = [1], strides = [1]} : vector<16xi32> to vector<1xi32>
      %squeeze3A_732 = vector.extract %slice3A_731[0] : i32 from vector<1xi32>
      %gt3A_733 = arith.constant 0 : i32
      %gt3A_734 = arith.cmpi sgt, %squeeze3A_732, %gt3A_733 : i32
      %convert_element_type3A_735 = arith.extui %gt3A_734 : i1 to i32
      %cond3A_736 = arith.constant 0 : i32
      %cond3A_737 = arith.cmpi ne, %convert_element_type3A_735, %cond3A_736 : i32
      scf.if %cond3A_737 {
        %add3A_738 = arith.constant 48 : i32
        %add3A_739 = arith.addi %add3A_441, %add3A_738 : i32
        %iota3A = tpu.iota {dimensions = array<i32: 0>} : vector<16xi32>
        %add3A_740 = vector.broadcast %add3A_739 : i32 to vector<16xi32>
        %add3A_741 = arith.addi %add3A_740, %iota3A : vector<16xi32>
        %all_reduce_ffs3A = tpu.all_reduce %eq3A_729 {dim = 0 : i64, kind = #tpu.reduction_kind<find_first_set>} : vector<16xi1> -> vector<16xi32>
        %add3A_742 = vector.broadcast %add3A_739 : i32 to vector<16xi32>
        %add3A_743 = arith.addi %add3A_742, %all_reduce_ffs3A : vector<16xi32>
        %select_n3A = arith.select %eq3A_729, %add3A_741, %add3A_743 : vector<16xi1>, vector<16xi32>
        %dma_start3A_744 = arith.constant 3 : i32
        %dma_start3A_745 = arith.constant 0 : i32
        %dma_start3A_746 = arith.constant 0 : i32
        %dma_start3A_747 = tpu.memref_slice %arg5[%dma_start3A_744, %dma_start3A_745, %dma_start3A_746] : memref<4x8192x1024xf32, #tpu.memory_space<hbm>> -> memref<1x8192x1024xf32, #tpu.memory_space<hbm>>
        %dma_start3A_748 = tpu.memref_squeeze %dma_start3A_747 : memref<1x8192x1024xf32, #tpu.memory_space<hbm>> -> memref<8192x1024xf32, #tpu.memory_space<hbm>>
        %dma_start3A_749 = arith.constant 0 : i32
        %dma_start3A_750 = arith.constant 0 : i32
        %dma_start3A_751 = tpu.memref_slice %dma_start3A_748[%dma_start3A_749, %dma_start3A_750] : memref<8192x1024xf32, #tpu.memory_space<hbm>> -> memref<8192x1024xf32, #tpu.memory_space<hbm>>
        tpu.enqueue_indirect_dma source(%arg7 : memref<16x1024xf32, #tpu.memory_space<vmem>>) target(%dma_start3A_751 : memref<8192x1024xf32, #tpu.memory_space<hbm>>) offsets(%select_n3A : vector<16xi32>) semaphore(%arg11 : memref<!tpu.dma_semaphore, #tpu.memory_space<semaphore_mem>>)
        %dma_wait3A_752 = arith.constant 3 : i32
        %dma_wait3A_753 = arith.constant 0 : i32
        %dma_wait3A_754 = arith.constant 0 : i32
        %dma_wait3A_755 = tpu.memref_slice %arg5[%dma_wait3A_752, %dma_wait3A_753, %dma_wait3A_754] : memref<4x8192x1024xf32, #tpu.memory_space<hbm>> -> memref<1x8192x1024xf32, #tpu.memory_space<hbm>>
        %dma_wait3A_756 = tpu.memref_squeeze %dma_wait3A_755 : memref<1x8192x1024xf32, #tpu.memory_space<hbm>> -> memref<8192x1024xf32, #tpu.memory_space<hbm>>
        %dma_wait3A_757 = arith.constant 0 : i32
        %dma_wait3A_758 = arith.constant 0 : i32
        %dma_wait3A_759 = tpu.memref_slice %dma_wait3A_756[%dma_wait3A_757, %dma_wait3A_758] : memref<8192x1024xf32, #tpu.memory_space<hbm>> -> memref<8192x1024xf32, #tpu.memory_space<hbm>>
        tpu.wait_indirect_dma semaphore(%arg11 : memref<!tpu.dma_semaphore, #tpu.memory_space<semaphore_mem>>) src(%arg7 : memref<16x1024xf32, #tpu.memory_space<vmem>>) dst(%dma_wait3A_759 : memref<8192x1024xf32, #tpu.memory_space<hbm>>)
      } else {
      }
    }
    %scan3A_437 = arith.constant 4 : i32
    return
  }
}

</mosaic_0001>

<sc_bundles>
// kernel: kernel.3.cloned.1.call-start
scs
__scs_entry_jumppad:
0x0: {  	(pc) =	sbr.rel $0x88, $3  }
0x1: {  	(tag) =	ssettag $0x0;
	lr =	simm.s32 $0x1  }
0x2: {  	[smem:$0x3FA0] =	sst lr;
	_ =	strace $0xD0000000  }
0x3: {  	_ = 	snop  }
0x4: {  	_ = 	snop  }
0x5: {  	_ = 	snop  }
0x6: {  	_ = 	snop  }
0x7: {  	_ = 	snop  }
__scs_overlays_trampoline_lowered:
0x8: {  	[smem:$0x3FAF] =	sst s0  }
0x9: {  	[smem:$0x3FB0] =	sst s1  }
0xa: {  	[smem:$0x3FB1] =	sst s2  }
0xb: {  	[smem:$0x3FB2] =	sst s3  }
0xc: {  	[smem:$0x3FB3] =	sst s4  }
0xd: {  	[smem:$0x3FB4] =	sst s5  }
0xe: {  	[smem:$0x3FB5] =	sst s6  }
0xf: {  	[smem:$0x3FB6] =	sst s7  }
0x10: {  	[smem:$0x3FB7] =	sst s8  }
0x11: {  	[smem:$0x3FB8] =	sst s9;
	s0 =	simm.s32 @!p0 $0x0  }
0x12: {  	s1 =	sld [smem:$0x3F9E];
	s0 =	simm.s32 @p0 $0x1  }
0x13: {  	[smem:$0x3FB9] =	sst s0;
	s0 =	simm.s32 @!p1 $0x0  }
0x14: {  	s2 =	sld [smem:$0x3F9D];
	s0 =	simm.s32 @p1 $0x1  }
0x15: {  	[smem:$0x3FBA] =	sst s0;
	s0 =	simm.s32 @!p2 $0x0  }
0x16: {  	s3 =	sld [smem:$0x3FDB];
	s0 =	simm.s32 @p2 $0x1  }
0x17: {  	s4 =	simm.s32 $0x1BF5;
	[smem:$0x3FBC] =	sst s0  }
0x18: {  	s0 =	sld [smem:$0x3F9F];
	_ =	swait.ge [sflag:s4], $0x0  }
0x19: {  	s7 =	sld [smem:$0x3FA0]  }
0x1a: {  	s8 =	sadd.s32 $0xFFFFE003, lr  }
0x1b: {  	s9 =	sadd.s32 $0xFFFFFEF7, lr;
	s5 =	simm.s32 $0xFFFFFFFF;
	p2 =	slt.u32 s8, $0xFFFFF086  }
0x1c: {  	p1 =	slt.u32 s9, $0xF7A;
	s5 =	simm.s32 @!p2 $0x0  }
0x1d: {  	s5 =	simm.s32 @p1 $0x1;
	p0 =	seq.s32 s7, s2  }
0x1e: {  	s7 =	smul.u32 @!p0 $0xF7A, s2;
	p2 =	seq.s32 @!p0 s5, $0x0  }
0x1f: {  	s9 =	smul.u32 $0xF7A, s1;
	s8 =	simm.s32 @!p0 $0x1BF5;
	p2 =	por !p2, p0  }
0x20: {  	[sflag:s8] =	ssyncset.s32 @!p0 $0xFFFFF086;
	s6 =	sadd.s32 @!p0 s3, s7;
	s7 =	simm.s32 @!p0 $0x108  }
0x21: {  	s3 =	sadd.s32 s3, s9;
	s6 =	sadd.s32 @!p0 $0x88, s6;
	s7 =	simm.s32 @p2 $0x1082  }
0x22: {  	[simem:s7], [sflag:s8] =	dma.local @!p0 [hbm:s6], $0xF7A  }
0x23: {  	s9 =	sor.u32 $0xD0000000, s2;
	s6 =	simm.s32 $0x108;
	_ =	swait.ge @!p0 [sflag:s8], $0x0  }
0x24: {  	s3 =	sadd.s32 $0x88, s3;
	s6 =	simm.s32 @!p1 $0x1082;
	[sflag:s4] =	ssyncset.s32 $0xFFFFF086  }
0x25: {  	[simem:s6], [sflag:s4] =	dma.local [hbm:s3], $0xF7A  }
0x26: {  	[smem:$0x3FA0] =	sst s1;
	(tag) =	ssettag s2;
	_ =	strace s9  }
0x27: {  	s1 =	sld [smem:$0x3FB0]  }
0x28: {  	s2 =	sld [smem:$0x3FB1]  }
0x29: {  	s4 =	sld [smem:$0x3FB3]  }
0x2a: {  	p0 =	seq.s32 s5, $0x0;
	s5 =	sld [smem:$0x3FB4]  }
0x2b: {  	s6 =	sld [smem:$0x3FB5]  }
0x2c: {  	s7 =	sld [smem:$0x3FB6]  }
0x2d: {  	s3 =	simm.s32 $0x108;
	s8 =	sld [smem:$0x3FB7]  }
0x2e: {  	s3 =	simm.s32 @!p0 $0x1082;
	s9 =	sld [smem:$0x3FB8]  }
0x2f: {  	lr =	sadd.s32 s0, s3;
	s0 =	sld [smem:$0x3FAF]  }
0x30: {  	s3 =	sld [smem:$0x3FB2]  }
0x31: {  	[smem:$0x3FBB] =	sst s10  }
0x32: {  	s10 =	sld [smem:$0x3FB9];
	_ =	sdelay $0x3  }
0x33: {  	p0 =	seq.s32 s10, $0x1;
	s10 =	sld [smem:$0x3FBB];
	_ =	sdelay $0x3  }
0x34: {  	[smem:$0x3FBB] =	sst s10  }
0x35: {  	s10 =	sld [smem:$0x3FBA];
	_ =	sdelay $0x3  }
0x36: {  	p1 =	seq.s32 s10, $0x1;
	s10 =	sld [smem:$0x3FBB];
	_ =	sdelay $0x3  }
0x37: {  	[smem:$0x3FBB] =	sst s10  }
0x38: {  	s10 =	sld [smem:$0x3FBC]  }
0x39: {  	_ = 	snop;
	(pc) =	sbr.ind lr, $3  }
0x3a: {  	_ = 	snop  }
0x3b: {  	_ = 	snop  }
0x3c: {  	p2 =	seq.s32 s10, $0x1;
	s10 =	sld [smem:$0x3FBB]  }
0x3d: {  	_ =	shalt  }
0x3e: {  	_ =	shalt  }
0x3f: {  	_ =	shalt  }
0x40: {  	_ =	shalt  }
0x41: {  	_ =	shalt  }
0x42: {  	_ =	shalt  }
0x43: {  	_ =	shalt  }
0x44: {  	_ =	shalt  }
0x45: {  	_ =	shalt  }
0x46: {  	_ =	shalt  }
0x47: {  	_ =	shalt  }
0x48: {  	_ =	shalt  }
0x49: {  	_ =	shalt  }
0x4a: {  	_ =	shalt  }
0x4b: {  	_ =	shalt  }
0x4c: {  	_ =	shalt  }
0x4d: {  	_ =	shalt  }
0x4e: {  	_ =	shalt  }
0x4f: {  	_ =	shalt  }
0x50: {  	_ =	shalt  }
0x51: {  	_ =	shalt  }
0x52: {  	_ =	shalt  }
0x53: {  	_ =	shalt  }
0x54: {  	_ =	shalt  }
0x55: {  	_ =	shalt  }
0x56: {  	_ =	shalt  }
0x57: {  	_ =	shalt  }
0x58: {  	_ =	shalt  }
0x59: {  	_ =	shalt  }
0x5a: {  	_ =	shalt  }
0x5b: {  	_ =	shalt  }
0x5c: {  	_ =	shalt  }
0x5d: {  	_ =	shalt  }
0x5e: {  	_ =	shalt  }
0x5f: {  	_ =	shalt  }
0x60: {  	_ =	shalt  }
0x61: {  	_ =	shalt  }
0x62: {  	_ =	shalt  }
0x63: {  	_ =	shalt  }
0x64: {  	_ =	shalt  }
0x65: {  	_ =	shalt  }
0x66: {  	_ =	shalt  }
0x67: {  	_ =	shalt  }
0x68: {  	_ =	shalt  }
0x69: {  	_ =	shalt  }
0x6a: {  	_ =	shalt  }
0x6b: {  	_ =	shalt  }
0x6c: {  	_ =	shalt  }
0x6d: {  	_ =	shalt  }
0x6e: {  	_ =	shalt  }
0x6f: {  	_ =	shalt  }
0x70: {  	_ =	shalt  }
0x71: {  	_ =	shalt  }
0x72: {  	_ =	shalt  }
0x73: {  	_ =	shalt  }
0x74: {  	_ =	shalt  }
0x75: {  	_ =	shalt  }
0x76: {  	_ =	shalt  }
0x77: {  	_ =	shalt  }
0x78: {  	_ =	shalt  }
0x79: {  	_ =	shalt  }
0x7a: {  	_ =	shalt  }
0x7b: {  	_ =	shalt  }
0x7c: {  	_ =	shalt  }
0x7d: {  	_ =	shalt  }
0x7e: {  	_ =	shalt  }
0x7f: {  	_ =	shalt  }
0x80: {  	_ =	shalt  }
0x81: {  	_ =	shalt  }
0x82: {  	_ =	shalt  }
0x83: {  	_ =	shalt  }
0x84: {  	_ =	shalt  }
0x85: {  	_ =	shalt  }
0x86: {  	_ =	shalt  }
0x87: {  	_ =	shalt  }
.Lfunc_end0:
.L_simem_size_0:
called_computation_lowered:
.L_overlay_start_0:
0x88: {  	s2 =	sld [smem:$0x3FD9]  }
0x89: {  	s3 =	sld [smem:$0x3FFE];
	_ =	sdelay $0x1  }
0x8a: {  	s1 =	srdreg.scid  }
0x8b: {  	s0 =	sand.u32 $0x1, s1  }
0x8c: {  	s17 =	sshll.u32 s0, $0xA;
	s2 =	sadd.s32 s3, s2  }
0x8d: {  	s2 =	sadd.s32 s2, s17  }
0x8e: {  	[smem:$0x3FC7] =	sst s2  }
0x8f: {  	_ = 	snop  }
0x90: {  	s2 =	sld [smem:$0x3FC9]  }
0x91: {  	s18 =	sld [smem:$0x3FD0];
	(tm) =	ssettm $0x1  }
0x92: {  	s4 =	sld [smem:$0x3FFB];
	_ =	sdelay $0x3  }
0x93: {  	_ =	strace s4  }
0x94: {  	s4 =	sld [smem:$0x3FFC];
	_ =	sdelay $0x3  }
0x95: {  	_ =	strace s4  }
0x96: {  	s4 =	sld [smem:$0x3FFD];
	_ =	sdelay $0x3  }
0x97: {  	_ =	strace s4  }
0x98: {  	_ =	strace $0x8FFFFFFF  }
0x99: {  	s19 =	sld [smem:$0x3FDB];
	_ =	sdelay $0x1  }
0x9a: {  	s5 =	simm.s32 $_scs_section_size  }
0x9b: {  	s6 =	simm.s32 $_size__tile_overlayer_lowered;
	s7 =	simm.s32 $_tile_overlayer_lowered  }
0x9c: {  	s22 =	simm.s32 $0x1BFF;
	s21 =	sshll.u32 s7, $0x1;
	s4 =	sadd.s32 s5, s19  }
0x9d: {  	s8 =	simm.s32 $0x0;
	s20 =	sshll.u32 s6, $0x1;
	s6 =	sadd.s32 s21, s4  }
0x9e: {  	[timem:s8], [sflag:s22] =	dma.local [hbm:s6], s20  }
0x9f: {  	_ =	swait.ge [sflag:s22], s20  }
0xa0: {  	s5 =	ssub.s32 $0x0, s20;
	[sflag:s22] =	ssyncset.done $0x0  }
0xa1: {  	[sflag:s22] =	ssyncadd.s32 s5;
	_ =	sdelay $0x1  }
0xa2: {  	s23 =	simm.s32 $0x1B8B  }
0xa3: {  	_ =	swait.ge [sflag:s23], $0x1  }
0xa4: {  	[sflag:s23] =	ssyncset.done $0x0  }
0xa5: {  	s25 =	simm.s32 $0x1B8E;
	s24 =	sld [smem:$0x3FFE];
	[sflag:s23] =	ssyncadd.s32 $0xFFFFFFFF  }
0xa6: {  	s26 =	simm.s32 $execute0_lowered;
	[smem:$0x3FD2] =	sst s25  }
0xa7: {  	s6 =	sshll.u32 s26, $0x1;
	_ =	strace $0x80000046;
	[dreg:$0x1] =	wrdreg $0xFFFFFFFF  }
0xa8: {  	s28 =	simm.s32 $_size_execute0_lowered;
	s4 =	sadd.s32 s4, s6;
	[dreg:$0x0] =	wrdreg $0x0  }
0xa9: {  	s6 =	sshll.u32 s28, $0x1;
	[dreg:$0x2] =	wrdreg s4  }
0xaa: {  	[dreg:$0x3] =	wrdreg s6  }
0xab: {  	[dreg:$0x4] =	wrdreg $0xC0  }
0xac: {  	_ =	task [dreg:s8], $0x5FFFF  }
0xad: {  	[dreg:$0x1] =	wrdreg $0xFFFFFFFF  }
0xae: {  	[dreg:$0x0] =	wrdreg $0x60  }
0xaf: {  	[dreg:$0x2] =	wrdreg s2  }
0xb0: {  	[dreg:$0x3] =	wrdreg s24  }
0xb1: {  	[dreg:$0x4] =	wrdreg s18  }
0xb2: {  	[dreg:$0x5] =	wrdreg $0x9  }
0xb3: {  	_ =	task.clear_ibuf [dreg:s8], $0x6FFFF;
	_ =	strace $0x90000046  }
0xb4: {  	s29 =	simm.s32 $0x9;
	_ =	strace $0x80000048  }
0xb5: {  	_ =	swait.ge [sflag:s29], $0x1  }
0xb6: {  	[sflag:s29] =	ssyncadd.s32 $0xFFFFFFFF  }
0xb7: {  	_ =	strace $0x90000048  }
0xb8: {  	_ =	sfence  }
0xb9: {  	s30 =	sld [smem:$0x0];
	_ =	sdelay $0x2  }
0xba: {  	s31 =	sshll.u32 s1, $0xD;
	s1 =	sshrl.u32 s1, $0x2  }
0xbb: {  	s3 =	sand.u32 $0x4000, s31;
	s1 =	sadd.s32 s1, s30  }
0xbc: {  	s0 =	sor.u32 s3, s0;
	s1 =	sshll.u32 s1, $0x11  }
0xbd: {  	s0 =	sor.u32 s1, s0  }
0xbe: {  	s0 =	sadd.s32 $0x8F2B, s0  }
0xbf: {  	[sflag:s0] =	ssyncadd.remote.s32 $0x1  }
0xc0: {  	_ =	sfence.sel $0xFFFF  }
0xc1: {  	[dreg:$0x0] =	wrdreg $0xFFFFFFFF;
	(pc) =	sbr.abs _section_cstart, $3  }
0xc2: {  	[dreg:$0x1] =	wrdreg $0xFFFFFFFF  }
0xc3: {  	_ =	task.clear_ibuf [dreg:s8], $0x2FFFF;
	_ =	strace $0x9FFFFFFF  }
0xc4: {  	(tm) =	ssettm $0x7FFFFFFF  }
0xc5: {  	_ =	shalt  }
tec
execute0_lowered:
.L_overlay_start_1:
0x0: {  	(tag) =	ssettag $0x1  }
0x1: {  	s0 =	rddreg [dreg:$0x0]  }
0x2: {  	s1 =	rddreg [dreg:$0x1]  }
0x3: {  	s2 =	rddreg [dreg:$0x2]  }
0x4: {  	s4 =	srdreg.scid;
	s3 =	simm.s32 $0x0;
	s5 =	stileid.u32  }
0x5: {  	s4 =	sand.u32 $0x1, s4;
	[smem:$0x7FF] =	sst s3;
	s5 =	sshll.u32 s5, $0x9  }
0x6: {  	s26 =	sadd.s32 $0x600, s1;
	s1 =	sadd.s32 $0x100600, s1;
	s6 =	sshll.u32 s4, $0x8  }
0x7: {  	s11 =	sadd.s32 $0x100000, s2;
	s7 =	ssub.s32 $0x2, s4;
	s4 =	sor.u32 s6, s5  }
0x8: {  	s14 =	sadd.s32 $0x200000, s2;
	s16 =	sadd.s32 $0x300000, s2;
	s31 =	sshll.u32 s4, $0x7  }
0x9: {  	_ =	strace $0x80000047;
	[dreg:$0x4] =	wrdreg s1;
	s9 =	sadd.s32 s26, s31  }
0xa: {  	s28 =	sshrl.u32 s7, $0x1;
	s10 =	sadd.s32 s31, s11;
	[dreg:$0x8] =	wrdreg s9  }
0xb: {  	s8 =	sshrl.u32 s4, $0x1;
	s13 =	sadd.s32 s31, s14;
	[dreg:$0x9] =	wrdreg s10  }
0xc: {  	s29 =	ssub.s32 s7, s28;
	s17 =	sadd.s32 s31, s16;
	[dreg:$0xa] =	wrdreg s13  }
0xd: {  	s6 =	sadd.s32 s0, s8;
	s22 =	smax.u32 s29, $0x1;
	[dreg:$0xb] =	wrdreg s17  }
0xe: {  	s0 =	sadd.s32 $0x10, s6;
	[dreg:$0x13] =	wrdreg s22  }
0xf: {  	s30 =	sadd.s32 $0x20, s6;
	[dreg:$0x5] =	wrdreg s0  }
0x10: {  	s15 =	sor.u32 $0x2000, s31;
	s8 =	sadd.s32 $0x30, s6;
	[dreg:$0x6] =	wrdreg s30  }
0x11: {  	s18 =	sadd.s32 s26, s15;
	[dreg:$0x7] =	wrdreg s8  }
0x12: {  	s12 =	sadd.s32 s2, s31;
	s7 =	sadd.s32 s2, s15;
	[dreg:$0xc] =	wrdreg s18  }
0x13: {  	s20 =	sor.u32 $0x4000, s31;
	s19 =	sadd.s32 $0x102000, s12;
	[dreg:$0xd] =	wrdreg s7  }
0x14: {  	s21 =	sadd.s32 s26, s20;
	[dreg:$0xe] =	wrdreg s19  }
0x15: {  	s23 =	sadd.s32 $0x202000, s12;
	s24 =	sadd.s32 $0x302000, s12;
	[dreg:$0xf] =	wrdreg s21  }
0x16: {  	s25 =	sadd.s32 $0x104000, s12;
	s28 =	sadd.s32 $0x304000, s12;
	[dreg:$0x14] =	wrdreg s23  }
0x17: {  	s29 =	sadd.s32 $0x106000, s12;
	s9 =	sadd.s32 $0x300, s2;
	[dreg:$0x15] =	wrdreg s24  }
0x18: {  	s10 =	sadd.s32 $0x40, s6;
	s13 =	sadd.s32 $0x50, s6;
	[dreg:$0x16] =	wrdreg s25  }
0x19: {  	s15 =	sadd.s32 $0x60, s6;
	s17 =	sadd.s32 $0x70, s6;
	[dreg:$0x18] =	wrdreg s28  }
0x1a: {  	s22 =	simm.s32 $0x0;
	s7 =	sadd.s32 s2, s20;
	[dreg:$0x19] =	wrdreg s29  }
0x1b: {  	s0 =	sor.u32 $0x6000, s31;
	s30 =	sadd.s32 $0x206000, s12;
	[dreg:$0x10] =	wrdreg s7  }
0x1c: {  	s31 =	sadd.s32 $0x306000, s12;
	s8 =	sadd.s32 $0x200, s2;
	[dreg:$0x1a] =	wrdreg s30  }
0x1d: {  	s18 =	simm.s32 $0x4400;
	s5 =	sadd.s32 s26, s0;
	[dreg:$0x1b] =	wrdreg s31  }
0x1e: {  	s19 =	simm.s32 $0x3;
	s0 =	sadd.s32 s2, s0;
	[dreg:$0x11] =	wrdreg s5  }
0x1f: {  	s20 =	simm.s32 $0x1;
	s26 =	sadd.s32 $0x204000, s12;
	[dreg:$0x12] =	wrdreg s0  }
0x20: {  	s21 =	simm.s32 $0x2;
	s7 =	sadd.s32 $0x100, s2;
	[dreg:$0x17] =	wrdreg s26  }
.LBB2_1:
0x21: {  	s0 =	rddreg [dreg:$0x4];
	s1 =	simm.s32 $0x400  }
0x22: {  	[tilespmem:s1], [sflag:$0x3] =	stream.linear.gather [hbm4b:s0+s3], $0x4000, $0x38;
	[tilespmem:$0x14400] =	vst v63  }
0x23: {  	_ = 	snop  }
0x24: {  	[tilespmem:s3], [sflag:$0x3] =	stream.linear.gather [hbm4b:s6+s3], $0x80, $0x38;
	[tilespmem:$0x14400] =	vst v63  }
0x25: {  	s5 =	simm.s32 $0x200  }
0x26: {  	[tilespmem:s5], [sflag:$0x3] =	stream.linear.gather [hbm4b:s10+s3], $0x80, $0x38;
	[tilespmem:$0x14400] =	vst v63  }
0x27: {  	s23 =	rddreg [dreg:$0x5];
	s24 =	simm.s32 $0x80  }
0x28: {  	[tilespmem:s24], [sflag:$0x3] =	stream.linear.gather [hbm4b:s23+s3], $0x80, $0x38;
	[tilespmem:$0x14400] =	vst v63  }
0x29: {  	s25 =	simm.s32 $0x280  }
0x2a: {  	[tilespmem:s25], [sflag:$0x3] =	stream.linear.gather [hbm4b:s13+s3], $0x80, $0x38;
	[tilespmem:$0x14400] =	vst v63  }
0x2b: {  	s26 =	rddreg [dreg:$0x6];
	s28 =	simm.s32 $0x100  }
0x2c: {  	[tilespmem:s28], [sflag:$0x3] =	stream.linear.gather [hbm4b:s26+s3], $0x80, $0x38;
	[tilespmem:$0x14400] =	vst v63  }
0x2d: {  	s29 =	simm.s32 $0x300  }
0x2e: {  	[tilespmem:s29], [sflag:$0x3] =	stream.linear.gather [hbm4b:s15+s3], $0x80, $0x38;
	[tilespmem:$0x14400] =	vst v63  }
0x2f: {  	s30 =	rddreg [dreg:$0x7];
	s31 =	simm.s32 $0x180  }
0x30: {  	[tilespmem:s31], [sflag:$0x3] =	stream.linear.gather [hbm4b:s30+s3], $0x80, $0x38;
	[tilespmem:$0x14400] =	vst v63  }
0x31: {  	s1 =	simm.s32 $0x380  }
0x32: {  	[tilespmem:s1], [sflag:$0x3] =	stream.linear.gather [hbm4b:s17+s3], $0x80, $0x38;
	[tilespmem:$0x14400] =	vst v63  }
0x33: {  	s5 =	rddreg [dreg:$0x8]  }
0x34: {  	[tilespmem:s18], [sflag:$0x1] =	stream.linear.gather [hbm4b:s5+s3], $0x10000, $0x38;
	[tilespmem:$0x14400] =	vst v63  }
0x35: {  	_ =	swait.ge [sflag:s19], $0x4000  }
0x36: {  	[sflag:s19] =	ssyncset.done $0x0  }
0x37: {  	[sflag:s19] =	ssyncadd.s32 $0xFFFFC000  }
0x38: {  	_ =	swait.ge [sflag:s19], $0x100  }
0x39: {  	[sflag:s19] =	ssyncset.done $0x0  }
0x3a: {  	[sflag:s19] =	ssyncadd.s32 $0xFFFFFF00  }
0x3b: {  	_ =	swait.ge [sflag:s19], $0x100  }
0x3c: {  	[sflag:s19] =	ssyncset.done $0x0  }
0x3d: {  	[sflag:s19] =	ssyncadd.s32 $0xFFFFFF00  }
0x3e: {  	_ =	swait.ge [sflag:s19], $0x100  }
0x3f: {  	[sflag:s19] =	ssyncset.done $0x0  }
0x40: {  	[sflag:s19] =	ssyncadd.s32 $0xFFFFFF00  }
0x41: {  	_ =	swait.ge [sflag:s19], $0x100  }
0x42: {  	[sflag:s19] =	ssyncset.done $0x0  }
0x43: {  	[sflag:s19] =	ssyncadd.s32 $0xFFFFFF00  }
0x44: {  	_ =	swait.ge [sflag:s20], $0x10000  }
0x45: {  	[sflag:s20] =	ssyncset.done $0x0  }
0x46: {  	[sflag:s20] =	ssyncadd.s32 $0xFFFF0000  }
0x47: {  	[hbm4b:s12+s3] =	stream.linear.scatter [tilespmem:s18], [sflag:$0x2], $0x10000, $0x38;
	[tilespmem:$0x14400] =	vst v63  }
0x48: {  	s23 =	rddreg [dreg:$0x9]  }
0x49: {  	[hbm4b:s23+s3] =	stream.linear.scatter [tilespmem:s18], [sflag:$0x2], $0x10000, $0x38;
	[tilespmem:$0x14400] =	vst v63  }
0x4a: {  	s24 =	rddreg [dreg:$0xa]  }
0x4b: {  	[hbm4b:s24+s3] =	stream.linear.scatter [tilespmem:s18], [sflag:$0x2], $0x10000, $0x38;
	[tilespmem:$0x14400] =	vst v63  }
0x4c: {  	s25 =	rddreg [dreg:$0xb]  }
0x4d: {  	[hbm4b:s25+s3] =	stream.linear.scatter [tilespmem:s18], [sflag:$0x2], $0x10000, $0x38;
	[tilespmem:$0x14400] =	vst v63  }
0x4e: {  	_ =	swait.ge [sflag:s21], $0x10000  }
0x4f: {  	[sflag:s21] =	ssyncset.done $0x0  }
0x50: {  	[sflag:s21] =	ssyncadd.s32 $0xFFFF0000  }
0x51: {  	_ =	swait.ge [sflag:s21], $0x10000  }
0x52: {  	[sflag:s21] =	ssyncset.done $0x0  }
0x53: {  	[sflag:s21] =	ssyncadd.s32 $0xFFFF0000  }
0x54: {  	_ =	swait.ge [sflag:s21], $0x10000  }
0x55: {  	[sflag:s21] =	ssyncset.done $0x0  }
0x56: {  	[sflag:s21] =	ssyncadd.s32 $0xFFFF0000  }
0x57: {  	_ =	swait.ge [sflag:s21], $0x10000  }
0x58: {  	[sflag:s21] =	ssyncset.done $0x0  }
0x59: {  	s26 =	rddreg [dreg:$0xc];
	[sflag:s21] =	ssyncadd.s32 $0xFFFF0000  }
0x5a: {  	[tilespmem:s18], [sflag:$0x1] =	stream.linear.gather [hbm4b:s26+s3], $0x10000, $0x38;
	[tilespmem:$0x14400] =	vst v63  }
0x5b: {  	_ =	swait.ge [sflag:s20], $0x10000  }
0x5c: {  	[sflag:s20] =	ssyncset.done $0x0  }
0x5d: {  	s28 =	rddreg [dreg:$0xd];
	[sflag:s20] =	ssyncadd.s32 $0xFFFF0000  }
0x5e: {  	[hbm4b:s28+s3] =	stream.linear.scatter [tilespmem:s18], [sflag:$0x2], $0x10000, $0x38;
	[tilespmem:$0x14400] =	vst v63  }
0x5f: {  	s29 =	rddreg [dreg:$0xe]  }
0x60: {  	[hbm4b:s29+s3] =	stream.linear.scatter [tilespmem:s18], [sflag:$0x2], $0x10000, $0x38;
	[tilespmem:$0x14400] =	vst v63  }
0x61: {  	s30 =	rddreg [dreg:$0x14]  }
0x62: {  	[hbm4b:s30+s3] =	stream.linear.scatter [tilespmem:s18], [sflag:$0x2], $0x10000, $0x38;
	[tilespmem:$0x14400] =	vst v63  }
0x63: {  	s31 =	rddreg [dreg:$0x15]  }
0x64: {  	[hbm4b:s31+s3] =	stream.linear.scatter [tilespmem:s18], [sflag:$0x2], $0x10000, $0x38;
	[tilespmem:$0x14400] =	vst v63  }
0x65: {  	_ =	swait.ge [sflag:s21], $0x10000  }
0x66: {  	[sflag:s21] =	ssyncset.done $0x0  }
0x67: {  	[sflag:s21] =	ssyncadd.s32 $0xFFFF0000  }
0x68: {  	_ =	swait.ge [sflag:s21], $0x10000  }
0x69: {  	[sflag:s21] =	ssyncset.done $0x0  }
0x6a: {  	[sflag:s21] =	ssyncadd.s32 $0xFFFF0000  }
0x6b: {  	_ =	swait.ge [sflag:s21], $0x10000  }
0x6c: {  	[sflag:s21] =	ssyncset.done $0x0  }
0x6d: {  	[sflag:s21] =	ssyncadd.s32 $0xFFFF0000  }
0x6e: {  	_ =	swait.ge [sflag:s21], $0x10000  }
0x6f: {  	[sflag:s21] =	ssyncset.done $0x0  }
0x70: {  	s1 =	rddreg [dreg:$0xf];
	[sflag:s21] =	ssyncadd.s32 $0xFFFF0000  }
0x71: {  	[tilespmem:s18], [sflag:$0x1] =	stream.linear.gather [hbm4b:s1+s3], $0x10000, $0x38;
	[tilespmem:$0x14400] =	vst v63  }
0x72: {  	_ =	swait.ge [sflag:s20], $0x10000  }
0x73: {  	[sflag:s20] =	ssyncset.done $0x0  }
0x74: {  	s5 =	rddreg [dreg:$0x10];
	[sflag:s20] =	ssyncadd.s32 $0xFFFF0000  }
0x75: {  	[hbm4b:s5+s3] =	stream.linear.scatter [tilespmem:s18], [sflag:$0x2], $0x10000, $0x38;
	[tilespmem:$0x14400] =	vst v63  }
0x76: {  	s23 =	rddreg [dreg:$0x16]  }
0x77: {  	[hbm4b:s23+s3] =	stream.linear.scatter [tilespmem:s18], [sflag:$0x2], $0x10000, $0x38;
	[tilespmem:$0x14400] =	vst v63  }
0x78: {  	s24 =	rddreg [dreg:$0x17]  }
0x79: {  	[hbm4b:s24+s3] =	stream.linear.scatter [tilespmem:s18], [sflag:$0x2], $0x10000, $0x38;
	[tilespmem:$0x14400] =	vst v63  }
0x7a: {  	s25 =	rddreg [dreg:$0x18]  }
0x7b: {  	[hbm4b:s25+s3] =	stream.linear.scatter [tilespmem:s18], [sflag:$0x2], $0x10000, $0x38;
	[tilespmem:$0x14400] =	vst v63  }
0x7c: {  	_ =	swait.ge [sflag:s21], $0x10000  }
0x7d: {  	[sflag:s21] =	ssyncset.done $0x0  }
0x7e: {  	[sflag:s21] =	ssyncadd.s32 $0xFFFF0000  }
0x7f: {  	_ =	swait.ge [sflag:s21], $0x10000  }
0x80: {  	[sflag:s21] =	ssyncset.done $0x0  }
0x81: {  	[sflag:s21] =	ssyncadd.s32 $0xFFFF0000  }
0x82: {  	_ =	swait.ge [sflag:s21], $0x10000  }
0x83: {  	[sflag:s21] =	ssyncset.done $0x0  }
0x84: {  	[sflag:s21] =	ssyncadd.s32 $0xFFFF0000  }
0x85: {  	_ =	swait.ge [sflag:s21], $0x10000  }
0x86: {  	[sflag:s21] =	ssyncset.done $0x0  }
0x87: {  	s26 =	rddreg [dreg:$0x11];
	[sflag:s21] =	ssyncadd.s32 $0xFFFF0000  }
0x88: {  	[tilespmem:s18], [sflag:$0x1] =	stream.linear.gather [hbm4b:s26+s3], $0x10000, $0x38;
	[tilespmem:$0x14400] =	vst v63  }
0x89: {  	_ =	swait.ge [sflag:s20], $0x10000  }
0x8a: {  	[sflag:s20] =	ssyncset.done $0x0  }
0x8b: {  	s28 =	rddreg [dreg:$0x12];
	[sflag:s20] =	ssyncadd.s32 $0xFFFF0000  }
0x8c: {  	[hbm4b:s28+s3] =	stream.linear.scatter [tilespmem:s18], [sflag:$0x2], $0x10000, $0x38;
	[tilespmem:$0x14400] =	vst v63  }
0x8d: {  	s29 =	rddreg [dreg:$0x19]  }
0x8e: {  	[hbm4b:s29+s3] =	stream.linear.scatter [tilespmem:s18], [sflag:$0x2], $0x10000, $0x38;
	[tilespmem:$0x14400] =	vst v63  }
0x8f: {  	s30 =	rddreg [dreg:$0x1a]  }
0x90: {  	[hbm4b:s30+s3] =	stream.linear.scatter [tilespmem:s18], [sflag:$0x2], $0x10000, $0x38;
	[tilespmem:$0x14400] =	vst v63  }
0x91: {  	s31 =	rddreg [dreg:$0x1b]  }
0x92: {  	[hbm4b:s31+s3] =	stream.linear.scatter [tilespmem:s18], [sflag:$0x2], $0x10000, $0x38;
	[tilespmem:$0x14400] =	vst v63  }
0x93: {  	_ =	swait.ge [sflag:s21], $0x10000  }
0x94: {  	[sflag:s21] =	ssyncset.done $0x0  }
0x95: {  	[sflag:s21] =	ssyncadd.s32 $0xFFFF0000  }
0x96: {  	_ =	swait.ge [sflag:s21], $0x10000  }
0x97: {  	[sflag:s21] =	ssyncset.done $0x0  }
0x98: {  	[sflag:s21] =	ssyncadd.s32 $0xFFFF0000  }
0x99: {  	_ =	swait.ge [sflag:s21], $0x10000  }
0x9a: {  	[sflag:s21] =	ssyncset.done $0x0  }
0x9b: {  	[sflag:s21] =	ssyncadd.s32 $0xFFFF0000  }
0x9c: {  	_ =	swait.ge [sflag:s21], $0x10000  }
0x9d: {  	p0 =	por $0x0, $0x0;
	[sflag:s21] =	ssyncset.done $0x0  }
0x9e: {  	s23 =	simm.s32 $0x0;
	s24 =	simm.s32 $0x0;
	[sflag:s21] =	ssyncadd.s32 $0xFFFF0000  }
.LBB2_2:
0x9f: {  	s26 =	sand.u32 $0x40, s23;
	s29 =	sand.u32 $0x200, s24  }
0xa0: {  	s28 =	sor.u32 s26, s29  }
0xa1: {  	v0 =	vld [tilespmem:s28+$0x0];
	_ =	sdelay $0x4  }
0xa2: {  	vm0 =	veq.s32 v0, $0x0  }
0xa3: {  	v1 =	vmpcnt.ones.xlane vm0;
	_ =	sdelay $0x1  }
0xa4: {  	(v2sf) =	vpush v1, $0x0;
	_ =	sdelay $0xe  }
0xa5: {  	s25 =	spop (v2sf)  }
0xa6: {  	p1 =	slt.s32 s25, $0x1  }
0xa7: {  	vm0 =	veq.s32 @!p1 v0, $0x0  }
0xa8: {  	v0 =	vmctz.xlane @!p1 vm0  }
0xa9: {  	s25 =	sadd.s32 s23, s4;
	v1 =	vlaneseq.u32 @!p1  }
0xaa: {  	v2 =	vor.u32 @!p1 s25, v1;
	v0 =	vadd.s32 @!p1 s25, v0  }
0xab: {  	v0 =	vsel @!p1 vm0, v2, v0  }
0xac: {  	v2 =	vshll.u32 @!p1 v0, $0x3  }
0xad: {  	v0 =	vand.u32 @!p1 $0x7, v0;
	v2 =	vand.u32 @!p1 $0xFFFFFFC0, v2  }
0xae: {  	v3 =	vshrl.u32 @!p1 v1, $0x3;
	v0 =	vor.u32 @!p1 v0, v2;
	v2 =	vand.u32 @!p1 $0x7, v1  }
0xaf: {  	v3 =	vmul.u32 @!p1 $0x8, v3;
	v2 =	vperm.xlane @!p1 v0, v2;
	_ =	sdelay $0x1  }
0xb0: {  	v2 =	vadd.s32 @!p1 v3, v2;
	_ =	sdelay $0x3  }
0xb1: {  	s30 =	simm.s32 @!p1 $0x0;
	s31 =	simm.s32 @!p1 $0x400;
	vm0 =	vmmov @!p1 $0xffff  }
0xb2: {  	v1 =	vor.u32 @!p1 $0x8, v1;
	[hbm4b:s2+s30] =	stream.indirect_vreg.scatter @!p1 [tilespmem:s31], [sflag:$0x3], $0x80, v2, vm0, $0xb8;
	[tilespmem:$0x14400] =	vst v63  }
0xb3: {  	v0 =	vperm.xlane @!p1 v0, v1;
	s31 =	simm.s32 @!p1 $0xC00  }
0xb4: {  	[hbm4b:s7+s30] =	stream.indirect_vreg.scatter @!p1 [tilespmem:s31], [sflag:$0x3], $0x80, v2, vm0, $0xb8;
	[tilespmem:$0x14400] =	vst v63  }
0xb5: {  	v0 =	vadd.s32 @!p1 v3, v0;
	s31 =	simm.s32 @!p1 $0x1400  }
0xb6: {  	[hbm4b:s8+s30] =	stream.indirect_vreg.scatter @!p1 [tilespmem:s31], [sflag:$0x3], $0x80, v2, vm0, $0xb8;
	[tilespmem:$0x14400] =	vst v63  }
0xb7: {  	s31 =	simm.s32 @!p1 $0x1C00  }
0xb8: {  	[hbm4b:s9+s30] =	stream.indirect_vreg.scatter @!p1 [tilespmem:s31], [sflag:$0x3], $0x80, v2, vm0, $0xb8;
	[tilespmem:$0x14400] =	vst v63  }
0xb9: {  	s31 =	simm.s32 @!p1 $0x2400  }
0xba: {  	[hbm4b:s2+s30] =	stream.indirect_vreg.scatter @!p1 [tilespmem:s31], [sflag:$0x3], $0x80, v0, vm0, $0xb8;
	[tilespmem:$0x14400] =	vst v63  }
0xbb: {  	s31 =	simm.s32 @!p1 $0x2C00  }
0xbc: {  	[hbm4b:s7+s30] =	stream.indirect_vreg.scatter @!p1 [tilespmem:s31], [sflag:$0x3], $0x80, v0, vm0, $0xb8;
	[tilespmem:$0x14400] =	vst v63  }
0xbd: {  	s31 =	simm.s32 @!p1 $0x3400  }
0xbe: {  	[hbm4b:s8+s30] =	stream.indirect_vreg.scatter @!p1 [tilespmem:s31], [sflag:$0x3], $0x80, v0, vm0, $0xb8;
	[tilespmem:$0x14400] =	vst v63  }
0xbf: {  	s31 =	simm.s32 @!p1 $0x3C00  }
0xc0: {  	[hbm4b:s9+s30] =	stream.indirect_vreg.scatter @!p1 [tilespmem:s31], [sflag:$0x3], $0x80, v0, vm0, $0xb8;
	[tilespmem:$0x14400] =	vst v63  }
0xc1: {  	s30 =	simm.s32 @!p1 $0x3  }
0xc2: {  	_ =	swait.ge @!p1 [sflag:s30], $0x4000  }
0xc3: {  	[sflag:s30] =	ssyncset.done @!p1 $0x0  }
0xc4: {  	s26 =	sadd.s32 s26, s29;
	[sflag:s30] =	ssyncadd.s32 @!p1 $0xFFFFC000  }
0xc5: {  	v0 =	vld [tilespmem:s26+$0x10];
	_ =	sdelay $0x4  }
0xc6: {  	vm13 =	veq.s32 v0, $0x0  }
0xc7: {  	v49 =	vmpcnt.ones.xlane vm13;
	_ =	sdelay $0x1  }
0xc8: {  	(v2sf) =	vpush v49, $0x0;
	_ =	sdelay $0xe  }
0xc9: {  	s31 =	spop (v2sf)  }
0xca: {  	p1 =	slt.s32 s31, $0x1  }
0xcb: {  	vm0 =	veq.s32 @!p1 v0, $0x0  }
0xcc: {  	s29 =	sadd.s32 @!p1 s23, s4;
	v0 =	vmctz.xlane @!p1 vm0  }
0xcd: {  	v1 =	vlaneseq.u32 @!p1;
	s29 =	sadd.s32 @!p1 $0x10, s29  }
0xce: {  	v2 =	vor.u32 @!p1 s29, v1;
	v0 =	vadd.s32 @!p1 s29, v0  }
0xcf: {  	v0 =	vsel @!p1 vm0, v2, v0  }
0xd0: {  	v2 =	vshll.u32 @!p1 v0, $0x3  }
0xd1: {  	v0 =	vand.u32 @!p1 $0x7, v0;
	v2 =	vand.u32 @!p1 $0xFFFFFFC0, v2  }
0xd2: {  	v3 =	vshrl.u32 @!p1 v1, $0x3;
	v0 =	vor.u32 @!p1 v0, v2;
	v2 =	vand.u32 @!p1 $0x7, v1  }
0xd3: {  	v3 =	vmul.u32 @!p1 $0x8, v3;
	v2 =	vperm.xlane @!p1 v0, v2;
	_ =	sdelay $0x1  }
0xd4: {  	v2 =	vadd.s32 @!p1 v3, v2;
	_ =	sdelay $0x3  }
0xd5: {  	s30 =	simm.s32 @!p1 $0x400;
	s29 =	simm.s32 @!p1 $0x0;
	vm0 =	vmmov @!p1 $0xffff  }
0xd6: {  	v1 =	vor.u32 @!p1 $0x8, v1;
	[hbm4b:s2+s29] =	stream.indirect_vreg.scatter @!p1 [tilespmem:s30], [sflag:$0x3], $0x80, v2, vm0, $0xb8;
	[tilespmem:$0x14400] =	vst v63  }
0xd7: {  	v0 =	vperm.xlane @!p1 v0, v1;
	s30 =	simm.s32 @!p1 $0xC00  }
0xd8: {  	[hbm4b:s7+s29] =	stream.indirect_vreg.scatter @!p1 [tilespmem:s30], [sflag:$0x3], $0x80, v2, vm0, $0xb8;
	[tilespmem:$0x14400] =	vst v63  }
0xd9: {  	v0 =	vadd.s32 @!p1 v3, v0;
	s30 =	simm.s32 @!p1 $0x1400  }
0xda: {  	[hbm4b:s8+s29] =	stream.indirect_vreg.scatter @!p1 [tilespmem:s30], [sflag:$0x3], $0x80, v2, vm0, $0xb8;
	[tilespmem:$0x14400] =	vst v63  }
0xdb: {  	s30 =	simm.s32 @!p1 $0x1C00  }
0xdc: {  	[hbm4b:s9+s29] =	stream.indirect_vreg.scatter @!p1 [tilespmem:s30], [sflag:$0x3], $0x80, v2, vm0, $0xb8;
	[tilespmem:$0x14400] =	vst v63  }
0xdd: {  	s30 =	simm.s32 @!p1 $0x2400  }
0xde: {  	[hbm4b:s2+s29] =	stream.indirect_vreg.scatter @!p1 [tilespmem:s30], [sflag:$0x3], $0x80, v0, vm0, $0xb8;
	[tilespmem:$0x14400] =	vst v63  }
0xdf: {  	s30 =	simm.s32 @!p1 $0x2C00  }
0xe0: {  	[hbm4b:s7+s29] =	stream.indirect_vreg.scatter @!p1 [tilespmem:s30], [sflag:$0x3], $0x80, v0, vm0, $0xb8;
	[tilespmem:$0x14400] =	vst v63  }
0xe1: {  	s30 =	simm.s32 @!p1 $0x3400  }
0xe2: {  	[hbm4b:s8+s29] =	stream.indirect_vreg.scatter @!p1 [tilespmem:s30], [sflag:$0x3], $0x80, v0, vm0, $0xb8;
	[tilespmem:$0x14400] =	vst v63  }
0xe3: {  	s30 =	simm.s32 @!p1 $0x3C00  }
0xe4: {  	[hbm4b:s9+s29] =	stream.indirect_vreg.scatter @!p1 [tilespmem:s30], [sflag:$0x3], $0x80, v0, vm0, $0xb8;
	[tilespmem:$0x14400] =	vst v63  }
0xe5: {  	s29 =	simm.s32 @!p1 $0x3  }
0xe6: {  	_ =	swait.ge @!p1 [sflag:s29], $0x4000  }
0xe7: {  	[sflag:s29] =	ssyncset.done @!p1 $0x0  }
0xe8: {  	[sflag:s29] =	ssyncadd.s32 @!p1 $0xFFFFC000  }
0xe9: {  	v0 =	vld [tilespmem:s26+$0x20];
	_ =	sdelay $0x4  }
0xea: {  	vm14 =	veq.s32 v0, $0x0  }
0xeb: {  	v50 =	vmpcnt.ones.xlane vm14;
	_ =	sdelay $0x1  }
0xec: {  	(v2sf) =	vpush v50, $0x0;
	_ =	sdelay $0xe  }
0xed: {  	s0 =	spop (v2sf)  }
0xee: {  	p1 =	slt.s32 s0, $0x1  }
0xef: {  	vm0 =	veq.s32 @!p1 v0, $0x0  }
0xf0: {  	s29 =	sadd.s32 @!p1 s23, s4;
	v0 =	vmctz.xlane @!p1 vm0  }
0xf1: {  	v1 =	vlaneseq.u32 @!p1;
	s29 =	sadd.s32 @!p1 $0x20, s29  }
0xf2: {  	v2 =	vor.u32 @!p1 s29, v1;
	v0 =	vadd.s32 @!p1 s29, v0  }
0xf3: {  	v0 =	vsel @!p1 vm0, v2, v0  }
0xf4: {  	v2 =	vshll.u32 @!p1 v0, $0x3  }
0xf5: {  	v0 =	vand.u32 @!p1 $0x7, v0;
	v2 =	vand.u32 @!p1 $0xFFFFFFC0, v2  }
0xf6: {  	v3 =	vshrl.u32 @!p1 v1, $0x3;
	v0 =	vor.u32 @!p1 v0, v2;
	v2 =	vand.u32 @!p1 $0x7, v1  }
0xf7: {  	v3 =	vmul.u32 @!p1 $0x8, v3;
	v2 =	vperm.xlane @!p1 v0, v2;
	_ =	sdelay $0x1  }
0xf8: {  	v2 =	vadd.s32 @!p1 v3, v2;
	_ =	sdelay $0x3  }
0xf9: {  	s30 =	simm.s32 @!p1 $0x400;
	s29 =	simm.s32 @!p1 $0x0;
	vm0 =	vmmov @!p1 $0xffff  }
0xfa: {  	v1 =	vor.u32 @!p1 $0x8, v1;
	[hbm4b:s2+s29] =	stream.indirect_vreg.scatter @!p1 [tilespmem:s30], [sflag:$0x3], $0x80, v2, vm0, $0xb8;
	[tilespmem:$0x14400] =	vst v63  }
0xfb: {  	v0 =	vperm.xlane @!p1 v0, v1;
	s30 =	simm.s32 @!p1 $0xC00  }
0xfc: {  	[hbm4b:s7+s29] =	stream.indirect_vreg.scatter @!p1 [tilespmem:s30], [sflag:$0x3], $0x80, v2, vm0, $0xb8;
	[tilespmem:$0x14400] =	vst v63  }
0xfd: {  	v0 =	vadd.s32 @!p1 v3, v0;
	s30 =	simm.s32 @!p1 $0x1400  }
0xfe: {  	[hbm4b:s8+s29] =	stream.indirect_vreg.scatter @!p1 [tilespmem:s30], [sflag:$0x3], $0x80, v2, vm0, $0xb8;
	[tilespmem:$0x14400] =	vst v63  }
0xff: {  	s30 =	simm.s32 @!p1 $0x1C00  }
0x100: {  	[hbm4b:s9+s29] =	stream.indirect_vreg.scatter @!p1 [tilespmem:s30], [sflag:$0x3], $0x80, v2, vm0, $0xb8;
	[tilespmem:$0x14400] =	vst v63  }
0x101: {  	s30 =	simm.s32 @!p1 $0x2400  }
0x102: {  	[hbm4b:s2+s29] =	stream.indirect_vreg.scatter @!p1 [tilespmem:s30], [sflag:$0x3], $0x80, v0, vm0, $0xb8;
	[tilespmem:$0x14400] =	vst v63  }
0x103: {  	s30 =	simm.s32 @!p1 $0x2C00  }
0x104: {  	[hbm4b:s7+s29] =	stream.indirect_vreg.scatter @!p1 [tilespmem:s30], [sflag:$0x3], $0x80, v0, vm0, $0xb8;
	[tilespmem:$0x14400] =	vst v63  }
0x105: {  	s30 =	simm.s32 @!p1 $0x3400  }
0x106: {  	[hbm4b:s8+s29] =	stream.indirect_vreg.scatter @!p1 [tilespmem:s30], [sflag:$0x3], $0x80, v0, vm0, $0xb8;
	[tilespmem:$0x14400] =	vst v63  }
0x107: {  	s30 =	simm.s32 @!p1 $0x3C00  }
0x108: {  	[hbm4b:s9+s29] =	stream.indirect_vreg.scatter @!p1 [tilespmem:s30], [sflag:$0x3], $0x80, v0, vm0, $0xb8;
	[tilespmem:$0x14400] =	vst v63  }
0x109: {  	s29 =	simm.s32 @!p1 $0x3  }
0x10a: {  	_ =	swait.ge @!p1 [sflag:s29], $0x4000  }
0x10b: {  	[sflag:s29] =	ssyncset.done @!p1 $0x0  }
0x10c: {  	[sflag:s29] =	ssyncadd.s32 @!p1 $0xFFFFC000  }
0x10d: {  	v0 =	vld [tilespmem:s26+$0x30];
	_ =	sdelay $0x4  }
0x10e: {  	vm15 =	veq.s32 v0, $0x0  }
0x10f: {  	v51 =	vmpcnt.ones.xlane vm15;
	_ =	sdelay $0x1  }
0x110: {  	(v2sf) =	vpush v51, $0x0;
	_ =	sdelay $0xe  }
0x111: {  	s1 =	spop (v2sf)  }
0x112: {  	p1 =	slt.s32 s1, $0x1  }
0x113: {  	vm0 =	veq.s32 @!p1 v0, $0x0  }
0x114: {  	s29 =	sadd.s32 @!p1 s23, s4;
	v0 =	vmctz.xlane @!p1 vm0  }
0x115: {  	v1 =	vlaneseq.u32 @!p1;
	s29 =	sadd.s32 @!p1 $0x30, s29  }
0x116: {  	v2 =	vor.u32 @!p1 s29, v1;
	v0 =	vadd.s32 @!p1 s29, v0  }
0x117: {  	v0 =	vsel @!p1 vm0, v2, v0  }
0x118: {  	v2 =	vshll.u32 @!p1 v0, $0x3  }
0x119: {  	v0 =	vand.u32 @!p1 $0x7, v0;
	v2 =	vand.u32 @!p1 $0xFFFFFFC0, v2  }
0x11a: {  	v3 =	vshrl.u32 @!p1 v1, $0x3;
	v0 =	vor.u32 @!p1 v0, v2;
	v2 =	vand.u32 @!p1 $0x7, v1  }
0x11b: {  	v3 =	vmul.u32 @!p1 $0x8, v3;
	v2 =	vperm.xlane @!p1 v0, v2;
	_ =	sdelay $0x1  }
0x11c: {  	v2 =	vadd.s32 @!p1 v3, v2;
	_ =	sdelay $0x3  }
0x11d: {  	s30 =	simm.s32 @!p1 $0x400;
	s29 =	simm.s32 @!p1 $0x0;
	vm0 =	vmmov @!p1 $0xffff  }
0x11e: {  	v1 =	vor.u32 @!p1 $0x8, v1;
	[hbm4b:s2+s29] =	stream.indirect_vreg.scatter @!p1 [tilespmem:s30], [sflag:$0x3], $0x80, v2, vm0, $0xb8;
	[tilespmem:$0x14400] =	vst v63  }
0x11f: {  	v0 =	vperm.xlane @!p1 v0, v1;
	s30 =	simm.s32 @!p1 $0xC00  }
0x120: {  	[hbm4b:s7+s29] =	stream.indirect_vreg.scatter @!p1 [tilespmem:s30], [sflag:$0x3], $0x80, v2, vm0, $0xb8;
	[tilespmem:$0x14400] =	vst v63  }
0x121: {  	v0 =	vadd.s32 @!p1 v3, v0;
	s30 =	simm.s32 @!p1 $0x1400  }
0x122: {  	[hbm4b:s8+s29] =	stream.indirect_vreg.scatter @!p1 [tilespmem:s30], [sflag:$0x3], $0x80, v2, vm0, $0xb8;
	[tilespmem:$0x14400] =	vst v63  }
0x123: {  	s30 =	simm.s32 @!p1 $0x1C00  }
0x124: {  	[hbm4b:s9+s29] =	stream.indirect_vreg.scatter @!p1 [tilespmem:s30], [sflag:$0x3], $0x80, v2, vm0, $0xb8;
	[tilespmem:$0x14400] =	vst v63  }
0x125: {  	s30 =	simm.s32 @!p1 $0x2400  }
0x126: {  	[hbm4b:s2+s29] =	stream.indirect_vreg.scatter @!p1 [tilespmem:s30], [sflag:$0x3], $0x80, v0, vm0, $0xb8;
	[tilespmem:$0x14400] =	vst v63  }
0x127: {  	s30 =	simm.s32 @!p1 $0x2C00  }
0x128: {  	[hbm4b:s7+s29] =	stream.indirect_vreg.scatter @!p1 [tilespmem:s30], [sflag:$0x3], $0x80, v0, vm0, $0xb8;
	[tilespmem:$0x14400] =	vst v63  }
0x129: {  	s30 =	simm.s32 @!p1 $0x3400  }
0x12a: {  	[hbm4b:s8+s29] =	stream.indirect_vreg.scatter @!p1 [tilespmem:s30], [sflag:$0x3], $0x80, v0, vm0, $0xb8;
	[tilespmem:$0x14400] =	vst v63  }
0x12b: {  	s30 =	simm.s32 @!p1 $0x3C00  }
0x12c: {  	[hbm4b:s9+s29] =	stream.indirect_vreg.scatter @!p1 [tilespmem:s30], [sflag:$0x3], $0x80, v0, vm0, $0xb8;
	[tilespmem:$0x14400] =	vst v63  }
0x12d: {  	s29 =	simm.s32 @!p1 $0x3  }
0x12e: {  	_ =	swait.ge @!p1 [sflag:s29], $0x4000  }
0x12f: {  	[sflag:s29] =	ssyncset.done @!p1 $0x0  }
0x130: {  	[sflag:s29] =	ssyncadd.s32 @!p1 $0xFFFFC000  }
0x131: {  	v0 =	vld [tilespmem:s28+$0x80];
	_ =	sdelay $0x4  }
0x132: {  	vm4 =	veq.s32 v0, $0x0  }
0x133: {  	v52 =	vmpcnt.ones.xlane vm4;
	_ =	sdelay $0x1  }
0x134: {  	(v2sf) =	vpush v52, $0x0;
	_ =	sdelay $0xe  }
0x135: {  	s5 =	spop (v2sf)  }
0x136: {  	p1 =	slt.s32 s5, $0x1  }
0x137: {  	vm0 =	veq.s32 @!p1 v0, $0x0  }
0x138: {  	v0 =	vmctz.xlane @!p1 vm0  }
0x139: {  	v1 =	vlaneseq.u32 @!p1  }
0x13a: {  	v2 =	vor.u32 @!p1 s25, v1;
	v0 =	vadd.s32 @!p1 s25, v0  }
0x13b: {  	v0 =	vsel @!p1 vm0, v2, v0  }
0x13c: {  	v2 =	vshll.u32 @!p1 v0, $0x3  }
0x13d: {  	v0 =	vand.u32 @!p1 $0x7, v0;
	v2 =	vand.u32 @!p1 $0xFFFFFFC0, v2  }
0x13e: {  	v3 =	vshrl.u32 @!p1 v1, $0x3;
	v0 =	vor.u32 @!p1 v0, v2;
	v2 =	vand.u32 @!p1 $0x7, v1  }
0x13f: {  	v3 =	vmul.u32 @!p1 $0x8, v3;
	v2 =	vperm.xlane @!p1 v0, v2;
	_ =	sdelay $0x1  }
0x140: {  	v2 =	vadd.s32 @!p1 v3, v2;
	_ =	sdelay $0x3  }
0x141: {  	s28 =	simm.s32 @!p1 $0x0;
	s29 =	simm.s32 @!p1 $0x400;
	vm0 =	vmmov @!p1 $0xffff  }
0x142: {  	v1 =	vor.u32 @!p1 $0x8, v1;
	[hbm4b:s11+s28] =	stream.indirect_vreg.scatter @!p1 [tilespmem:s29], [sflag:$0x3], $0x80, v2, vm0, $0xb8;
	[tilespmem:$0x14400] =	vst v63  }
0x143: {  	s30 =	simm.s32 @!p1 $0xC00;
	v0 =	vperm.xlane @!p1 v0, v1;
	s29 =	sadd.s32 @!p1 $0x100, s11  }
0x144: {  	[hbm4b:s29+s28] =	stream.indirect_vreg.scatter @!p1 [tilespmem:s30], [sflag:$0x3], $0x80, v2, vm0, $0xb8;
	[tilespmem:$0x14400] =	vst v63  }
0x145: {  	s31 =	simm.s32 @!p1 $0x1400;
	v0 =	vadd.s32 @!p1 v3, v0;
	s30 =	sadd.s32 @!p1 $0x200, s11  }
0x146: {  	[hbm4b:s30+s28] =	stream.indirect_vreg.scatter @!p1 [tilespmem:s31], [sflag:$0x3], $0x80, v2, vm0, $0xb8;
	[tilespmem:$0x14400] =	vst v63  }
0x147: {  	s0 =	simm.s32 @!p1 $0x1C00;
	s31 =	sadd.s32 @!p1 $0x300, s11  }
0x148: {  	[hbm4b:s31+s28] =	stream.indirect_vreg.scatter @!p1 [tilespmem:s0], [sflag:$0x3], $0x80, v2, vm0, $0xb8;
	[tilespmem:$0x14400] =	vst v63  }
0x149: {  	s0 =	simm.s32 @!p1 $0x2400  }
0x14a: {  	[hbm4b:s11+s28] =	stream.indirect_vreg.scatter @!p1 [tilespmem:s0], [sflag:$0x3], $0x80, v0, vm0, $0xb8;
	[tilespmem:$0x14400] =	vst v63  }
0x14b: {  	s0 =	simm.s32 @!p1 $0x2C00  }
0x14c: {  	[hbm4b:s29+s28] =	stream.indirect_vreg.scatter @!p1 [tilespmem:s0], [sflag:$0x3], $0x80, v0, vm0, $0xb8;
	[tilespmem:$0x14400] =	vst v63  }
0x14d: {  	s0 =	simm.s32 @!p1 $0x3400  }
0x14e: {  	[hbm4b:s30+s28] =	stream.indirect_vreg.scatter @!p1 [tilespmem:s0], [sflag:$0x3], $0x80, v0, vm0, $0xb8;
	[tilespmem:$0x14400] =	vst v63  }
0x14f: {  	s0 =	simm.s32 @!p1 $0x3C00  }
0x150: {  	[hbm4b:s31+s28] =	stream.indirect_vreg.scatter @!p1 [tilespmem:s0], [sflag:$0x3], $0x80, v0, vm0, $0xb8;
	[tilespmem:$0x14400] =	vst v63  }
0x151: {  	s0 =	simm.s32 @!p1 $0x3  }
0x152: {  	_ =	swait.ge @!p1 [sflag:s0], $0x4000  }
0x153: {  	[sflag:s0] =	ssyncset.done @!p1 $0x0  }
0x154: {  	s29 =	sadd.s32 $0x10, s26;
	[sflag:s0] =	ssyncadd.s32 @!p1 $0xFFFFC000  }
0x155: {  	v0 =	vld [tilespmem:s29+$0x80];
	_ =	sdelay $0x4  }
0x156: {  	vm5 =	veq.s32 v0, $0x0  }
0x157: {  	v53 =	vmpcnt.ones.xlane vm5;
	_ =	sdelay $0x1  }
0x158: {  	(v2sf) =	vpush v53, $0x0;
	_ =	sdelay $0xe  }
0x159: {  	s30 =	spop (v2sf)  }
0x15a: {  	p1 =	slt.s32 s30, $0x1  }
0x15b: {  	vm0 =	veq.s32 @!p1 v0, $0x0  }
0x15c: {  	s0 =	sadd.s32 @!p1 s23, s4;
	v0 =	vmctz.xlane @!p1 vm0  }
0x15d: {  	v1 =	vlaneseq.u32 @!p1;
	s0 =	sadd.s32 @!p1 $0x10, s0  }
0x15e: {  	v2 =	vor.u32 @!p1 s0, v1;
	v0 =	vadd.s32 @!p1 s0, v0  }
0x15f: {  	v0 =	vsel @!p1 vm0, v2, v0  }
0x160: {  	v2 =	vshll.u32 @!p1 v0, $0x3  }
0x161: {  	v0 =	vand.u32 @!p1 $0x7, v0;
	v2 =	vand.u32 @!p1 $0xFFFFFFC0, v2  }
0x162: {  	v3 =	vshrl.u32 @!p1 v1, $0x3;
	v0 =	vor.u32 @!p1 v0, v2;
	v2 =	vand.u32 @!p1 $0x7, v1  }
0x163: {  	v3 =	vmul.u32 @!p1 $0x8, v3;
	v2 =	vperm.xlane @!p1 v0, v2;
	_ =	sdelay $0x1  }
0x164: {  	v2 =	vadd.s32 @!p1 v3, v2;
	_ =	sdelay $0x3  }
0x165: {  	s28 =	simm.s32 @!p1 $0x400;
	s0 =	simm.s32 @!p1 $0x0;
	vm0 =	vmmov @!p1 $0xffff  }
0x166: {  	v1 =	vor.u32 @!p1 $0x8, v1;
	[hbm4b:s11+s0] =	stream.indirect_vreg.scatter @!p1 [tilespmem:s28], [sflag:$0x3], $0x80, v2, vm0, $0xb8;
	[tilespmem:$0x14400] =	vst v63  }
0x167: {  	s29 =	simm.s32 @!p1 $0xC00;
	v0 =	vperm.xlane @!p1 v0, v1;
	s28 =	sadd.s32 @!p1 $0x100, s11  }
0x168: {  	[hbm4b:s28+s0] =	stream.indirect_vreg.scatter @!p1 [tilespmem:s29], [sflag:$0x3], $0x80, v2, vm0, $0xb8;
	[tilespmem:$0x14400] =	vst v63  }
0x169: {  	s30 =	simm.s32 @!p1 $0x1400;
	v0 =	vadd.s32 @!p1 v3, v0;
	s29 =	sadd.s32 @!p1 $0x200, s11  }
0x16a: {  	[hbm4b:s29+s0] =	stream.indirect_vreg.scatter @!p1 [tilespmem:s30], [sflag:$0x3], $0x80, v2, vm0, $0xb8;
	[tilespmem:$0x14400] =	vst v63  }
0x16b: {  	s31 =	simm.s32 @!p1 $0x1C00;
	s30 =	sadd.s32 @!p1 $0x300, s11  }
0x16c: {  	[hbm4b:s30+s0] =	stream.indirect_vreg.scatter @!p1 [tilespmem:s31], [sflag:$0x3], $0x80, v2, vm0, $0xb8;
	[tilespmem:$0x14400] =	vst v63  }
0x16d: {  	s31 =	simm.s32 @!p1 $0x2400  }
0x16e: {  	[hbm4b:s11+s0] =	stream.indirect_vreg.scatter @!p1 [tilespmem:s31], [sflag:$0x3], $0x80, v0, vm0, $0xb8;
	[tilespmem:$0x14400] =	vst v63  }
0x16f: {  	s31 =	simm.s32 @!p1 $0x2C00  }
0x170: {  	[hbm4b:s28+s0] =	stream.indirect_vreg.scatter @!p1 [tilespmem:s31], [sflag:$0x3], $0x80, v0, vm0, $0xb8;
	[tilespmem:$0x14400] =	vst v63  }
0x171: {  	s28 =	simm.s32 @!p1 $0x3400  }
0x172: {  	[hbm4b:s29+s0] =	stream.indirect_vreg.scatter @!p1 [tilespmem:s28], [sflag:$0x3], $0x80, v0, vm0, $0xb8;
	[tilespmem:$0x14400] =	vst v63  }
0x173: {  	s28 =	simm.s32 @!p1 $0x3C00  }
0x174: {  	[hbm4b:s30+s0] =	stream.indirect_vreg.scatter @!p1 [tilespmem:s28], [sflag:$0x3], $0x80, v0, vm0, $0xb8;
	[tilespmem:$0x14400] =	vst v63  }
0x175: {  	s0 =	simm.s32 @!p1 $0x3  }
0x176: {  	_ =	swait.ge @!p1 [sflag:s0], $0x4000  }
0x177: {  	[sflag:s0] =	ssyncset.done @!p1 $0x0  }
0x178: {  	s31 =	sadd.s32 $0x20, s26;
	[sflag:s0] =	ssyncadd.s32 @!p1 $0xFFFFC000  }
0x179: {  	v0 =	vld [tilespmem:s31+$0x80];
	_ =	sdelay $0x4  }
0x17a: {  	vm6 =	veq.s32 v0, $0x0  }
0x17b: {  	v54 =	vmpcnt.ones.xlane vm6;
	_ =	sdelay $0x1  }
0x17c: {  	(v2sf) =	vpush v54, $0x0;
	_ =	sdelay $0xe  }
0x17d: {  	s1 =	spop (v2sf)  }
0x17e: {  	p1 =	slt.s32 s1, $0x1  }
0x17f: {  	vm0 =	veq.s32 @!p1 v0, $0x0  }
0x180: {  	s0 =	sadd.s32 @!p1 s23, s4;
	v0 =	vmctz.xlane @!p1 vm0  }
0x181: {  	v1 =	vlaneseq.u32 @!p1;
	s0 =	sadd.s32 @!p1 $0x20, s0  }
0x182: {  	v2 =	vor.u32 @!p1 s0, v1;
	v0 =	vadd.s32 @!p1 s0, v0  }
0x183: {  	v0 =	vsel @!p1 vm0, v2, v0  }
0x184: {  	v2 =	vshll.u32 @!p1 v0, $0x3  }
0x185: {  	v0 =	vand.u32 @!p1 $0x7, v0;
	v2 =	vand.u32 @!p1 $0xFFFFFFC0, v2  }
0x186: {  	v3 =	vshrl.u32 @!p1 v1, $0x3;
	v0 =	vor.u32 @!p1 v0, v2;
	v2 =	vand.u32 @!p1 $0x7, v1  }
0x187: {  	v3 =	vmul.u32 @!p1 $0x8, v3;
	v2 =	vperm.xlane @!p1 v0, v2;
	_ =	sdelay $0x1  }
0x188: {  	v2 =	vadd.s32 @!p1 v3, v2;
	_ =	sdelay $0x3  }
0x189: {  	s28 =	simm.s32 @!p1 $0x400;
	s0 =	simm.s32 @!p1 $0x0;
	vm0 =	vmmov @!p1 $0xffff  }
0x18a: {  	v1 =	vor.u32 @!p1 $0x8, v1;
	[hbm4b:s11+s0] =	stream.indirect_vreg.scatter @!p1 [tilespmem:s28], [sflag:$0x3], $0x80, v2, vm0, $0xb8;
	[tilespmem:$0x14400] =	vst v63  }
0x18b: {  	s29 =	simm.s32 @!p1 $0xC00;
	v0 =	vperm.xlane @!p1 v0, v1;
	s28 =	sadd.s32 @!p1 $0x100, s11  }
0x18c: {  	[hbm4b:s28+s0] =	stream.indirect_vreg.scatter @!p1 [tilespmem:s29], [sflag:$0x3], $0x80, v2, vm0, $0xb8;
	[tilespmem:$0x14400] =	vst v63  }
0x18d: {  	s30 =	simm.s32 @!p1 $0x1400;
	v0 =	vadd.s32 @!p1 v3, v0;
	s29 =	sadd.s32 @!p1 $0x200, s11  }
0x18e: {  	[hbm4b:s29+s0] =	stream.indirect_vreg.scatter @!p1 [tilespmem:s30], [sflag:$0x3], $0x80, v2, vm0, $0xb8;
	[tilespmem:$0x14400] =	vst v63  }
0x18f: {  	s31 =	simm.s32 @!p1 $0x1C00;
	s30 =	sadd.s32 @!p1 $0x300, s11  }
0x190: {  	[hbm4b:s30+s0] =	stream.indirect_vreg.scatter @!p1 [tilespmem:s31], [sflag:$0x3], $0x80, v2, vm0, $0xb8;
	[tilespmem:$0x14400] =	vst v63  }
0x191: {  	s31 =	simm.s32 @!p1 $0x2400  }
0x192: {  	[hbm4b:s11+s0] =	stream.indirect_vreg.scatter @!p1 [tilespmem:s31], [sflag:$0x3], $0x80, v0, vm0, $0xb8;
	[tilespmem:$0x14400] =	vst v63  }
0x193: {  	s31 =	simm.s32 @!p1 $0x2C00  }
0x194: {  	[hbm4b:s28+s0] =	stream.indirect_vreg.scatter @!p1 [tilespmem:s31], [sflag:$0x3], $0x80, v0, vm0, $0xb8;
	[tilespmem:$0x14400] =	vst v63  }
0x195: {  	s28 =	simm.s32 @!p1 $0x3400  }
0x196: {  	[hbm4b:s29+s0] =	stream.indirect_vreg.scatter @!p1 [tilespmem:s28], [sflag:$0x3], $0x80, v0, vm0, $0xb8;
	[tilespmem:$0x14400] =	vst v63  }
0x197: {  	s28 =	simm.s32 @!p1 $0x3C00  }
0x198: {  	[hbm4b:s30+s0] =	stream.indirect_vreg.scatter @!p1 [tilespmem:s28], [sflag:$0x3], $0x80, v0, vm0, $0xb8;
	[tilespmem:$0x14400] =	vst v63  }
0x199: {  	s0 =	simm.s32 @!p1 $0x3  }
0x19a: {  	_ =	swait.ge @!p1 [sflag:s0], $0x4000  }
0x19b: {  	[sflag:s0] =	ssyncset.done @!p1 $0x0  }
0x19c: {  	s26 =	sadd.s32 $0x30, s26;
	[sflag:s0] =	ssyncadd.s32 @!p1 $0xFFFFC000  }
0x19d: {  	v0 =	vld [tilespmem:s26+$0x80];
	_ =	sdelay $0x4  }
0x19e: {  	vm7 =	veq.s32 v0, $0x0  }
0x19f: {  	v55 =	vmpcnt.ones.xlane vm7;
	_ =	sdelay $0x1  }
0x1a0: {  	(v2sf) =	vpush v55, $0x0;
	_ =	sdelay $0xe  }
0x1a1: {  	s5 =	spop (v2sf)  }
0x1a2: {  	p1 =	slt.s32 s5, $0x1  }
0x1a3: {  	vm0 =	veq.s32 @!p1 v0, $0x0  }
0x1a4: {  	s0 =	sadd.s32 @!p1 s23, s4;
	v0 =	vmctz.xlane @!p1 vm0  }
0x1a5: {  	v1 =	vlaneseq.u32 @!p1;
	s0 =	sadd.s32 @!p1 $0x30, s0  }
0x1a6: {  	v2 =	vor.u32 @!p1 s0, v1;
	v0 =	vadd.s32 @!p1 s0, v0  }
0x1a7: {  	v0 =	vsel @!p1 vm0, v2, v0  }
0x1a8: {  	v2 =	vshll.u32 @!p1 v0, $0x3  }
0x1a9: {  	v0 =	vand.u32 @!p1 $0x7, v0;
	v2 =	vand.u32 @!p1 $0xFFFFFFC0, v2  }
0x1aa: {  	v3 =	vshrl.u32 @!p1 v1, $0x3;
	v0 =	vor.u32 @!p1 v0, v2;
	v2 =	vand.u32 @!p1 $0x7, v1  }
0x1ab: {  	v3 =	vmul.u32 @!p1 $0x8, v3;
	v2 =	vperm.xlane @!p1 v0, v2;
	_ =	sdelay $0x1  }
0x1ac: {  	v2 =	vadd.s32 @!p1 v3, v2;
	_ =	sdelay $0x3  }
0x1ad: {  	s26 =	simm.s32 @!p1 $0x400;
	s0 =	simm.s32 @!p1 $0x0;
	vm0 =	vmmov @!p1 $0xffff  }
0x1ae: {  	v1 =	vor.u32 @!p1 $0x8, v1;
	[hbm4b:s11+s0] =	stream.indirect_vreg.scatter @!p1 [tilespmem:s26], [sflag:$0x3], $0x80, v2, vm0, $0xb8;
	[tilespmem:$0x14400] =	vst v63  }
0x1af: {  	s28 =	simm.s32 @!p1 $0xC00;
	v0 =	vperm.xlane @!p1 v0, v1;
	s26 =	sadd.s32 @!p1 $0x100, s11  }
0x1b0: {  	[hbm4b:s26+s0] =	stream.indirect_vreg.scatter @!p1 [tilespmem:s28], [sflag:$0x3], $0x80, v2, vm0, $0xb8;
	[tilespmem:$0x14400] =	vst v63  }
0x1b1: {  	s29 =	simm.s32 @!p1 $0x1400;
	v0 =	vadd.s32 @!p1 v3, v0;
	s28 =	sadd.s32 @!p1 $0x200, s11  }
0x1b2: {  	[hbm4b:s28+s0] =	stream.indirect_vreg.scatter @!p1 [tilespmem:s29], [sflag:$0x3], $0x80, v2, vm0, $0xb8;
	[tilespmem:$0x14400] =	vst v63  }
0x1b3: {  	s30 =	simm.s32 @!p1 $0x1C00;
	s29 =	sadd.s32 @!p1 $0x300, s11  }
0x1b4: {  	[hbm4b:s29+s0] =	stream.indirect_vreg.scatter @!p1 [tilespmem:s30], [sflag:$0x3], $0x80, v2, vm0, $0xb8;
	[tilespmem:$0x14400] =	vst v63  }
0x1b5: {  	s30 =	simm.s32 @!p1 $0x2400  }
0x1b6: {  	[hbm4b:s11+s0] =	stream.indirect_vreg.scatter @!p1 [tilespmem:s30], [sflag:$0x3], $0x80, v0, vm0, $0xb8;
	[tilespmem:$0x14400] =	vst v63  }
0x1b7: {  	s30 =	simm.s32 @!p1 $0x2C00  }
0x1b8: {  	[hbm4b:s26+s0] =	stream.indirect_vreg.scatter @!p1 [tilespmem:s30], [sflag:$0x3], $0x80, v0, vm0, $0xb8;
	[tilespmem:$0x14400] =	vst v63  }
0x1b9: {  	s26 =	simm.s32 @!p1 $0x3400  }
0x1ba: {  	[hbm4b:s28+s0] =	stream.indirect_vreg.scatter @!p1 [tilespmem:s26], [sflag:$0x3], $0x80, v0, vm0, $0xb8;
	[tilespmem:$0x14400] =	vst v63  }
0x1bb: {  	s26 =	simm.s32 $0x1;
	s28 =	simm.s32 @!p1 $0x3C00  }
0x1bc: {  	[hbm4b:s29+s0] =	stream.indirect_vreg.scatter @!p1 [tilespmem:s28], [sflag:$0x3], $0x80, v0, vm0, $0xb8;
	[tilespmem:$0x14400] =	vst v63  }
0x1bd: {  	s26 =	simm.s32 @!p0 $0x0;
	s0 =	simm.s32 @!p1 $0x3  }
0x1be: {  	s29 =	sshll.u32 s26, $0x6;
	_ =	swait.ge @!p1 [sflag:s0], $0x4000  }
0x1bf: {  	s28 =	sadd.s32 s29, s24;
	[sflag:s0] =	ssyncset.done @!p1 $0x0  }
0x1c0: {  	s26 =	sor.u32 $0x100, s28;
	[sflag:s0] =	ssyncadd.s32 @!p1 $0xFFFFC000  }
0x1c1: {  	v0 =	vld [tilespmem:s26+$0x0];
	_ =	sdelay $0x4  }
0x1c2: {  	vm8 =	veq.s32 v0, $0x0  }
0x1c3: {  	v56 =	vmpcnt.ones.xlane vm8;
	_ =	sdelay $0x1  }
0x1c4: {  	(v2sf) =	vpush v56, $0x0;
	_ =	sdelay $0xe  }
0x1c5: {  	s30 =	spop (v2sf)  }
0x1c6: {  	p1 =	slt.s32 s30, $0x1  }
0x1c7: {  	vm0 =	veq.s32 @!p1 v0, $0x0  }
0x1c8: {  	v0 =	vmctz.xlane @!p1 vm0  }
0x1c9: {  	v1 =	vlaneseq.u32 @!p1  }
0x1ca: {  	v2 =	vor.u32 @!p1 s25, v1;
	v0 =	vadd.s32 @!p1 s25, v0  }
0x1cb: {  	v0 =	vsel @!p1 vm0, v2, v0  }
0x1cc: {  	v2 =	vshll.u32 @!p1 v0, $0x3  }
0x1cd: {  	v0 =	vand.u32 @!p1 $0x7, v0;
	v2 =	vand.u32 @!p1 $0xFFFFFFC0, v2  }
0x1ce: {  	v3 =	vshrl.u32 @!p1 v1, $0x3;
	v0 =	vor.u32 @!p1 v0, v2;
	v2 =	vand.u32 @!p1 $0x7, v1  }
0x1cf: {  	v3 =	vmul.u32 @!p1 $0x8, v3;
	v2 =	vperm.xlane @!p1 v0, v2;
	_ =	sdelay $0x1  }
0x1d0: {  	v2 =	vadd.s32 @!p1 v3, v2;
	_ =	sdelay $0x3  }
0x1d1: {  	s0 =	simm.s32 @!p1 $0x0;
	s26 =	simm.s32 @!p1 $0x400;
	vm0 =	vmmov @!p1 $0xffff  }
0x1d2: {  	v1 =	vor.u32 @!p1 $0x8, v1;
	[hbm4b:s14+s0] =	stream.indirect_vreg.scatter @!p1 [tilespmem:s26], [sflag:$0x3], $0x80, v2, vm0, $0xb8;
	[tilespmem:$0x14400] =	vst v63  }
0x1d3: {  	s30 =	simm.s32 @!p1 $0xC00;
	v0 =	vperm.xlane @!p1 v0, v1;
	s26 =	sadd.s32 @!p1 $0x100, s14  }
0x1d4: {  	[hbm4b:s26+s0] =	stream.indirect_vreg.scatter @!p1 [tilespmem:s30], [sflag:$0x3], $0x80, v2, vm0, $0xb8;
	[tilespmem:$0x14400] =	vst v63  }
0x1d5: {  	s31 =	simm.s32 @!p1 $0x1400;
	v0 =	vadd.s32 @!p1 v3, v0;
	s30 =	sadd.s32 @!p1 $0x200, s14  }
0x1d6: {  	[hbm4b:s30+s0] =	stream.indirect_vreg.scatter @!p1 [tilespmem:s31], [sflag:$0x3], $0x80, v2, vm0, $0xb8;
	[tilespmem:$0x14400] =	vst v63  }
0x1d7: {  	s1 =	simm.s32 @!p1 $0x1C00;
	s31 =	sadd.s32 @!p1 $0x300, s14  }
0x1d8: {  	[hbm4b:s31+s0] =	stream.indirect_vreg.scatter @!p1 [tilespmem:s1], [sflag:$0x3], $0x80, v2, vm0, $0xb8;
	[tilespmem:$0x14400] =	vst v63  }
0x1d9: {  	s1 =	simm.s32 @!p1 $0x2400  }
0x1da: {  	[hbm4b:s14+s0] =	stream.indirect_vreg.scatter @!p1 [tilespmem:s1], [sflag:$0x3], $0x80, v0, vm0, $0xb8;
	[tilespmem:$0x14400] =	vst v63  }
0x1db: {  	s1 =	simm.s32 @!p1 $0x2C00  }
0x1dc: {  	[hbm4b:s26+s0] =	stream.indirect_vreg.scatter @!p1 [tilespmem:s1], [sflag:$0x3], $0x80, v0, vm0, $0xb8;
	[tilespmem:$0x14400] =	vst v63  }
0x1dd: {  	s1 =	simm.s32 @!p1 $0x3400  }
0x1de: {  	[hbm4b:s30+s0] =	stream.indirect_vreg.scatter @!p1 [tilespmem:s1], [sflag:$0x3], $0x80, v0, vm0, $0xb8;
	[tilespmem:$0x14400] =	vst v63  }
0x1df: {  	s1 =	simm.s32 @!p1 $0x3C00  }
0x1e0: {  	[hbm4b:s31+s0] =	stream.indirect_vreg.scatter @!p1 [tilespmem:s1], [sflag:$0x3], $0x80, v0, vm0, $0xb8;
	[tilespmem:$0x14400] =	vst v63  }
0x1e1: {  	s0 =	simm.s32 @!p1 $0x3  }
0x1e2: {  	_ =	swait.ge @!p1 [sflag:s0], $0x4000  }
0x1e3: {  	s26 =	sadd.s32 $0x10, s28;
	[sflag:s0] =	ssyncset.done @!p1 $0x0  }
0x1e4: {  	s31 =	sor.u32 $0x100, s26;
	[sflag:s0] =	ssyncadd.s32 @!p1 $0xFFFFC000  }
0x1e5: {  	v0 =	vld [tilespmem:s31+$0x0];
	_ =	sdelay $0x4  }
0x1e6: {  	vm9 =	veq.s32 v0, $0x0  }
0x1e7: {  	v57 =	vmpcnt.ones.xlane vm9;
	_ =	sdelay $0x1  }
0x1e8: {  	(v2sf) =	vpush v57, $0x0;
	_ =	sdelay $0xe  }
0x1e9: {  	s1 =	spop (v2sf)  }
0x1ea: {  	p1 =	slt.s32 s1, $0x1  }
0x1eb: {  	vm0 =	veq.s32 @!p1 v0, $0x0  }
0x1ec: {  	s0 =	sadd.s32 @!p1 s23, s4;
	v0 =	vmctz.xlane @!p1 vm0  }
0x1ed: {  	v1 =	vlaneseq.u32 @!p1;
	s0 =	sadd.s32 @!p1 $0x10, s0  }
0x1ee: {  	v2 =	vor.u32 @!p1 s0, v1;
	v0 =	vadd.s32 @!p1 s0, v0  }
0x1ef: {  	v0 =	vsel @!p1 vm0, v2, v0  }
0x1f0: {  	v2 =	vshll.u32 @!p1 v0, $0x3  }
0x1f1: {  	v0 =	vand.u32 @!p1 $0x7, v0;
	v2 =	vand.u32 @!p1 $0xFFFFFFC0, v2  }
0x1f2: {  	v3 =	vshrl.u32 @!p1 v1, $0x3;
	v0 =	vor.u32 @!p1 v0, v2;
	v2 =	vand.u32 @!p1 $0x7, v1  }
0x1f3: {  	v3 =	vmul.u32 @!p1 $0x8, v3;
	v2 =	vperm.xlane @!p1 v0, v2;
	_ =	sdelay $0x1  }
0x1f4: {  	v2 =	vadd.s32 @!p1 v3, v2;
	_ =	sdelay $0x3  }
0x1f5: {  	s1 =	simm.s32 @!p1 $0x400;
	s0 =	simm.s32 @!p1 $0x0;
	vm0 =	vmmov @!p1 $0xffff  }
0x1f6: {  	v1 =	vor.u32 @!p1 $0x8, v1;
	[hbm4b:s14+s0] =	stream.indirect_vreg.scatter @!p1 [tilespmem:s1], [sflag:$0x3], $0x80, v2, vm0, $0xb8;
	[tilespmem:$0x14400] =	vst v63  }
0x1f7: {  	s30 =	simm.s32 @!p1 $0xC00;
	v0 =	vperm.xlane @!p1 v0, v1;
	s1 =	sadd.s32 @!p1 $0x100, s14  }
0x1f8: {  	[hbm4b:s1+s0] =	stream.indirect_vreg.scatter @!p1 [tilespmem:s30], [sflag:$0x3], $0x80, v2, vm0, $0xb8;
	[tilespmem:$0x14400] =	vst v63  }
0x1f9: {  	s31 =	simm.s32 @!p1 $0x1400;
	v0 =	vadd.s32 @!p1 v3, v0;
	s30 =	sadd.s32 @!p1 $0x200, s14  }
0x1fa: {  	[hbm4b:s30+s0] =	stream.indirect_vreg.scatter @!p1 [tilespmem:s31], [sflag:$0x3], $0x80, v2, vm0, $0xb8;
	[tilespmem:$0x14400] =	vst v63  }
0x1fb: {  	s5 =	simm.s32 @!p1 $0x1C00;
	s31 =	sadd.s32 @!p1 $0x300, s14  }
0x1fc: {  	[hbm4b:s31+s0] =	stream.indirect_vreg.scatter @!p1 [tilespmem:s5], [sflag:$0x3], $0x80, v2, vm0, $0xb8;
	[tilespmem:$0x14400] =	vst v63  }
0x1fd: {  	s5 =	simm.s32 @!p1 $0x2400  }
0x1fe: {  	[hbm4b:s14+s0] =	stream.indirect_vreg.scatter @!p1 [tilespmem:s5], [sflag:$0x3], $0x80, v0, vm0, $0xb8;
	[tilespmem:$0x14400] =	vst v63  }
0x1ff: {  	s5 =	simm.s32 @!p1 $0x2C00  }
0x200: {  	[hbm4b:s1+s0] =	stream.indirect_vreg.scatter @!p1 [tilespmem:s5], [sflag:$0x3], $0x80, v0, vm0, $0xb8;
	[tilespmem:$0x14400] =	vst v63  }
0x201: {  	s1 =	simm.s32 @!p1 $0x3400  }
0x202: {  	[hbm4b:s30+s0] =	stream.indirect_vreg.scatter @!p1 [tilespmem:s1], [sflag:$0x3], $0x80, v0, vm0, $0xb8;
	[tilespmem:$0x14400] =	vst v63  }
0x203: {  	s1 =	simm.s32 @!p1 $0x3C00  }
0x204: {  	[hbm4b:s31+s0] =	stream.indirect_vreg.scatter @!p1 [tilespmem:s1], [sflag:$0x3], $0x80, v0, vm0, $0xb8;
	[tilespmem:$0x14400] =	vst v63  }
0x205: {  	s0 =	simm.s32 @!p1 $0x3  }
0x206: {  	_ =	swait.ge @!p1 [sflag:s0], $0x4000  }
0x207: {  	s28 =	sadd.s32 $0x20, s28;
	[sflag:s0] =	ssyncset.done @!p1 $0x0  }
0x208: {  	s5 =	sor.u32 $0x100, s28;
	[sflag:s0] =	ssyncadd.s32 @!p1 $0xFFFFC000  }
0x209: {  	v0 =	vld [tilespmem:s5+$0x0];
	_ =	sdelay $0x4  }
0x20a: {  	vm10 =	veq.s32 v0, $0x0  }
0x20b: {  	v58 =	vmpcnt.ones.xlane vm10;
	_ =	sdelay $0x1  }
0x20c: {  	(v2sf) =	vpush v58, $0x0;
	_ =	sdelay $0xe  }
0x20d: {  	s30 =	spop (v2sf)  }
0x20e: {  	p1 =	slt.s32 s30, $0x1  }
0x20f: {  	vm0 =	veq.s32 @!p1 v0, $0x0  }
0x210: {  	s0 =	sadd.s32 @!p1 s23, s4;
	v0 =	vmctz.xlane @!p1 vm0  }
0x211: {  	v1 =	vlaneseq.u32 @!p1;
	s0 =	sadd.s32 @!p1 $0x20, s0  }
0x212: {  	v2 =	vor.u32 @!p1 s0, v1;
	v0 =	vadd.s32 @!p1 s0, v0  }
0x213: {  	v0 =	vsel @!p1 vm0, v2, v0  }
0x214: {  	v2 =	vshll.u32 @!p1 v0, $0x3  }
0x215: {  	v0 =	vand.u32 @!p1 $0x7, v0;
	v2 =	vand.u32 @!p1 $0xFFFFFFC0, v2  }
0x216: {  	v3 =	vshrl.u32 @!p1 v1, $0x3;
	v0 =	vor.u32 @!p1 v0, v2;
	v2 =	vand.u32 @!p1 $0x7, v1  }
0x217: {  	v3 =	vmul.u32 @!p1 $0x8, v3;
	v2 =	vperm.xlane @!p1 v0, v2;
	_ =	sdelay $0x1  }
0x218: {  	v2 =	vadd.s32 @!p1 v3, v2;
	_ =	sdelay $0x3  }
0x219: {  	s1 =	simm.s32 @!p1 $0x400;
	s0 =	simm.s32 @!p1 $0x0;
	vm0 =	vmmov @!p1 $0xffff  }
0x21a: {  	v1 =	vor.u32 @!p1 $0x8, v1;
	[hbm4b:s14+s0] =	stream.indirect_vreg.scatter @!p1 [tilespmem:s1], [sflag:$0x3], $0x80, v2, vm0, $0xb8;
	[tilespmem:$0x14400] =	vst v63  }
0x21b: {  	s5 =	simm.s32 @!p1 $0xC00;
	v0 =	vperm.xlane @!p1 v0, v1;
	s1 =	sadd.s32 @!p1 $0x100, s14  }
0x21c: {  	[hbm4b:s1+s0] =	stream.indirect_vreg.scatter @!p1 [tilespmem:s5], [sflag:$0x3], $0x80, v2, vm0, $0xb8;
	[tilespmem:$0x14400] =	vst v63  }
0x21d: {  	s30 =	simm.s32 @!p1 $0x1400;
	v0 =	vadd.s32 @!p1 v3, v0;
	s5 =	sadd.s32 @!p1 $0x200, s14  }
0x21e: {  	[hbm4b:s5+s0] =	stream.indirect_vreg.scatter @!p1 [tilespmem:s30], [sflag:$0x3], $0x80, v2, vm0, $0xb8;
	[tilespmem:$0x14400] =	vst v63  }
0x21f: {  	s31 =	simm.s32 @!p1 $0x1C00;
	s30 =	sadd.s32 @!p1 $0x300, s14  }
0x220: {  	[hbm4b:s30+s0] =	stream.indirect_vreg.scatter @!p1 [tilespmem:s31], [sflag:$0x3], $0x80, v2, vm0, $0xb8;
	[tilespmem:$0x14400] =	vst v63  }
0x221: {  	s31 =	simm.s32 @!p1 $0x2400  }
0x222: {  	[hbm4b:s14+s0] =	stream.indirect_vreg.scatter @!p1 [tilespmem:s31], [sflag:$0x3], $0x80, v0, vm0, $0xb8;
	[tilespmem:$0x14400] =	vst v63  }
0x223: {  	s31 =	simm.s32 @!p1 $0x2C00  }
0x224: {  	[hbm4b:s1+s0] =	stream.indirect_vreg.scatter @!p1 [tilespmem:s31], [sflag:$0x3], $0x80, v0, vm0, $0xb8;
	[tilespmem:$0x14400] =	vst v63  }
0x225: {  	s1 =	simm.s32 @!p1 $0x3400  }
0x226: {  	[hbm4b:s5+s0] =	stream.indirect_vreg.scatter @!p1 [tilespmem:s1], [sflag:$0x3], $0x80, v0, vm0, $0xb8;
	[tilespmem:$0x14400] =	vst v63  }
0x227: {  	s1 =	simm.s32 @!p1 $0x3C00  }
0x228: {  	[hbm4b:s30+s0] =	stream.indirect_vreg.scatter @!p1 [tilespmem:s1], [sflag:$0x3], $0x80, v0, vm0, $0xb8;
	[tilespmem:$0x14400] =	vst v63  }
0x229: {  	s0 =	simm.s32 @!p1 $0x3  }
0x22a: {  	s31 =	sor.u32 $0x30, s29;
	_ =	swait.ge @!p1 [sflag:s0], $0x4000  }
0x22b: {  	s29 =	sadd.s32 s31, s24;
	[sflag:s0] =	ssyncset.done @!p1 $0x0  }
0x22c: {  	s1 =	sor.u32 $0x100, s29;
	[sflag:s0] =	ssyncadd.s32 @!p1 $0xFFFFC000  }
0x22d: {  	v0 =	vld [tilespmem:s1+$0x0];
	_ =	sdelay $0x4  }
0x22e: {  	vm11 =	veq.s32 v0, $0x0  }
0x22f: {  	v59 =	vmpcnt.ones.xlane vm11;
	_ =	sdelay $0x1  }
0x230: {  	(v2sf) =	vpush v59, $0x0;
	_ =	sdelay $0xe  }
0x231: {  	s5 =	spop (v2sf)  }
0x232: {  	p1 =	slt.s32 s5, $0x1  }
0x233: {  	vm0 =	veq.s32 @!p1 v0, $0x0  }
0x234: {  	s0 =	sadd.s32 @!p1 s23, s4;
	v0 =	vmctz.xlane @!p1 vm0  }
0x235: {  	v1 =	vlaneseq.u32 @!p1;
	s0 =	sadd.s32 @!p1 $0x30, s0  }
0x236: {  	v2 =	vor.u32 @!p1 s0, v1;
	v0 =	vadd.s32 @!p1 s0, v0  }
0x237: {  	v0 =	vsel @!p1 vm0, v2, v0  }
0x238: {  	v2 =	vshll.u32 @!p1 v0, $0x3  }
0x239: {  	v0 =	vand.u32 @!p1 $0x7, v0;
	v2 =	vand.u32 @!p1 $0xFFFFFFC0, v2  }
0x23a: {  	v3 =	vshrl.u32 @!p1 v1, $0x3;
	v0 =	vor.u32 @!p1 v0, v2;
	v2 =	vand.u32 @!p1 $0x7, v1  }
0x23b: {  	v3 =	vmul.u32 @!p1 $0x8, v3;
	v2 =	vperm.xlane @!p1 v0, v2;
	_ =	sdelay $0x1  }
0x23c: {  	v2 =	vadd.s32 @!p1 v3, v2;
	_ =	sdelay $0x3  }
0x23d: {  	s1 =	simm.s32 @!p1 $0x400;
	s0 =	simm.s32 @!p1 $0x0;
	vm0 =	vmmov @!p1 $0xffff  }
0x23e: {  	v1 =	vor.u32 @!p1 $0x8, v1;
	[hbm4b:s14+s0] =	stream.indirect_vreg.scatter @!p1 [tilespmem:s1], [sflag:$0x3], $0x80, v2, vm0, $0xb8;
	[tilespmem:$0x14400] =	vst v63  }
0x23f: {  	s5 =	simm.s32 @!p1 $0xC00;
	v0 =	vperm.xlane @!p1 v0, v1;
	s1 =	sadd.s32 @!p1 $0x100, s14  }
0x240: {  	[hbm4b:s1+s0] =	stream.indirect_vreg.scatter @!p1 [tilespmem:s5], [sflag:$0x3], $0x80, v2, vm0, $0xb8;
	[tilespmem:$0x14400] =	vst v63  }
0x241: {  	s30 =	simm.s32 @!p1 $0x1400;
	v0 =	vadd.s32 @!p1 v3, v0;
	s5 =	sadd.s32 @!p1 $0x200, s14  }
0x242: {  	[hbm4b:s5+s0] =	stream.indirect_vreg.scatter @!p1 [tilespmem:s30], [sflag:$0x3], $0x80, v2, vm0, $0xb8;
	[tilespmem:$0x14400] =	vst v63  }
0x243: {  	s31 =	simm.s32 @!p1 $0x1C00;
	s30 =	sadd.s32 @!p1 $0x300, s14  }
0x244: {  	[hbm4b:s30+s0] =	stream.indirect_vreg.scatter @!p1 [tilespmem:s31], [sflag:$0x3], $0x80, v2, vm0, $0xb8;
	[tilespmem:$0x14400] =	vst v63  }
0x245: {  	s31 =	simm.s32 @!p1 $0x2400  }
0x246: {  	[hbm4b:s14+s0] =	stream.indirect_vreg.scatter @!p1 [tilespmem:s31], [sflag:$0x3], $0x80, v0, vm0, $0xb8;
	[tilespmem:$0x14400] =	vst v63  }
0x247: {  	s31 =	simm.s32 @!p1 $0x2C00  }
0x248: {  	[hbm4b:s1+s0] =	stream.indirect_vreg.scatter @!p1 [tilespmem:s31], [sflag:$0x3], $0x80, v0, vm0, $0xb8;
	[tilespmem:$0x14400] =	vst v63  }
0x249: {  	s1 =	simm.s32 @!p1 $0x3400  }
0x24a: {  	[hbm4b:s5+s0] =	stream.indirect_vreg.scatter @!p1 [tilespmem:s1], [sflag:$0x3], $0x80, v0, vm0, $0xb8;
	[tilespmem:$0x14400] =	vst v63  }
0x24b: {  	s1 =	simm.s32 @!p1 $0x3C00  }
0x24c: {  	[hbm4b:s30+s0] =	stream.indirect_vreg.scatter @!p1 [tilespmem:s1], [sflag:$0x3], $0x80, v0, vm0, $0xb8;
	[tilespmem:$0x14400] =	vst v63  }
0x24d: {  	s0 =	simm.s32 @!p1 $0x3  }
0x24e: {  	_ =	swait.ge @!p1 [sflag:s0], $0x4000  }
0x24f: {  	s30 =	sor.u32 s24, s23;
	[sflag:s0] =	ssyncset.done @!p1 $0x0  }
0x250: {  	s31 =	sor.u32 $0x180, s30;
	[sflag:s0] =	ssyncadd.s32 @!p1 $0xFFFFC000  }
0x251: {  	v0 =	vld [tilespmem:s31+$0x0];
	_ =	sdelay $0x4  }
0x252: {  	vm12 =	veq.s32 v0, $0x0  }
0x253: {  	v60 =	vmpcnt.ones.xlane vm12;
	_ =	sdelay $0x1  }
0x254: {  	(v2sf) =	vpush v60, $0x0;
	_ =	sdelay $0xe  }
0x255: {  	s1 =	spop (v2sf)  }
0x256: {  	p1 =	slt.s32 s1, $0x1  }
0x257: {  	vm0 =	veq.s32 @!p1 v0, $0x0  }
0x258: {  	v0 =	vmctz.xlane @!p1 vm0  }
0x259: {  	v1 =	vlaneseq.u32 @!p1  }
0x25a: {  	v2 =	vor.u32 @!p1 s25, v1;
	v0 =	vadd.s32 @!p1 s25, v0  }
0x25b: {  	v0 =	vsel @!p1 vm0, v2, v0  }
0x25c: {  	v2 =	vshll.u32 @!p1 v0, $0x3  }
0x25d: {  	v0 =	vand.u32 @!p1 $0x7, v0;
	v2 =	vand.u32 @!p1 $0xFFFFFFC0, v2  }
0x25e: {  	v3 =	vshrl.u32 @!p1 v1, $0x3;
	v0 =	vor.u32 @!p1 v0, v2;
	v2 =	vand.u32 @!p1 $0x7, v1  }
0x25f: {  	v3 =	vmul.u32 @!p1 $0x8, v3;
	v2 =	vperm.xlane @!p1 v0, v2;
	_ =	sdelay $0x1  }
0x260: {  	v2 =	vadd.s32 @!p1 v3, v2;
	_ =	sdelay $0x3  }
0x261: {  	s0 =	simm.s32 @!p1 $0x0;
	s1 =	simm.s32 @!p1 $0x400;
	vm0 =	vmmov @!p1 $0xffff  }
0x262: {  	v1 =	vor.u32 @!p1 $0x8, v1;
	[hbm4b:s16+s0] =	stream.indirect_vreg.scatter @!p1 [tilespmem:s1], [sflag:$0x3], $0x80, v2, vm0, $0xb8;
	[tilespmem:$0x14400] =	vst v63  }
0x263: {  	s5 =	simm.s32 @!p1 $0xC00;
	v0 =	vperm.xlane @!p1 v0, v1;
	s1 =	sadd.s32 @!p1 $0x100, s16  }
0x264: {  	[hbm4b:s1+s0] =	stream.indirect_vreg.scatter @!p1 [tilespmem:s5], [sflag:$0x3], $0x80, v2, vm0, $0xb8;
	[tilespmem:$0x14400] =	vst v63  }
0x265: {  	s25 =	simm.s32 @!p1 $0x1400;
	v0 =	vadd.s32 @!p1 v3, v0;
	s5 =	sadd.s32 @!p1 $0x200, s16  }
0x266: {  	[hbm4b:s5+s0] =	stream.indirect_vreg.scatter @!p1 [tilespmem:s25], [sflag:$0x3], $0x80, v2, vm0, $0xb8;
	[tilespmem:$0x14400] =	vst v63  }
0x267: {  	s30 =	simm.s32 @!p1 $0x1C00;
	s25 =	sadd.s32 @!p1 $0x300, s16  }
0x268: {  	[hbm4b:s25+s0] =	stream.indirect_vreg.scatter @!p1 [tilespmem:s30], [sflag:$0x3], $0x80, v2, vm0, $0xb8;
	[tilespmem:$0x14400] =	vst v63  }
0x269: {  	s30 =	simm.s32 @!p1 $0x2400  }
0x26a: {  	[hbm4b:s16+s0] =	stream.indirect_vreg.scatter @!p1 [tilespmem:s30], [sflag:$0x3], $0x80, v0, vm0, $0xb8;
	[tilespmem:$0x14400] =	vst v63  }
0x26b: {  	s30 =	simm.s32 @!p1 $0x2C00  }
0x26c: {  	[hbm4b:s1+s0] =	stream.indirect_vreg.scatter @!p1 [tilespmem:s30], [sflag:$0x3], $0x80, v0, vm0, $0xb8;
	[tilespmem:$0x14400] =	vst v63  }
0x26d: {  	s1 =	simm.s32 @!p1 $0x3400  }
0x26e: {  	[hbm4b:s5+s0] =	stream.indirect_vreg.scatter @!p1 [tilespmem:s1], [sflag:$0x3], $0x80, v0, vm0, $0xb8;
	[tilespmem:$0x14400] =	vst v63  }
0x26f: {  	s1 =	simm.s32 @!p1 $0x3C00  }
0x270: {  	[hbm4b:s25+s0] =	stream.indirect_vreg.scatter @!p1 [tilespmem:s1], [sflag:$0x3], $0x80, v0, vm0, $0xb8;
	[tilespmem:$0x14400] =	vst v63  }
0x271: {  	s0 =	simm.s32 @!p1 $0x3  }
0x272: {  	_ =	swait.ge @!p1 [sflag:s0], $0x4000  }
0x273: {  	[sflag:s0] =	ssyncset.done @!p1 $0x0  }
0x274: {  	s5 =	sor.u32 $0x180, s26;
	[sflag:s0] =	ssyncadd.s32 @!p1 $0xFFFFC000  }
0x275: {  	v0 =	vld [tilespmem:s5+$0x0];
	_ =	sdelay $0x4  }
0x276: {  	vm13 =	veq.s32 v0, $0x0  }
0x277: {  	v61 =	vmpcnt.ones.xlane vm13;
	_ =	sdelay $0x1  }
0x278: {  	(v2sf) =	vpush v61, $0x0;
	_ =	sdelay $0xe  }
0x279: {  	s25 =	spop (v2sf)  }
0x27a: {  	p1 =	slt.s32 s25, $0x1  }
0x27b: {  	vm0 =	veq.s32 @!p1 v0, $0x0  }
0x27c: {  	s0 =	sadd.s32 @!p1 s23, s4;
	v0 =	vmctz.xlane @!p1 vm0  }
0x27d: {  	v1 =	vlaneseq.u32 @!p1;
	s0 =	sadd.s32 @!p1 $0x10, s0  }
0x27e: {  	v2 =	vor.u32 @!p1 s0, v1;
	v0 =	vadd.s32 @!p1 s0, v0  }
0x27f: {  	v0 =	vsel @!p1 vm0, v2, v0  }
0x280: {  	v2 =	vshll.u32 @!p1 v0, $0x3  }
0x281: {  	v0 =	vand.u32 @!p1 $0x7, v0;
	v2 =	vand.u32 @!p1 $0xFFFFFFC0, v2  }
0x282: {  	v3 =	vshrl.u32 @!p1 v1, $0x3;
	v0 =	vor.u32 @!p1 v0, v2;
	v2 =	vand.u32 @!p1 $0x7, v1  }
0x283: {  	v3 =	vmul.u32 @!p1 $0x8, v3;
	v2 =	vperm.xlane @!p1 v0, v2;
	_ =	sdelay $0x1  }
0x284: {  	v2 =	vadd.s32 @!p1 v3, v2;
	_ =	sdelay $0x3  }
0x285: {  	s1 =	simm.s32 @!p1 $0x400;
	s0 =	simm.s32 @!p1 $0x0;
	vm0 =	vmmov @!p1 $0xffff  }
0x286: {  	v1 =	vor.u32 @!p1 $0x8, v1;
	[hbm4b:s16+s0] =	stream.indirect_vreg.scatter @!p1 [tilespmem:s1], [sflag:$0x3], $0x80, v2, vm0, $0xb8;
	[tilespmem:$0x14400] =	vst v63  }
0x287: {  	s5 =	simm.s32 @!p1 $0xC00;
	v0 =	vperm.xlane @!p1 v0, v1;
	s1 =	sadd.s32 @!p1 $0x100, s16  }
0x288: {  	[hbm4b:s1+s0] =	stream.indirect_vreg.scatter @!p1 [tilespmem:s5], [sflag:$0x3], $0x80, v2, vm0, $0xb8;
	[tilespmem:$0x14400] =	vst v63  }
0x289: {  	s25 =	simm.s32 @!p1 $0x1400;
	v0 =	vadd.s32 @!p1 v3, v0;
	s5 =	sadd.s32 @!p1 $0x200, s16  }
0x28a: {  	[hbm4b:s5+s0] =	stream.indirect_vreg.scatter @!p1 [tilespmem:s25], [sflag:$0x3], $0x80, v2, vm0, $0xb8;
	[tilespmem:$0x14400] =	vst v63  }
0x28b: {  	s26 =	simm.s32 @!p1 $0x1C00;
	s25 =	sadd.s32 @!p1 $0x300, s16  }
0x28c: {  	[hbm4b:s25+s0] =	stream.indirect_vreg.scatter @!p1 [tilespmem:s26], [sflag:$0x3], $0x80, v2, vm0, $0xb8;
	[tilespmem:$0x14400] =	vst v63  }
0x28d: {  	s26 =	simm.s32 @!p1 $0x2400  }
0x28e: {  	[hbm4b:s16+s0] =	stream.indirect_vreg.scatter @!p1 [tilespmem:s26], [sflag:$0x3], $0x80, v0, vm0, $0xb8;
	[tilespmem:$0x14400] =	vst v63  }
0x28f: {  	s26 =	simm.s32 @!p1 $0x2C00  }
0x290: {  	[hbm4b:s1+s0] =	stream.indirect_vreg.scatter @!p1 [tilespmem:s26], [sflag:$0x3], $0x80, v0, vm0, $0xb8;
	[tilespmem:$0x14400] =	vst v63  }
0x291: {  	s1 =	simm.s32 @!p1 $0x3400  }
0x292: {  	[hbm4b:s5+s0] =	stream.indirect_vreg.scatter @!p1 [tilespmem:s1], [sflag:$0x3], $0x80, v0, vm0, $0xb8;
	[tilespmem:$0x14400] =	vst v63  }
0x293: {  	s1 =	simm.s32 @!p1 $0x3C00  }
0x294: {  	[hbm4b:s25+s0] =	stream.indirect_vreg.scatter @!p1 [tilespmem:s1], [sflag:$0x3], $0x80, v0, vm0, $0xb8;
	[tilespmem:$0x14400] =	vst v63  }
0x295: {  	s0 =	simm.s32 @!p1 $0x3  }
0x296: {  	_ =	swait.ge @!p1 [sflag:s0], $0x4000  }
0x297: {  	[sflag:s0] =	ssyncset.done @!p1 $0x0  }
0x298: {  	s26 =	sor.u32 $0x180, s28;
	[sflag:s0] =	ssyncadd.s32 @!p1 $0xFFFFC000  }
0x299: {  	v0 =	vld [tilespmem:s26+$0x0];
	_ =	sdelay $0x4  }
0x29a: {  	vm14 =	veq.s32 v0, $0x0  }
0x29b: {  	v62 =	vmpcnt.ones.xlane vm14;
	_ =	sdelay $0x1  }
0x29c: {  	(v2sf) =	vpush v62, $0x0;
	_ =	sdelay $0xe  }
0x29d: {  	s28 =	spop (v2sf)  }
0x29e: {  	p1 =	slt.s32 s28, $0x1  }
0x29f: {  	vm0 =	veq.s32 @!p1 v0, $0x0  }
0x2a0: {  	s0 =	sadd.s32 @!p1 s23, s4;
	v0 =	vmctz.xlane @!p1 vm0  }
0x2a1: {  	v1 =	vlaneseq.u32 @!p1;
	s0 =	sadd.s32 @!p1 $0x20, s0  }
0x2a2: {  	v2 =	vor.u32 @!p1 s0, v1;
	v0 =	vadd.s32 @!p1 s0, v0  }
0x2a3: {  	v0 =	vsel @!p1 vm0, v2, v0  }
0x2a4: {  	v2 =	vshll.u32 @!p1 v0, $0x3  }
0x2a5: {  	v0 =	vand.u32 @!p1 $0x7, v0;
	v2 =	vand.u32 @!p1 $0xFFFFFFC0, v2  }
0x2a6: {  	v3 =	vshrl.u32 @!p1 v1, $0x3;
	v0 =	vor.u32 @!p1 v0, v2;
	v2 =	vand.u32 @!p1 $0x7, v1  }
0x2a7: {  	v3 =	vmul.u32 @!p1 $0x8, v3;
	v2 =	vperm.xlane @!p1 v0, v2;
	_ =	sdelay $0x1  }
0x2a8: {  	v2 =	vadd.s32 @!p1 v3, v2;
	_ =	sdelay $0x3  }
0x2a9: {  	s1 =	simm.s32 @!p1 $0x400;
	s0 =	simm.s32 @!p1 $0x0;
	vm0 =	vmmov @!p1 $0xffff  }
0x2aa: {  	v1 =	vor.u32 @!p1 $0x8, v1;
	[hbm4b:s16+s0] =	stream.indirect_vreg.scatter @!p1 [tilespmem:s1], [sflag:$0x3], $0x80, v2, vm0, $0xb8;
	[tilespmem:$0x14400] =	vst v63  }
0x2ab: {  	s5 =	simm.s32 @!p1 $0xC00;
	v0 =	vperm.xlane @!p1 v0, v1;
	s1 =	sadd.s32 @!p1 $0x100, s16  }
0x2ac: {  	[hbm4b:s1+s0] =	stream.indirect_vreg.scatter @!p1 [tilespmem:s5], [sflag:$0x3], $0x80, v2, vm0, $0xb8;
	[tilespmem:$0x14400] =	vst v63  }
0x2ad: {  	s25 =	simm.s32 @!p1 $0x1400;
	v0 =	vadd.s32 @!p1 v3, v0;
	s5 =	sadd.s32 @!p1 $0x200, s16  }
0x2ae: {  	[hbm4b:s5+s0] =	stream.indirect_vreg.scatter @!p1 [tilespmem:s25], [sflag:$0x3], $0x80, v2, vm0, $0xb8;
	[tilespmem:$0x14400] =	vst v63  }
0x2af: {  	s26 =	simm.s32 @!p1 $0x1C00;
	s25 =	sadd.s32 @!p1 $0x300, s16  }
0x2b0: {  	[hbm4b:s25+s0] =	stream.indirect_vreg.scatter @!p1 [tilespmem:s26], [sflag:$0x3], $0x80, v2, vm0, $0xb8;
	[tilespmem:$0x14400] =	vst v63  }
0x2b1: {  	s26 =	simm.s32 @!p1 $0x2400  }
0x2b2: {  	[hbm4b:s16+s0] =	stream.indirect_vreg.scatter @!p1 [tilespmem:s26], [sflag:$0x3], $0x80, v0, vm0, $0xb8;
	[tilespmem:$0x14400] =	vst v63  }
0x2b3: {  	s26 =	simm.s32 @!p1 $0x2C00  }
0x2b4: {  	[hbm4b:s1+s0] =	stream.indirect_vreg.scatter @!p1 [tilespmem:s26], [sflag:$0x3], $0x80, v0, vm0, $0xb8;
	[tilespmem:$0x14400] =	vst v63  }
0x2b5: {  	s1 =	simm.s32 @!p1 $0x3400  }
0x2b6: {  	[hbm4b:s5+s0] =	stream.indirect_vreg.scatter @!p1 [tilespmem:s1], [sflag:$0x3], $0x80, v0, vm0, $0xb8;
	[tilespmem:$0x14400] =	vst v63  }
0x2b7: {  	s1 =	simm.s32 @!p1 $0x3C00  }
0x2b8: {  	[hbm4b:s25+s0] =	stream.indirect_vreg.scatter @!p1 [tilespmem:s1], [sflag:$0x3], $0x80, v0, vm0, $0xb8;
	[tilespmem:$0x14400] =	vst v63  }
0x2b9: {  	s0 =	simm.s32 @!p1 $0x3  }
0x2ba: {  	_ =	swait.ge @!p1 [sflag:s0], $0x4000  }
0x2bb: {  	[sflag:s0] =	ssyncset.done @!p1 $0x0  }
0x2bc: {  	s30 =	sor.u32 $0x180, s29;
	[sflag:s0] =	ssyncadd.s32 @!p1 $0xFFFFC000  }
0x2bd: {  	v0 =	vld [tilespmem:s30+$0x0];
	_ =	sdelay $0x4  }
0x2be: {  	vm15 =	veq.s32 v0, $0x0  }
0x2bf: {  	v63 =	vmpcnt.ones.xlane vm15;
	_ =	sdelay $0x1  }
0x2c0: {  	(v2sf) =	vpush v63, $0x0;
	_ =	sdelay $0xe  }
0x2c1: {  	s31 =	spop (v2sf)  }
0x2c2: {  	p1 =	slt.s32 s31, $0x1  }
0x2c3: {  	vm0 =	veq.s32 @!p1 v0, $0x0  }
0x2c4: {  	s0 =	sadd.s32 @!p1 s23, s4;
	v0 =	vmctz.xlane @!p1 vm0  }
0x2c5: {  	v1 =	vlaneseq.u32 @!p1;
	s0 =	sadd.s32 @!p1 $0x30, s0  }
0x2c6: {  	v2 =	vor.u32 @!p1 s0, v1;
	v0 =	vadd.s32 @!p1 s0, v0  }
0x2c7: {  	v0 =	vsel @!p1 vm0, v2, v0  }
0x2c8: {  	v2 =	vshll.u32 @!p1 v0, $0x3  }
0x2c9: {  	v0 =	vand.u32 @!p1 $0x7, v0;
	v2 =	vand.u32 @!p1 $0xFFFFFFC0, v2  }
0x2ca: {  	v3 =	vshrl.u32 @!p1 v1, $0x3;
	v0 =	vor.u32 @!p1 v0, v2;
	v2 =	vand.u32 @!p1 $0x7, v1  }
0x2cb: {  	v3 =	vmul.u32 @!p1 $0x8, v3;
	v2 =	vperm.xlane @!p1 v0, v2;
	_ =	sdelay $0x1  }
0x2cc: {  	v2 =	vadd.s32 @!p1 v3, v2;
	_ =	sdelay $0x3  }
0x2cd: {  	s1 =	simm.s32 @!p1 $0x400;
	s0 =	simm.s32 @!p1 $0x0;
	vm0 =	vmmov @!p1 $0xffff  }
0x2ce: {  	v1 =	vor.u32 @!p1 $0x8, v1;
	[hbm4b:s16+s0] =	stream.indirect_vreg.scatter @!p1 [tilespmem:s1], [sflag:$0x3], $0x80, v2, vm0, $0xb8;
	[tilespmem:$0x14400] =	vst v63  }
0x2cf: {  	s5 =	simm.s32 @!p1 $0xC00;
	v0 =	vperm.xlane @!p1 v0, v1;
	s1 =	sadd.s32 @!p1 $0x100, s16  }
0x2d0: {  	[hbm4b:s1+s0] =	stream.indirect_vreg.scatter @!p1 [tilespmem:s5], [sflag:$0x3], $0x80, v2, vm0, $0xb8;
	[tilespmem:$0x14400] =	vst v63  }
0x2d1: {  	s25 =	simm.s32 @!p1 $0x1400;
	v0 =	vadd.s32 @!p1 v3, v0;
	s5 =	sadd.s32 @!p1 $0x200, s16  }
0x2d2: {  	[hbm4b:s5+s0] =	stream.indirect_vreg.scatter @!p1 [tilespmem:s25], [sflag:$0x3], $0x80, v2, vm0, $0xb8;
	[tilespmem:$0x14400] =	vst v63  }
0x2d3: {  	s26 =	simm.s32 @!p1 $0x1C00;
	s25 =	sadd.s32 @!p1 $0x300, s16  }
0x2d4: {  	[hbm4b:s25+s0] =	stream.indirect_vreg.scatter @!p1 [tilespmem:s26], [sflag:$0x3], $0x80, v2, vm0, $0xb8;
	[tilespmem:$0x14400] =	vst v63  }
0x2d5: {  	s26 =	simm.s32 @!p1 $0x2400  }
0x2d6: {  	[hbm4b:s16+s0] =	stream.indirect_vreg.scatter @!p1 [tilespmem:s26], [sflag:$0x3], $0x80, v0, vm0, $0xb8;
	[tilespmem:$0x14400] =	vst v63  }
0x2d7: {  	s26 =	simm.s32 @!p1 $0x2C00  }
0x2d8: {  	[hbm4b:s1+s0] =	stream.indirect_vreg.scatter @!p1 [tilespmem:s26], [sflag:$0x3], $0x80, v0, vm0, $0xb8;
	[tilespmem:$0x14400] =	vst v63  }
0x2d9: {  	s24 =	sadd.s32 $0x100, s24;
	s1 =	simm.s32 @!p1 $0x3400  }
0x2da: {  	[hbm4b:s5+s0] =	stream.indirect_vreg.scatter @!p1 [tilespmem:s1], [sflag:$0x3], $0x80, v0, vm0, $0xb8;
	[tilespmem:$0x14400] =	vst v63  }
0x2db: {  	p2 =	sne.s32 s24, $0x400;
	s1 =	simm.s32 @!p1 $0x3C00  }
0x2dc: {  	[hbm4b:s25+s0] =	stream.indirect_vreg.scatter @!p1 [tilespmem:s1], [sflag:$0x3], $0x80, v0, vm0, $0xb8;
	[tilespmem:$0x14400] =	vst v63  }
.Ltmp0:
0x2dd: {  	_ = 	snop;
	(pc) =	sbr.rel @p2 .LBB2_2-.Ltmp0, $4  }
0x2de: {  	s0 =	simm.s32 @!p1 $0x3  }
0x2df: {  	_ =	swait.ge @!p1 [sflag:s0], $0x4000  }
0x2e0: {  	[sflag:s0] =	ssyncset.done @!p1 $0x0  }
0x2e1: {  	p0 =	por !p0, !p0;
	s23 =	sadd.s32 $0x40, s23;
	[sflag:s0] =	ssyncadd.s32 @!p1 $0xFFFFC000  }
0x2e2: {  	s22 =	sadd.s32 $0x1, s22;
	s0 =	rddreg [dreg:$0x13]  }
0x2e3: {  	p0 =	sne.s32 s22, s0  }
.Ltmp1:
0x2e4: {  	_ = 	snop;
	(pc) =	sbr.rel @p0 .LBB2_1-.Ltmp1, $1  }
0x2e5: {  	_ =	sdelay $0x3  }
0x2e6: {  	_ =	sfence.sel $0x180000  }
0x2e7: {  	[bflag:$0x0] =	sbarrier.arrive $0xFFFF  }
0x2e8: {  	_ =	strace $0x90000047  }
0x2e9: {  	s0 =	stileid.u32;
	[bflag:$0x2] =	sbarrier.arrive $0xFFFF  }
0x2ea: {  	p0 =	sne.s32 s0, $0x0;
	s0 =	rddreg [dreg:$0x3]  }
0x2eb: {  	s0 =	sadd.s32 @!p0 $0x100000, s0  }
0x2ec: {  	[sflag:s0] =	ssyncadd.tile.s32 @!p0 $0x1;
	_ =	shalt  }
.Lfunc_end2:
_tile_overlayer_lowered:
.L_overlay_start_2:
0x2ed: {  	(tag) =	ssettag $0x2  }
0x2ee: {  	s0 =	rddreg [dreg:$0x0];
	s2 =	stileid.u32  }
0x2ef: {  	s1 =	rddreg [dreg:$0x1];
	p0 =	sne.s32 s2, $0x0  }
0x2f0: {  	s3 =	rddreg [dreg:$0x2];
	[bflag:$0x3] =	sbarrier.arrive $0xFFFF;
	s2 =	simm.s32 @!p0 $0x1C04  }
0x2f1: {  	[timem:s3], [sflag:s2] =	dma.local @!p0 [hbm:s0], s1  }
0x2f2: {  	s0 =	simm.s32 @!p0 $0x4  }
0x2f3: {  	_ =	swait.ge @!p0 [sflag:s0], s1  }
0x2f4: {  	s1 =	ssub.s32 @!p0 $0x0, s1;
	[sflag:s0] =	ssyncset.done @!p0 $0x0  }
0x2f5: {  	[sflag:s0] =	ssyncadd.s32 @!p0 s1  }
0x2f6: {  	[bflag:$0x3] =	sbarrier.arrive $0xFFFF  }
0x2f7: {  	_ =	shalt  }

</sc_bundles>
